<compile_context>
chip_gen: v7x
topology: tpu7x:2x2x1
jax: 0.10.2.dev20260603
libtpu: 0.0.44.dev20260713+nightly
codegen_flags: <defaults>
</compile_context>

<pallas_src>
import functools

import jax
import jax.numpy as jnp
from jax import lax
from jax.experimental import pallas as pl
from jax.experimental.pallas import tpu as pltpu
from jax.experimental.pallas import tpu_sc as plsc

_NC = 2
_NS = 16
_NW = _NC * _NS
_LANES = 16


@functools.lru_cache(maxsize=None)
def _build(n: int, cb: int):
    assert n % (_NW * cb) == 0
    pw = n // _NW
    ng = pw // cb
    mesh = plsc.VectorSubcoreMesh(core_axis_name="c", subcore_axis_name="s",
                                  num_cores=_NC, num_subcores=_NS)

    @functools.partial(
        pl.kernel,
        out_type=jax.ShapeDtypeStruct((3 * n,), jnp.float32),
        mesh=mesh,
        scratch_types=[
            pltpu.VMEM((48,), jnp.float32),
            pltpu.VMEM((32,), jnp.float32),
            pltpu.VMEM((384,), jnp.float32),
            pltpu.VMEM((cb,), jnp.int32),
            pltpu.VMEM((cb,), jnp.int32),
            pltpu.VMEM((3 * cb,), jnp.float32),
            pltpu.VMEM((3 * cb,), jnp.float32),
            pltpu.SemaphoreType.DMA,
            pltpu.SemaphoreType.DMA,
            pltpu.SemaphoreType.DMA,
            pltpu.SemaphoreType.DMA,
        ],
        compiler_params=pltpu.CompilerParams(
            needs_layout_passes=False,
            disable_bounds_checks=True,
            disable_semaphore_checks=True),
    )
    def emb_linear_sc(x_hbm, p_hbm, out_hbm, p_v, ft_v, tbl,
                      xb0, xb1, ob0, ob1, si0, si1, so0, so1):
        wid = lax.axis_index("s") * _NC + lax.axis_index("c")
        base = wid * pw
        lane = jnp.arange(_LANES, dtype=jnp.int32)

        xbufs, obufs = (xb0, xb1), (ob0, ob1)
        sins, souts = (si0, si1), (so0, so1)
        in_d, out_d = {}, {}

        def start_in(g):
            d = pltpu.make_async_copy(
                x_hbm.at[pl.ds(base + g * cb, cb)], xbufs[g % 2], sins[g % 2])
            d.start()
            in_d[g] = d

        start_in(0)
        start_in(1)

        pltpu.sync_copy(p_hbm, p_v)

        def ft_half(e0):
            e = lane + e0
            k = jnp.minimum(e // 3, 7)
            c = e % 3
            acc = plsc.load_gather(p_v, [44 + c])
            for d in range(4):
                acc = acc + (plsc.load_gather(p_v, [k * 4 + d])
                             * plsc.load_gather(p_v, [32 + c * 4 + d]))
            return acc

        ftv0 = ft_half(0)
        ftv1 = ft_half(_LANES)
        ft_v[pl.ds(0, _LANES)] = ftv0
        ft_v[pl.ds(_LANES, _LANES)] = ftv1

        for r in range(_LANES):
            plsc.store_scatter(tbl, [lane * _LANES + r], ftv0)
            plsc.store_scatter(tbl, [(_LANES + lane) * _LANES + r], ftv1,
                               mask=lane < 8)

        def process(g):
            xb, ob = xbufs[g % 2], obufs[g % 2]

            @plsc.parallel_loop(0, cb // _LANES, 1, unroll=8)
            def _(i):
                xv = xb[pl.ds(i * _LANES, _LANES)]
                idx = xv * (3 * _LANES) + lane
                for c in range(3):
                    ob[pl.ds(c * cb + i * _LANES, _LANES)] = (
                        plsc.load_gather(tbl, [idx + c * _LANES]))

            ds = []
            for c in range(3):
                d = pltpu.make_async_copy(
                    ob.at[pl.ds(c * cb, cb)],
                    out_hbm.at[pl.ds(c * n + base + g * cb, cb)],
                    souts[g % 2])
                d.start()
                ds.append(d)
            out_d[g] = ds

        for g in range(ng):
            in_d[g].wait()
            if g >= 2:
                for d in out_d[g - 2]:
                    d.wait()
            process(g)
            if g + 2 < ng:
                start_in(g + 2)
        for g in (ng - 2, ng - 1):
            for d in out_d[g]:
                d.wait()

    return emb_linear_sc


def kernel(x, emb, W, b):
    bsz, seq = x.shape
    n = bsz * seq
    it, im = bsz // 128, 128
    jt, js = seq // 8, 8
    xp = (x.reshape(it, im, jt, js)
           .transpose(2, 0, 3, 1)
           .reshape(-1))
    params = jnp.concatenate(
        [emb.reshape(-1), W.reshape(-1), b.reshape(-1),
         jnp.zeros((1,), jnp.float32)])
    op = _build(n, 12800)(xp, params)
    out = (op.reshape(3, jt, it, js, im)
             .transpose(2, 4, 1, 3, 0)
             .reshape(bsz, seq, 3))
    return out

# --- scband reference (transcript-rebuilt; emitter-appended) ---
"""Pipeline reference for scband-embedding-linear-72997264162897 (READ-ONLY COPY).

The authoritative reference and input builder live on the scoring server;
editing this copy changes nothing except your own understanding.
"""

import jax, jax.numpy as jnp
import numpy as np


def setup_inputs(seed: int = 0) -> dict:
    key = jax.random.key(seed)
    k1, k2, k3, k4 = jax.random.split(key, 4)
    # indices: int32 used for portability (jax default x64 disabled); values in [0, 8)
    x = jax.random.randint(k1, (16384, 200), 0, 8, dtype=jnp.int32)
    # learned params matching nn.Embedding(8, 4) and nn.Linear(4, 3)
    emb = jax.random.normal(k2, (8, 4), dtype=jnp.float32)
    W = jax.random.normal(k3, (3, 4), dtype=jnp.float32) * 0.5
    b = jax.random.normal(k4, (3,), dtype=jnp.float32) * 0.1
    return {"x": x, "emb": emb, "W": W, "b": b}


def reference(x, emb, W, b):
    # nn.Embedding lookup -> gather rows of the table
    h = jnp.take(emb, x, axis=0)  # [B, L, 4]
    # nn.Linear: h @ W^T + b
    out = jnp.einsum('bld,od->blo', h, W) + b  # [B, L, 3]
    return out

if __name__ == "__main__":
    import jax
    _d = setup_inputs()
    print(jax.jit(kernel)(*tuple(_d.values())))

</pallas_src>

<mosaic_0001>
#map = affine_map<(d0, d1) -> (0)>
module attributes {stable_mosaic.version = 14 : i64} {
  func.func @emb_linear_sc(%arg0: i32, %arg1: i32, %arg2: memref<3276800xi32, #tpu.memory_space<hbm>>, %arg3: memref<48xf32, #tpu.memory_space<hbm>>, %arg4: memref<9830400xf32, #tpu.memory_space<hbm>>, %arg5: memref<48xf32, #tpu.memory_space<vmem>>, %arg6: memref<32xf32, #tpu.memory_space<vmem>>, %arg7: memref<384xf32, #tpu.memory_space<vmem>>, %arg8: memref<12800xi32, #tpu.memory_space<vmem>>, %arg9: memref<12800xi32, #tpu.memory_space<vmem>>, %arg10: memref<38400xf32, #tpu.memory_space<vmem>>, %arg11: memref<38400xf32, #tpu.memory_space<vmem>>, %arg12: memref<!tpu.dma_semaphore, #tpu.memory_space<semaphore_mem>>, %arg13: memref<!tpu.dma_semaphore, #tpu.memory_space<semaphore_mem>>, %arg14: memref<!tpu.dma_semaphore, #tpu.memory_space<semaphore_mem>>, %arg15: memref<!tpu.dma_semaphore, #tpu.memory_space<semaphore_mem>>) attributes {dimension_semantics = [#tpu.dimension_semantics<core_parallel>, #tpu.dimension_semantics<subcore_parallel>], iteration_bounds = array<i64: 2, 16>, scalar_prefetch = 0 : i64, scratch_operands = 11 : i64, tpu.core_type = #tpu.core_type<sc_vector_subcore>, window_params = [{transform_indices = #map}, {transform_indices = #map}, {transform_indices = #map}]} {
    %mul3A = arith.constant 2 : i32
    %mul3A_0 = arith.muli %arg1, %mul3A : i32
    %add3A = arith.addi %mul3A_0, %arg0 : i32
    %mul3A_1 = arith.constant 102400 : i32
    %mul3A_2 = arith.muli %add3A, %mul3A_1 : i32
    %iota3A = tpu.iota {dimensions = array<i32: 0>} : vector<16xi32>
    %add3A_3 = arith.constant 0 : i32
    %add3A_4 = arith.addi %mul3A_2, %add3A_3 : i32
    %dma_start3A = tpu.memref_slice %arg2[%add3A_4] : memref<3276800xi32, #tpu.memory_space<hbm>> -> memref<12800xi32, #tpu.memory_space<hbm>>
    %dma_start3A_5 = tpu.memref_slice %arg2[%add3A_4] : memref<3276800xi32, #tpu.memory_space<hbm>> -> memref<12800xi32, #tpu.memory_space<hbm>>
    tpu.enqueue_dma source(%dma_start3A_5 : memref<12800xi32, #tpu.memory_space<hbm>>) target(%arg8 : memref<12800xi32, #tpu.memory_space<vmem>>) target_semaphore(%arg12 : memref<!tpu.dma_semaphore, #tpu.memory_space<semaphore_mem>>)
    %add3A_6 = arith.constant 12800 : i32
    %add3A_7 = arith.addi %mul3A_2, %add3A_6 : i32
    %dma_start3A_8 = tpu.memref_slice %arg2[%add3A_7] : memref<3276800xi32, #tpu.memory_space<hbm>> -> memref<12800xi32, #tpu.memory_space<hbm>>
    %dma_start3A_9 = tpu.memref_slice %arg2[%add3A_7] : memref<3276800xi32, #tpu.memory_space<hbm>> -> memref<12800xi32, #tpu.memory_space<hbm>>
    tpu.enqueue_dma source(%dma_start3A_9 : memref<12800xi32, #tpu.memory_space<hbm>>) target(%arg9 : memref<12800xi32, #tpu.memory_space<vmem>>) target_semaphore(%arg13 : memref<!tpu.dma_semaphore, #tpu.memory_space<semaphore_mem>>)
    "tpu.region"() ({
      %run_scoped3A = tpu.sem_alloc : memref<!tpu.dma_semaphore, #tpu.memory_space<semaphore_mem>>
      tpu.enqueue_dma source(%arg3 : memref<48xf32, #tpu.memory_space<hbm>>) target(%arg5 : memref<48xf32, #tpu.memory_space<vmem>>) target_semaphore(%run_scoped3A : memref<!tpu.dma_semaphore, #tpu.memory_space<semaphore_mem>>)
      tpu.wait_dma2 semaphore(%run_scoped3A : memref<!tpu.dma_semaphore, #tpu.memory_space<semaphore_mem>>) src(%arg3 : memref<48xf32, #tpu.memory_space<hbm>>) dst(%arg5 : memref<48xf32, #tpu.memory_space<vmem>>)
      tpu.yield
    }) : () -> ()
    %add3A_10 = arith.constant 0 : i32
    %add3A_11 = vector.broadcast %add3A_10 : i32 to vector<16xi32>
    %add3A_12 = arith.addi %iota3A, %add3A_11 : vector<16xi32>
    %jit3A = arith.constant 3 : i32
    %div3A = vector.broadcast %jit3A : i32 to vector<16xi32>
    %div3A_13 = arith.divsi %add3A_12, %div3A : vector<16xi32>
    %sign3A = arith.constant 0 : i32
    %sign3A_14 = vector.broadcast %sign3A : i32 to vector<16xi32>
    %sign3A_15 = arith.cmpi sgt, %add3A_12, %sign3A_14 : vector<16xi32>
    %sign3A_16 = arith.extui %sign3A_15 : vector<16xi1> to vector<16xi32>
    %sign3A_17 = arith.constant 0 : i32
    %sign3A_18 = vector.broadcast %sign3A_17 : i32 to vector<16xi32>
    %sign3A_19 = arith.cmpi slt, %add3A_12, %sign3A_18 : vector<16xi32>
    %sign3A_20 = arith.extui %sign3A_19 : vector<16xi1> to vector<16xi32>
    %sign3A_21 = arith.subi %sign3A_16, %sign3A_20 : vector<16xi32>
    %sign3A_22 = arith.constant 0 : i32
    %sign3A_23 = arith.cmpi sgt, %jit3A, %sign3A_22 : i32
    %sign3A_24 = arith.extui %sign3A_23 : i1 to i32
    %sign3A_25 = arith.constant 0 : i32
    %sign3A_26 = arith.cmpi slt, %jit3A, %sign3A_25 : i32
    %sign3A_27 = arith.extui %sign3A_26 : i1 to i32
    %sign3A_28 = arith.subi %sign3A_24, %sign3A_27 : i32
    %ne3A = vector.broadcast %sign3A_28 : i32 to vector<16xi32>
    %ne3A_29 = arith.cmpi ne, %sign3A_21, %ne3A : vector<16xi32>
    %rem3A = vector.broadcast %jit3A : i32 to vector<16xi32>
    %rem3A_30 = arith.remsi %add3A_12, %rem3A : vector<16xi32>
    %ne3A_31 = arith.constant 0 : i32
    %ne3A_32 = vector.broadcast %ne3A_31 : i32 to vector<16xi32>
    %ne3A_33 = arith.cmpi ne, %rem3A_30, %ne3A_32 : vector<16xi32>
    %and3A = arith.andi %ne3A_29, %ne3A_33 : vector<16xi1>
    %sub3A = arith.constant 1 : i32
    %sub3A_34 = vector.broadcast %sub3A : i32 to vector<16xi32>
    %sub3A_35 = arith.subi %div3A_13, %sub3A_34 : vector<16xi32>
    %select_n3A = arith.select %and3A, %sub3A_35, %div3A_13 : vector<16xi1>, vector<16xi32>
    %min3A = arith.constant 7 : i32
    %min3A_36 = vector.broadcast %min3A : i32 to vector<16xi32>
    %min3A_37 = arith.minsi %select_n3A, %min3A_36 : vector<16xi32>
    %jit3A_38 = arith.constant 3 : i32
    %eq3A = arith.constant 0 : i32
    %eq3A_39 = arith.cmpi eq, %jit3A_38, %eq3A : i32
    %jit3A_40 = arith.constant 1 : i32
    %select_n3A_41 = arith.select %eq3A_39, %jit3A_40, %jit3A_38 : i32
    %rem3A_42 = vector.broadcast %select_n3A_41 : i32 to vector<16xi32>
    %rem3A_43 = arith.remsi %add3A_12, %rem3A_42 : vector<16xi32>
    %ne3A_44 = arith.constant 0 : i32
    %ne3A_45 = vector.broadcast %ne3A_44 : i32 to vector<16xi32>
    %ne3A_46 = arith.cmpi ne, %rem3A_43, %ne3A_45 : vector<16xi32>
    %lt3A = arith.constant 0 : i32
    %lt3A_47 = vector.broadcast %lt3A : i32 to vector<16xi32>
    %lt3A_48 = arith.cmpi slt, %rem3A_43, %lt3A_47 : vector<16xi32>
    %lt3A_49 = arith.constant 0 : i32
    %lt3A_50 = arith.cmpi slt, %select_n3A_41, %lt3A_49 : i32
    %ne3A_51 = vector.broadcast %lt3A_50 : i1 to vector<16xi1>
    %ne3A_52 = vector.broadcast %ne3A_51 : vector<16xi1> to vector<16xi1>
    %ne3A_53 = arith.xori %lt3A_48, %ne3A_52 : vector<16xi1>
    %and3A_54 = arith.andi %ne3A_53, %ne3A_46 : vector<16xi1>
    %add3A_55 = vector.broadcast %select_n3A_41 : i32 to vector<16xi32>
    %add3A_56 = arith.addi %rem3A_43, %add3A_55 : vector<16xi32>
    %select_n3A_57 = arith.select %and3A_54, %add3A_56, %rem3A_43 : vector<16xi1>, vector<16xi32>
    %add3A_58 = arith.constant 44 : i32
    %add3A_59 = vector.broadcast %add3A_58 : i32 to vector<16xi32>
    %add3A_60 = arith.addi %add3A_59, %select_n3A_57 : vector<16xi32>
    %gather3A = tpu.vector_load_idx %arg5[%add3A_60] : memref<48xf32, #tpu.memory_space<vmem>>[vector<16xi32>], vector<16xf32>,
    %mul3A_61 = arith.constant 4 : i32
    %mul3A_62 = vector.broadcast %mul3A_61 : i32 to vector<16xi32>
    %mul3A_63 = arith.muli %min3A_37, %mul3A_62 : vector<16xi32>
    %add3A_64 = arith.constant 0 : i32
    %add3A_65 = vector.broadcast %add3A_64 : i32 to vector<16xi32>
    %add3A_66 = arith.addi %mul3A_63, %add3A_65 : vector<16xi32>
    %gather3A_67 = tpu.vector_load_idx %arg5[%add3A_66] : memref<48xf32, #tpu.memory_space<vmem>>[vector<16xi32>], vector<16xf32>,
    %mul3A_68 = arith.constant 4 : i32
    %mul3A_69 = vector.broadcast %mul3A_68 : i32 to vector<16xi32>
    %mul3A_70 = arith.muli %select_n3A_57, %mul3A_69 : vector<16xi32>
    %add3A_71 = arith.constant 32 : i32
    %add3A_72 = vector.broadcast %add3A_71 : i32 to vector<16xi32>
    %add3A_73 = arith.addi %add3A_72, %mul3A_70 : vector<16xi32>
    %add3A_74 = arith.constant 0 : i32
    %add3A_75 = vector.broadcast %add3A_74 : i32 to vector<16xi32>
    %add3A_76 = arith.addi %add3A_73, %add3A_75 : vector<16xi32>
    %gather3A_77 = tpu.vector_load_idx %arg5[%add3A_76] : memref<48xf32, #tpu.memory_space<vmem>>[vector<16xi32>], vector<16xf32>,
    %mul3A_78 = arith.mulf %gather3A_67, %gather3A_77 : vector<16xf32>
    %add3A_79 = arith.addf %gather3A, %mul3A_78 : vector<16xf32>
    %mul3A_80 = arith.constant 4 : i32
    %mul3A_81 = vector.broadcast %mul3A_80 : i32 to vector<16xi32>
    %mul3A_82 = arith.muli %min3A_37, %mul3A_81 : vector<16xi32>
    %add3A_83 = arith.constant 1 : i32
    %add3A_84 = vector.broadcast %add3A_83 : i32 to vector<16xi32>
    %add3A_85 = arith.addi %mul3A_82, %add3A_84 : vector<16xi32>
    %gather3A_86 = tpu.vector_load_idx %arg5[%add3A_85] : memref<48xf32, #tpu.memory_space<vmem>>[vector<16xi32>], vector<16xf32>,
    %mul3A_87 = arith.constant 4 : i32
    %mul3A_88 = vector.broadcast %mul3A_87 : i32 to vector<16xi32>
    %mul3A_89 = arith.muli %select_n3A_57, %mul3A_88 : vector<16xi32>
    %add3A_90 = arith.constant 32 : i32
    %add3A_91 = vector.broadcast %add3A_90 : i32 to vector<16xi32>
    %add3A_92 = arith.addi %add3A_91, %mul3A_89 : vector<16xi32>
    %add3A_93 = arith.constant 1 : i32
    %add3A_94 = vector.broadcast %add3A_93 : i32 to vector<16xi32>
    %add3A_95 = arith.addi %add3A_92, %add3A_94 : vector<16xi32>
    %gather3A_96 = tpu.vector_load_idx %arg5[%add3A_95] : memref<48xf32, #tpu.memory_space<vmem>>[vector<16xi32>], vector<16xf32>,
    %mul3A_97 = arith.mulf %gather3A_86, %gather3A_96 : vector<16xf32>
    %add3A_98 = arith.addf %add3A_79, %mul3A_97 : vector<16xf32>
    %mul3A_99 = arith.constant 4 : i32
    %mul3A_100 = vector.broadcast %mul3A_99 : i32 to vector<16xi32>
    %mul3A_101 = arith.muli %min3A_37, %mul3A_100 : vector<16xi32>
    %add3A_102 = arith.constant 2 : i32
    %add3A_103 = vector.broadcast %add3A_102 : i32 to vector<16xi32>
    %add3A_104 = arith.addi %mul3A_101, %add3A_103 : vector<16xi32>
    %gather3A_105 = tpu.vector_load_idx %arg5[%add3A_104] : memref<48xf32, #tpu.memory_space<vmem>>[vector<16xi32>], vector<16xf32>,
    %mul3A_106 = arith.constant 4 : i32
    %mul3A_107 = vector.broadcast %mul3A_106 : i32 to vector<16xi32>
    %mul3A_108 = arith.muli %select_n3A_57, %mul3A_107 : vector<16xi32>
    %add3A_109 = arith.constant 32 : i32
    %add3A_110 = vector.broadcast %add3A_109 : i32 to vector<16xi32>
    %add3A_111 = arith.addi %add3A_110, %mul3A_108 : vector<16xi32>
    %add3A_112 = arith.constant 2 : i32
    %add3A_113 = vector.broadcast %add3A_112 : i32 to vector<16xi32>
    %add3A_114 = arith.addi %add3A_111, %add3A_113 : vector<16xi32>
    %gather3A_115 = tpu.vector_load_idx %arg5[%add3A_114] : memref<48xf32, #tpu.memory_space<vmem>>[vector<16xi32>], vector<16xf32>,
    %mul3A_116 = arith.mulf %gather3A_105, %gather3A_115 : vector<16xf32>
    %add3A_117 = arith.addf %add3A_98, %mul3A_116 : vector<16xf32>
    %mul3A_118 = arith.constant 4 : i32
    %mul3A_119 = vector.broadcast %mul3A_118 : i32 to vector<16xi32>
    %mul3A_120 = arith.muli %min3A_37, %mul3A_119 : vector<16xi32>
    %add3A_121 = arith.constant 3 : i32
    %add3A_122 = vector.broadcast %add3A_121 : i32 to vector<16xi32>
    %add3A_123 = arith.addi %mul3A_120, %add3A_122 : vector<16xi32>
    %gather3A_124 = tpu.vector_load_idx %arg5[%add3A_123] : memref<48xf32, #tpu.memory_space<vmem>>[vector<16xi32>], vector<16xf32>,
    %mul3A_125 = arith.constant 4 : i32
    %mul3A_126 = vector.broadcast %mul3A_125 : i32 to vector<16xi32>
    %mul3A_127 = arith.muli %select_n3A_57, %mul3A_126 : vector<16xi32>
    %add3A_128 = arith.constant 32 : i32
    %add3A_129 = vector.broadcast %add3A_128 : i32 to vector<16xi32>
    %add3A_130 = arith.addi %add3A_129, %mul3A_127 : vector<16xi32>
    %add3A_131 = arith.constant 3 : i32
    %add3A_132 = vector.broadcast %add3A_131 : i32 to vector<16xi32>
    %add3A_133 = arith.addi %add3A_130, %add3A_132 : vector<16xi32>
    %gather3A_134 = tpu.vector_load_idx %arg5[%add3A_133] : memref<48xf32, #tpu.memory_space<vmem>>[vector<16xi32>], vector<16xf32>,
    %mul3A_135 = arith.mulf %gather3A_124, %gather3A_134 : vector<16xf32>
    %add3A_136 = arith.addf %add3A_117, %mul3A_135 : vector<16xf32>
    %add3A_137 = arith.constant 16 : i32
    %add3A_138 = vector.broadcast %add3A_137 : i32 to vector<16xi32>
    %add3A_139 = arith.addi %iota3A, %add3A_138 : vector<16xi32>
    %jit3A_140 = arith.constant 3 : i32
    %div3A_141 = vector.broadcast %jit3A_140 : i32 to vector<16xi32>
    %div3A_142 = arith.divsi %add3A_139, %div3A_141 : vector<16xi32>
    %sign3A_143 = arith.constant 0 : i32
    %sign3A_144 = vector.broadcast %sign3A_143 : i32 to vector<16xi32>
    %sign3A_145 = arith.cmpi sgt, %add3A_139, %sign3A_144 : vector<16xi32>
    %sign3A_146 = arith.extui %sign3A_145 : vector<16xi1> to vector<16xi32>
    %sign3A_147 = arith.constant 0 : i32
    %sign3A_148 = vector.broadcast %sign3A_147 : i32 to vector<16xi32>
    %sign3A_149 = arith.cmpi slt, %add3A_139, %sign3A_148 : vector<16xi32>
    %sign3A_150 = arith.extui %sign3A_149 : vector<16xi1> to vector<16xi32>
    %sign3A_151 = arith.subi %sign3A_146, %sign3A_150 : vector<16xi32>
    %sign3A_152 = arith.constant 0 : i32
    %sign3A_153 = arith.cmpi sgt, %jit3A_140, %sign3A_152 : i32
    %sign3A_154 = arith.extui %sign3A_153 : i1 to i32
    %sign3A_155 = arith.constant 0 : i32
    %sign3A_156 = arith.cmpi slt, %jit3A_140, %sign3A_155 : i32
    %sign3A_157 = arith.extui %sign3A_156 : i1 to i32
    %sign3A_158 = arith.subi %sign3A_154, %sign3A_157 : i32
    %ne3A_159 = vector.broadcast %sign3A_158 : i32 to vector<16xi32>
    %ne3A_160 = arith.cmpi ne, %sign3A_151, %ne3A_159 : vector<16xi32>
    %rem3A_161 = vector.broadcast %jit3A_140 : i32 to vector<16xi32>
    %rem3A_162 = arith.remsi %add3A_139, %rem3A_161 : vector<16xi32>
    %ne3A_163 = arith.constant 0 : i32
    %ne3A_164 = vector.broadcast %ne3A_163 : i32 to vector<16xi32>
    %ne3A_165 = arith.cmpi ne, %rem3A_162, %ne3A_164 : vector<16xi32>
    %and3A_166 = arith.andi %ne3A_160, %ne3A_165 : vector<16xi1>
    %sub3A_167 = arith.constant 1 : i32
    %sub3A_168 = vector.broadcast %sub3A_167 : i32 to vector<16xi32>
    %sub3A_169 = arith.subi %div3A_142, %sub3A_168 : vector<16xi32>
    %select_n3A_170 = arith.select %and3A_166, %sub3A_169, %div3A_142 : vector<16xi1>, vector<16xi32>
    %min3A_171 = arith.constant 7 : i32
    %min3A_172 = vector.broadcast %min3A_171 : i32 to vector<16xi32>
    %min3A_173 = arith.minsi %select_n3A_170, %min3A_172 : vector<16xi32>
    %jit3A_174 = arith.constant 3 : i32
    %eq3A_175 = arith.constant 0 : i32
    %eq3A_176 = arith.cmpi eq, %jit3A_174, %eq3A_175 : i32
    %jit3A_177 = arith.constant 1 : i32
    %select_n3A_178 = arith.select %eq3A_176, %jit3A_177, %jit3A_174 : i32
    %rem3A_179 = vector.broadcast %select_n3A_178 : i32 to vector<16xi32>
    %rem3A_180 = arith.remsi %add3A_139, %rem3A_179 : vector<16xi32>
    %ne3A_181 = arith.constant 0 : i32
    %ne3A_182 = vector.broadcast %ne3A_181 : i32 to vector<16xi32>
    %ne3A_183 = arith.cmpi ne, %rem3A_180, %ne3A_182 : vector<16xi32>
    %lt3A_184 = arith.constant 0 : i32
    %lt3A_185 = vector.broadcast %lt3A_184 : i32 to vector<16xi32>
    %lt3A_186 = arith.cmpi slt, %rem3A_180, %lt3A_185 : vector<16xi32>
    %lt3A_187 = arith.constant 0 : i32
    %lt3A_188 = arith.cmpi slt, %select_n3A_178, %lt3A_187 : i32
    %ne3A_189 = vector.broadcast %lt3A_188 : i1 to vector<16xi1>
    %ne3A_190 = vector.broadcast %ne3A_189 : vector<16xi1> to vector<16xi1>
    %ne3A_191 = arith.xori %lt3A_186, %ne3A_190 : vector<16xi1>
    %and3A_192 = arith.andi %ne3A_191, %ne3A_183 : vector<16xi1>
    %add3A_193 = vector.broadcast %select_n3A_178 : i32 to vector<16xi32>
    %add3A_194 = arith.addi %rem3A_180, %add3A_193 : vector<16xi32>
    %select_n3A_195 = arith.select %and3A_192, %add3A_194, %rem3A_180 : vector<16xi1>, vector<16xi32>
    %add3A_196 = arith.constant 44 : i32
    %add3A_197 = vector.broadcast %add3A_196 : i32 to vector<16xi32>
    %add3A_198 = arith.addi %add3A_197, %select_n3A_195 : vector<16xi32>
    %gather3A_199 = tpu.vector_load_idx %arg5[%add3A_198] : memref<48xf32, #tpu.memory_space<vmem>>[vector<16xi32>], vector<16xf32>,
    %mul3A_200 = arith.constant 4 : i32
    %mul3A_201 = vector.broadcast %mul3A_200 : i32 to vector<16xi32>
    %mul3A_202 = arith.muli %min3A_173, %mul3A_201 : vector<16xi32>
    %add3A_203 = arith.constant 0 : i32
    %add3A_204 = vector.broadcast %add3A_203 : i32 to vector<16xi32>
    %add3A_205 = arith.addi %mul3A_202, %add3A_204 : vector<16xi32>
    %gather3A_206 = tpu.vector_load_idx %arg5[%add3A_205] : memref<48xf32, #tpu.memory_space<vmem>>[vector<16xi32>], vector<16xf32>,
    %mul3A_207 = arith.constant 4 : i32
    %mul3A_208 = vector.broadcast %mul3A_207 : i32 to vector<16xi32>
    %mul3A_209 = arith.muli %select_n3A_195, %mul3A_208 : vector<16xi32>
    %add3A_210 = arith.constant 32 : i32
    %add3A_211 = vector.broadcast %add3A_210 : i32 to vector<16xi32>
    %add3A_212 = arith.addi %add3A_211, %mul3A_209 : vector<16xi32>
    %add3A_213 = arith.constant 0 : i32
    %add3A_214 = vector.broadcast %add3A_213 : i32 to vector<16xi32>
    %add3A_215 = arith.addi %add3A_212, %add3A_214 : vector<16xi32>
    %gather3A_216 = tpu.vector_load_idx %arg5[%add3A_215] : memref<48xf32, #tpu.memory_space<vmem>>[vector<16xi32>], vector<16xf32>,
    %mul3A_217 = arith.mulf %gather3A_206, %gather3A_216 : vector<16xf32>
    %add3A_218 = arith.addf %gather3A_199, %mul3A_217 : vector<16xf32>
    %mul3A_219 = arith.constant 4 : i32
    %mul3A_220 = vector.broadcast %mul3A_219 : i32 to vector<16xi32>
    %mul3A_221 = arith.muli %min3A_173, %mul3A_220 : vector<16xi32>
    %add3A_222 = arith.constant 1 : i32
    %add3A_223 = vector.broadcast %add3A_222 : i32 to vector<16xi32>
    %add3A_224 = arith.addi %mul3A_221, %add3A_223 : vector<16xi32>
    %gather3A_225 = tpu.vector_load_idx %arg5[%add3A_224] : memref<48xf32, #tpu.memory_space<vmem>>[vector<16xi32>], vector<16xf32>,
    %mul3A_226 = arith.constant 4 : i32
    %mul3A_227 = vector.broadcast %mul3A_226 : i32 to vector<16xi32>
    %mul3A_228 = arith.muli %select_n3A_195, %mul3A_227 : vector<16xi32>
    %add3A_229 = arith.constant 32 : i32
    %add3A_230 = vector.broadcast %add3A_229 : i32 to vector<16xi32>
    %add3A_231 = arith.addi %add3A_230, %mul3A_228 : vector<16xi32>
    %add3A_232 = arith.constant 1 : i32
    %add3A_233 = vector.broadcast %add3A_232 : i32 to vector<16xi32>
    %add3A_234 = arith.addi %add3A_231, %add3A_233 : vector<16xi32>
    %gather3A_235 = tpu.vector_load_idx %arg5[%add3A_234] : memref<48xf32, #tpu.memory_space<vmem>>[vector<16xi32>], vector<16xf32>,
    %mul3A_236 = arith.mulf %gather3A_225, %gather3A_235 : vector<16xf32>
    %add3A_237 = arith.addf %add3A_218, %mul3A_236 : vector<16xf32>
    %mul3A_238 = arith.constant 4 : i32
    %mul3A_239 = vector.broadcast %mul3A_238 : i32 to vector<16xi32>
    %mul3A_240 = arith.muli %min3A_173, %mul3A_239 : vector<16xi32>
    %add3A_241 = arith.constant 2 : i32
    %add3A_242 = vector.broadcast %add3A_241 : i32 to vector<16xi32>
    %add3A_243 = arith.addi %mul3A_240, %add3A_242 : vector<16xi32>
    %gather3A_244 = tpu.vector_load_idx %arg5[%add3A_243] : memref<48xf32, #tpu.memory_space<vmem>>[vector<16xi32>], vector<16xf32>,
    %mul3A_245 = arith.constant 4 : i32
    %mul3A_246 = vector.broadcast %mul3A_245 : i32 to vector<16xi32>
    %mul3A_247 = arith.muli %select_n3A_195, %mul3A_246 : vector<16xi32>
    %add3A_248 = arith.constant 32 : i32
    %add3A_249 = vector.broadcast %add3A_248 : i32 to vector<16xi32>
    %add3A_250 = arith.addi %add3A_249, %mul3A_247 : vector<16xi32>
    %add3A_251 = arith.constant 2 : i32
    %add3A_252 = vector.broadcast %add3A_251 : i32 to vector<16xi32>
    %add3A_253 = arith.addi %add3A_250, %add3A_252 : vector<16xi32>
    %gather3A_254 = tpu.vector_load_idx %arg5[%add3A_253] : memref<48xf32, #tpu.memory_space<vmem>>[vector<16xi32>], vector<16xf32>,
    %mul3A_255 = arith.mulf %gather3A_244, %gather3A_254 : vector<16xf32>
    %add3A_256 = arith.addf %add3A_237, %mul3A_255 : vector<16xf32>
    %mul3A_257 = arith.constant 4 : i32
    %mul3A_258 = vector.broadcast %mul3A_257 : i32 to vector<16xi32>
    %mul3A_259 = arith.muli %min3A_173, %mul3A_258 : vector<16xi32>
    %add3A_260 = arith.constant 3 : i32
    %add3A_261 = vector.broadcast %add3A_260 : i32 to vector<16xi32>
    %add3A_262 = arith.addi %mul3A_259, %add3A_261 : vector<16xi32>
    %gather3A_263 = tpu.vector_load_idx %arg5[%add3A_262] : memref<48xf32, #tpu.memory_space<vmem>>[vector<16xi32>], vector<16xf32>,
    %mul3A_264 = arith.constant 4 : i32
    %mul3A_265 = vector.broadcast %mul3A_264 : i32 to vector<16xi32>
    %mul3A_266 = arith.muli %select_n3A_195, %mul3A_265 : vector<16xi32>
    %add3A_267 = arith.constant 32 : i32
    %add3A_268 = vector.broadcast %add3A_267 : i32 to vector<16xi32>
    %add3A_269 = arith.addi %add3A_268, %mul3A_266 : vector<16xi32>
    %add3A_270 = arith.constant 3 : i32
    %add3A_271 = vector.broadcast %add3A_270 : i32 to vector<16xi32>
    %add3A_272 = arith.addi %add3A_269, %add3A_271 : vector<16xi32>
    %gather3A_273 = tpu.vector_load_idx %arg5[%add3A_272] : memref<48xf32, #tpu.memory_space<vmem>>[vector<16xi32>], vector<16xf32>,
    %mul3A_274 = arith.mulf %gather3A_263, %gather3A_273 : vector<16xf32>
    %add3A_275 = arith.addf %add3A_256, %mul3A_274 : vector<16xf32>
    %swap3A = arith.constant 0 : index
    %swap3A_276 = tpu.vector_load %arg6[%swap3A] {strides = array<i32>} : memref<32xf32, #tpu.memory_space<vmem>>, vector<16xf32>,
    tpu.vector_store %arg6[%swap3A], %add3A_136 {strides = array<i32>} : memref<32xf32, #tpu.memory_space<vmem>>, vector<16xf32>,
    %swap3A_277 = arith.constant 16 : index
    %swap3A_278 = tpu.vector_load %arg6[%swap3A_277] {strides = array<i32>} : memref<32xf32, #tpu.memory_space<vmem>>, vector<16xf32>,
    tpu.vector_store %arg6[%swap3A_277], %add3A_275 {strides = array<i32>} : memref<32xf32, #tpu.memory_space<vmem>>, vector<16xf32>,
    %mul3A_279 = arith.constant 16 : i32
    %mul3A_280 = vector.broadcast %mul3A_279 : i32 to vector<16xi32>
    %mul3A_281 = arith.muli %iota3A, %mul3A_280 : vector<16xi32>
    %add3A_282 = arith.constant 0 : i32
    %add3A_283 = vector.broadcast %add3A_282 : i32 to vector<16xi32>
    %add3A_284 = arith.addi %mul3A_281, %add3A_283 : vector<16xi32>
    tpu.vector_store_idx %arg7[%add3A_284], %add3A_136 : memref<384xf32, #tpu.memory_space<vmem>>[vector<16xi32>], vector<16xf32>,
    %add3A_285 = arith.constant 16 : i32
    %add3A_286 = vector.broadcast %add3A_285 : i32 to vector<16xi32>
    %add3A_287 = arith.addi %add3A_286, %iota3A : vector<16xi32>
    %mul3A_288 = arith.constant 16 : i32
    %mul3A_289 = vector.broadcast %mul3A_288 : i32 to vector<16xi32>
    %mul3A_290 = arith.muli %add3A_287, %mul3A_289 : vector<16xi32>
    %add3A_291 = arith.constant 0 : i32
    %add3A_292 = vector.broadcast %add3A_291 : i32 to vector<16xi32>
    %add3A_293 = arith.addi %mul3A_290, %add3A_292 : vector<16xi32>
    %lt3A_294 = arith.constant 8 : i32
    %lt3A_295 = vector.broadcast %lt3A_294 : i32 to vector<16xi32>
    %lt3A_296 = arith.cmpi slt, %iota3A, %lt3A_295 : vector<16xi32>
    tpu.vector_store_idx %arg7[%add3A_293], %add3A_275 masked %lt3A_296 : memref<384xf32, #tpu.memory_space<vmem>>[vector<16xi32>], vector<16xf32>, vector<16xi1>
    %mul3A_297 = arith.constant 16 : i32
    %mul3A_298 = vector.broadcast %mul3A_297 : i32 to vector<16xi32>
    %mul3A_299 = arith.muli %iota3A, %mul3A_298 : vector<16xi32>
    %add3A_300 = arith.constant 1 : i32
    %add3A_301 = vector.broadcast %add3A_300 : i32 to vector<16xi32>
    %add3A_302 = arith.addi %mul3A_299, %add3A_301 : vector<16xi32>
    tpu.vector_store_idx %arg7[%add3A_302], %add3A_136 : memref<384xf32, #tpu.memory_space<vmem>>[vector<16xi32>], vector<16xf32>,
    %add3A_303 = arith.constant 16 : i32
    %add3A_304 = vector.broadcast %add3A_303 : i32 to vector<16xi32>
    %add3A_305 = arith.addi %add3A_304, %iota3A : vector<16xi32>
    %mul3A_306 = arith.constant 16 : i32
    %mul3A_307 = vector.broadcast %mul3A_306 : i32 to vector<16xi32>
    %mul3A_308 = arith.muli %add3A_305, %mul3A_307 : vector<16xi32>
    %add3A_309 = arith.constant 1 : i32
    %add3A_310 = vector.broadcast %add3A_309 : i32 to vector<16xi32>
    %add3A_311 = arith.addi %mul3A_308, %add3A_310 : vector<16xi32>
    %lt3A_312 = arith.constant 8 : i32
    %lt3A_313 = vector.broadcast %lt3A_312 : i32 to vector<16xi32>
    %lt3A_314 = arith.cmpi slt, %iota3A, %lt3A_313 : vector<16xi32>
    tpu.vector_store_idx %arg7[%add3A_311], %add3A_275 masked %lt3A_314 : memref<384xf32, #tpu.memory_space<vmem>>[vector<16xi32>], vector<16xf32>, vector<16xi1>
    %mul3A_315 = arith.constant 16 : i32
    %mul3A_316 = vector.broadcast %mul3A_315 : i32 to vector<16xi32>
    %mul3A_317 = arith.muli %iota3A, %mul3A_316 : vector<16xi32>
    %add3A_318 = arith.constant 2 : i32
    %add3A_319 = vector.broadcast %add3A_318 : i32 to vector<16xi32>
    %add3A_320 = arith.addi %mul3A_317, %add3A_319 : vector<16xi32>
    tpu.vector_store_idx %arg7[%add3A_320], %add3A_136 : memref<384xf32, #tpu.memory_space<vmem>>[vector<16xi32>], vector<16xf32>,
    %add3A_321 = arith.constant 16 : i32
    %add3A_322 = vector.broadcast %add3A_321 : i32 to vector<16xi32>
    %add3A_323 = arith.addi %add3A_322, %iota3A : vector<16xi32>
    %mul3A_324 = arith.constant 16 : i32
    %mul3A_325 = vector.broadcast %mul3A_324 : i32 to vector<16xi32>
    %mul3A_326 = arith.muli %add3A_323, %mul3A_325 : vector<16xi32>
    %add3A_327 = arith.constant 2 : i32
    %add3A_328 = vector.broadcast %add3A_327 : i32 to vector<16xi32>
    %add3A_329 = arith.addi %mul3A_326, %add3A_328 : vector<16xi32>
    %lt3A_330 = arith.constant 8 : i32
    %lt3A_331 = vector.broadcast %lt3A_330 : i32 to vector<16xi32>
    %lt3A_332 = arith.cmpi slt, %iota3A, %lt3A_331 : vector<16xi32>
    tpu.vector_store_idx %arg7[%add3A_329], %add3A_275 masked %lt3A_332 : memref<384xf32, #tpu.memory_space<vmem>>[vector<16xi32>], vector<16xf32>, vector<16xi1>
    %mul3A_333 = arith.constant 16 : i32
    %mul3A_334 = vector.broadcast %mul3A_333 : i32 to vector<16xi32>
    %mul3A_335 = arith.muli %iota3A, %mul3A_334 : vector<16xi32>
    %add3A_336 = arith.constant 3 : i32
    %add3A_337 = vector.broadcast %add3A_336 : i32 to vector<16xi32>
    %add3A_338 = arith.addi %mul3A_335, %add3A_337 : vector<16xi32>
    tpu.vector_store_idx %arg7[%add3A_338], %add3A_136 : memref<384xf32, #tpu.memory_space<vmem>>[vector<16xi32>], vector<16xf32>,
    %add3A_339 = arith.constant 16 : i32
    %add3A_340 = vector.broadcast %add3A_339 : i32 to vector<16xi32>
    %add3A_341 = arith.addi %add3A_340, %iota3A : vector<16xi32>
    %mul3A_342 = arith.constant 16 : i32
    %mul3A_343 = vector.broadcast %mul3A_342 : i32 to vector<16xi32>
    %mul3A_344 = arith.muli %add3A_341, %mul3A_343 : vector<16xi32>
    %add3A_345 = arith.constant 3 : i32
    %add3A_346 = vector.broadcast %add3A_345 : i32 to vector<16xi32>
    %add3A_347 = arith.addi %mul3A_344, %add3A_346 : vector<16xi32>
    %lt3A_348 = arith.constant 8 : i32
    %lt3A_349 = vector.broadcast %lt3A_348 : i32 to vector<16xi32>
    %lt3A_350 = arith.cmpi slt, %iota3A, %lt3A_349 : vector<16xi32>
    tpu.vector_store_idx %arg7[%add3A_347], %add3A_275 masked %lt3A_350 : memref<384xf32, #tpu.memory_space<vmem>>[vector<16xi32>], vector<16xf32>, vector<16xi1>
    %mul3A_351 = arith.constant 16 : i32
    %mul3A_352 = vector.broadcast %mul3A_351 : i32 to vector<16xi32>
    %mul3A_353 = arith.muli %iota3A, %mul3A_352 : vector<16xi32>
    %add3A_354 = arith.constant 4 : i32
    %add3A_355 = vector.broadcast %add3A_354 : i32 to vector<16xi32>
    %add3A_356 = arith.addi %mul3A_353, %add3A_355 : vector<16xi32>
    tpu.vector_store_idx %arg7[%add3A_356], %add3A_136 : memref<384xf32, #tpu.memory_space<vmem>>[vector<16xi32>], vector<16xf32>,
    %add3A_357 = arith.constant 16 : i32
    %add3A_358 = vector.broadcast %add3A_357 : i32 to vector<16xi32>
    %add3A_359 = arith.addi %add3A_358, %iota3A : vector<16xi32>
    %mul3A_360 = arith.constant 16 : i32
    %mul3A_361 = vector.broadcast %mul3A_360 : i32 to vector<16xi32>
    %mul3A_362 = arith.muli %add3A_359, %mul3A_361 : vector<16xi32>
    %add3A_363 = arith.constant 4 : i32
    %add3A_364 = vector.broadcast %add3A_363 : i32 to vector<16xi32>
    %add3A_365 = arith.addi %mul3A_362, %add3A_364 : vector<16xi32>
    %lt3A_366 = arith.constant 8 : i32
    %lt3A_367 = vector.broadcast %lt3A_366 : i32 to vector<16xi32>
    %lt3A_368 = arith.cmpi slt, %iota3A, %lt3A_367 : vector<16xi32>
    tpu.vector_store_idx %arg7[%add3A_365], %add3A_275 masked %lt3A_368 : memref<384xf32, #tpu.memory_space<vmem>>[vector<16xi32>], vector<16xf32>, vector<16xi1>
    %mul3A_369 = arith.constant 16 : i32
    %mul3A_370 = vector.broadcast %mul3A_369 : i32 to vector<16xi32>
    %mul3A_371 = arith.muli %iota3A, %mul3A_370 : vector<16xi32>
    %add3A_372 = arith.constant 5 : i32
    %add3A_373 = vector.broadcast %add3A_372 : i32 to vector<16xi32>
    %add3A_374 = arith.addi %mul3A_371, %add3A_373 : vector<16xi32>
    tpu.vector_store_idx %arg7[%add3A_374], %add3A_136 : memref<384xf32, #tpu.memory_space<vmem>>[vector<16xi32>], vector<16xf32>,
    %add3A_375 = arith.constant 16 : i32
    %add3A_376 = vector.broadcast %add3A_375 : i32 to vector<16xi32>
    %add3A_377 = arith.addi %add3A_376, %iota3A : vector<16xi32>
    %mul3A_378 = arith.constant 16 : i32
    %mul3A_379 = vector.broadcast %mul3A_378 : i32 to vector<16xi32>
    %mul3A_380 = arith.muli %add3A_377, %mul3A_379 : vector<16xi32>
    %add3A_381 = arith.constant 5 : i32
    %add3A_382 = vector.broadcast %add3A_381 : i32 to vector<16xi32>
    %add3A_383 = arith.addi %mul3A_380, %add3A_382 : vector<16xi32>
    %lt3A_384 = arith.constant 8 : i32
    %lt3A_385 = vector.broadcast %lt3A_384 : i32 to vector<16xi32>
    %lt3A_386 = arith.cmpi slt, %iota3A, %lt3A_385 : vector<16xi32>
    tpu.vector_store_idx %arg7[%add3A_383], %add3A_275 masked %lt3A_386 : memref<384xf32, #tpu.memory_space<vmem>>[vector<16xi32>], vector<16xf32>, vector<16xi1>
    %mul3A_387 = arith.constant 16 : i32
    %mul3A_388 = vector.broadcast %mul3A_387 : i32 to vector<16xi32>
    %mul3A_389 = arith.muli %iota3A, %mul3A_388 : vector<16xi32>
    %add3A_390 = arith.constant 6 : i32
    %add3A_391 = vector.broadcast %add3A_390 : i32 to vector<16xi32>
    %add3A_392 = arith.addi %mul3A_389, %add3A_391 : vector<16xi32>
    tpu.vector_store_idx %arg7[%add3A_392], %add3A_136 : memref<384xf32, #tpu.memory_space<vmem>>[vector<16xi32>], vector<16xf32>,
    %add3A_393 = arith.constant 16 : i32
    %add3A_394 = vector.broadcast %add3A_393 : i32 to vector<16xi32>
    %add3A_395 = arith.addi %add3A_394, %iota3A : vector<16xi32>
    %mul3A_396 = arith.constant 16 : i32
    %mul3A_397 = vector.broadcast %mul3A_396 : i32 to vector<16xi32>
    %mul3A_398 = arith.muli %add3A_395, %mul3A_397 : vector<16xi32>
    %add3A_399 = arith.constant 6 : i32
    %add3A_400 = vector.broadcast %add3A_399 : i32 to vector<16xi32>
    %add3A_401 = arith.addi %mul3A_398, %add3A_400 : vector<16xi32>
    %lt3A_402 = arith.constant 8 : i32
    %lt3A_403 = vector.broadcast %lt3A_402 : i32 to vector<16xi32>
    %lt3A_404 = arith.cmpi slt, %iota3A, %lt3A_403 : vector<16xi32>
    tpu.vector_store_idx %arg7[%add3A_401], %add3A_275 masked %lt3A_404 : memref<384xf32, #tpu.memory_space<vmem>>[vector<16xi32>], vector<16xf32>, vector<16xi1>
    %mul3A_405 = arith.constant 16 : i32
    %mul3A_406 = vector.broadcast %mul3A_405 : i32 to vector<16xi32>
    %mul3A_407 = arith.muli %iota3A, %mul3A_406 : vector<16xi32>
    %add3A_408 = arith.constant 7 : i32
    %add3A_409 = vector.broadcast %add3A_408 : i32 to vector<16xi32>
    %add3A_410 = arith.addi %mul3A_407, %add3A_409 : vector<16xi32>
    tpu.vector_store_idx %arg7[%add3A_410], %add3A_136 : memref<384xf32, #tpu.memory_space<vmem>>[vector<16xi32>], vector<16xf32>,
    %add3A_411 = arith.constant 16 : i32
    %add3A_412 = vector.broadcast %add3A_411 : i32 to vector<16xi32>
    %add3A_413 = arith.addi %add3A_412, %iota3A : vector<16xi32>
    %mul3A_414 = arith.constant 16 : i32
    %mul3A_415 = vector.broadcast %mul3A_414 : i32 to vector<16xi32>
    %mul3A_416 = arith.muli %add3A_413, %mul3A_415 : vector<16xi32>
    %add3A_417 = arith.constant 7 : i32
    %add3A_418 = vector.broadcast %add3A_417 : i32 to vector<16xi32>
    %add3A_419 = arith.addi %mul3A_416, %add3A_418 : vector<16xi32>
    %lt3A_420 = arith.constant 8 : i32
    %lt3A_421 = vector.broadcast %lt3A_420 : i32 to vector<16xi32>
    %lt3A_422 = arith.cmpi slt, %iota3A, %lt3A_421 : vector<16xi32>
    tpu.vector_store_idx %arg7[%add3A_419], %add3A_275 masked %lt3A_422 : memref<384xf32, #tpu.memory_space<vmem>>[vector<16xi32>], vector<16xf32>, vector<16xi1>
    %mul3A_423 = arith.constant 16 : i32
    %mul3A_424 = vector.broadcast %mul3A_423 : i32 to vector<16xi32>
    %mul3A_425 = arith.muli %iota3A, %mul3A_424 : vector<16xi32>
    %add3A_426 = arith.constant 8 : i32
    %add3A_427 = vector.broadcast %add3A_426 : i32 to vector<16xi32>
    %add3A_428 = arith.addi %mul3A_425, %add3A_427 : vector<16xi32>
    tpu.vector_store_idx %arg7[%add3A_428], %add3A_136 : memref<384xf32, #tpu.memory_space<vmem>>[vector<16xi32>], vector<16xf32>,
    %add3A_429 = arith.constant 16 : i32
    %add3A_430 = vector.broadcast %add3A_429 : i32 to vector<16xi32>
    %add3A_431 = arith.addi %add3A_430, %iota3A : vector<16xi32>
    %mul3A_432 = arith.constant 16 : i32
    %mul3A_433 = vector.broadcast %mul3A_432 : i32 to vector<16xi32>
    %mul3A_434 = arith.muli %add3A_431, %mul3A_433 : vector<16xi32>
    %add3A_435 = arith.constant 8 : i32
    %add3A_436 = vector.broadcast %add3A_435 : i32 to vector<16xi32>
    %add3A_437 = arith.addi %mul3A_434, %add3A_436 : vector<16xi32>
    %lt3A_438 = arith.constant 8 : i32
    %lt3A_439 = vector.broadcast %lt3A_438 : i32 to vector<16xi32>
    %lt3A_440 = arith.cmpi slt, %iota3A, %lt3A_439 : vector<16xi32>
    tpu.vector_store_idx %arg7[%add3A_437], %add3A_275 masked %lt3A_440 : memref<384xf32, #tpu.memory_space<vmem>>[vector<16xi32>], vector<16xf32>, vector<16xi1>
    %mul3A_441 = arith.constant 16 : i32
    %mul3A_442 = vector.broadcast %mul3A_441 : i32 to vector<16xi32>
    %mul3A_443 = arith.muli %iota3A, %mul3A_442 : vector<16xi32>
    %add3A_444 = arith.constant 9 : i32
    %add3A_445 = vector.broadcast %add3A_444 : i32 to vector<16xi32>
    %add3A_446 = arith.addi %mul3A_443, %add3A_445 : vector<16xi32>
    tpu.vector_store_idx %arg7[%add3A_446], %add3A_136 : memref<384xf32, #tpu.memory_space<vmem>>[vector<16xi32>], vector<16xf32>,
    %add3A_447 = arith.constant 16 : i32
    %add3A_448 = vector.broadcast %add3A_447 : i32 to vector<16xi32>
    %add3A_449 = arith.addi %add3A_448, %iota3A : vector<16xi32>
    %mul3A_450 = arith.constant 16 : i32
    %mul3A_451 = vector.broadcast %mul3A_450 : i32 to vector<16xi32>
    %mul3A_452 = arith.muli %add3A_449, %mul3A_451 : vector<16xi32>
    %add3A_453 = arith.constant 9 : i32
    %add3A_454 = vector.broadcast %add3A_453 : i32 to vector<16xi32>
    %add3A_455 = arith.addi %mul3A_452, %add3A_454 : vector<16xi32>
    %lt3A_456 = arith.constant 8 : i32
    %lt3A_457 = vector.broadcast %lt3A_456 : i32 to vector<16xi32>
    %lt3A_458 = arith.cmpi slt, %iota3A, %lt3A_457 : vector<16xi32>
    tpu.vector_store_idx %arg7[%add3A_455], %add3A_275 masked %lt3A_458 : memref<384xf32, #tpu.memory_space<vmem>>[vector<16xi32>], vector<16xf32>, vector<16xi1>
    %mul3A_459 = arith.constant 16 : i32
    %mul3A_460 = vector.broadcast %mul3A_459 : i32 to vector<16xi32>
    %mul3A_461 = arith.muli %iota3A, %mul3A_460 : vector<16xi32>
    %add3A_462 = arith.constant 10 : i32
    %add3A_463 = vector.broadcast %add3A_462 : i32 to vector<16xi32>
    %add3A_464 = arith.addi %mul3A_461, %add3A_463 : vector<16xi32>
    tpu.vector_store_idx %arg7[%add3A_464], %add3A_136 : memref<384xf32, #tpu.memory_space<vmem>>[vector<16xi32>], vector<16xf32>,
    %add3A_465 = arith.constant 16 : i32
    %add3A_466 = vector.broadcast %add3A_465 : i32 to vector<16xi32>
    %add3A_467 = arith.addi %add3A_466, %iota3A : vector<16xi32>
    %mul3A_468 = arith.constant 16 : i32
    %mul3A_469 = vector.broadcast %mul3A_468 : i32 to vector<16xi32>
    %mul3A_470 = arith.muli %add3A_467, %mul3A_469 : vector<16xi32>
    %add3A_471 = arith.constant 10 : i32
    %add3A_472 = vector.broadcast %add3A_471 : i32 to vector<16xi32>
    %add3A_473 = arith.addi %mul3A_470, %add3A_472 : vector<16xi32>
    %lt3A_474 = arith.constant 8 : i32
    %lt3A_475 = vector.broadcast %lt3A_474 : i32 to vector<16xi32>
    %lt3A_476 = arith.cmpi slt, %iota3A, %lt3A_475 : vector<16xi32>
    tpu.vector_store_idx %arg7[%add3A_473], %add3A_275 masked %lt3A_476 : memref<384xf32, #tpu.memory_space<vmem>>[vector<16xi32>], vector<16xf32>, vector<16xi1>
    %mul3A_477 = arith.constant 16 : i32
    %mul3A_478 = vector.broadcast %mul3A_477 : i32 to vector<16xi32>
    %mul3A_479 = arith.muli %iota3A, %mul3A_478 : vector<16xi32>
    %add3A_480 = arith.constant 11 : i32
    %add3A_481 = vector.broadcast %add3A_480 : i32 to vector<16xi32>
    %add3A_482 = arith.addi %mul3A_479, %add3A_481 : vector<16xi32>
    tpu.vector_store_idx %arg7[%add3A_482], %add3A_136 : memref<384xf32, #tpu.memory_space<vmem>>[vector<16xi32>], vector<16xf32>,
    %add3A_483 = arith.constant 16 : i32
    %add3A_484 = vector.broadcast %add3A_483 : i32 to vector<16xi32>
    %add3A_485 = arith.addi %add3A_484, %iota3A : vector<16xi32>
    %mul3A_486 = arith.constant 16 : i32
    %mul3A_487 = vector.broadcast %mul3A_486 : i32 to vector<16xi32>
    %mul3A_488 = arith.muli %add3A_485, %mul3A_487 : vector<16xi32>
    %add3A_489 = arith.constant 11 : i32
    %add3A_490 = vector.broadcast %add3A_489 : i32 to vector<16xi32>
    %add3A_491 = arith.addi %mul3A_488, %add3A_490 : vector<16xi32>
    %lt3A_492 = arith.constant 8 : i32
    %lt3A_493 = vector.broadcast %lt3A_492 : i32 to vector<16xi32>
    %lt3A_494 = arith.cmpi slt, %iota3A, %lt3A_493 : vector<16xi32>
    tpu.vector_store_idx %arg7[%add3A_491], %add3A_275 masked %lt3A_494 : memref<384xf32, #tpu.memory_space<vmem>>[vector<16xi32>], vector<16xf32>, vector<16xi1>
    %mul3A_495 = arith.constant 16 : i32
    %mul3A_496 = vector.broadcast %mul3A_495 : i32 to vector<16xi32>
    %mul3A_497 = arith.muli %iota3A, %mul3A_496 : vector<16xi32>
    %add3A_498 = arith.constant 12 : i32
    %add3A_499 = vector.broadcast %add3A_498 : i32 to vector<16xi32>
    %add3A_500 = arith.addi %mul3A_497, %add3A_499 : vector<16xi32>
    tpu.vector_store_idx %arg7[%add3A_500], %add3A_136 : memref<384xf32, #tpu.memory_space<vmem>>[vector<16xi32>], vector<16xf32>,
    %add3A_501 = arith.constant 16 : i32
    %add3A_502 = vector.broadcast %add3A_501 : i32 to vector<16xi32>
    %add3A_503 = arith.addi %add3A_502, %iota3A : vector<16xi32>
    %mul3A_504 = arith.constant 16 : i32
    %mul3A_505 = vector.broadcast %mul3A_504 : i32 to vector<16xi32>
    %mul3A_506 = arith.muli %add3A_503, %mul3A_505 : vector<16xi32>
    %add3A_507 = arith.constant 12 : i32
    %add3A_508 = vector.broadcast %add3A_507 : i32 to vector<16xi32>
    %add3A_509 = arith.addi %mul3A_506, %add3A_508 : vector<16xi32>
    %lt3A_510 = arith.constant 8 : i32
    %lt3A_511 = vector.broadcast %lt3A_510 : i32 to vector<16xi32>
    %lt3A_512 = arith.cmpi slt, %iota3A, %lt3A_511 : vector<16xi32>
    tpu.vector_store_idx %arg7[%add3A_509], %add3A_275 masked %lt3A_512 : memref<384xf32, #tpu.memory_space<vmem>>[vector<16xi32>], vector<16xf32>, vector<16xi1>
    %mul3A_513 = arith.constant 16 : i32
    %mul3A_514 = vector.broadcast %mul3A_513 : i32 to vector<16xi32>
    %mul3A_515 = arith.muli %iota3A, %mul3A_514 : vector<16xi32>
    %add3A_516 = arith.constant 13 : i32
    %add3A_517 = vector.broadcast %add3A_516 : i32 to vector<16xi32>
    %add3A_518 = arith.addi %mul3A_515, %add3A_517 : vector<16xi32>
    tpu.vector_store_idx %arg7[%add3A_518], %add3A_136 : memref<384xf32, #tpu.memory_space<vmem>>[vector<16xi32>], vector<16xf32>,
    %add3A_519 = arith.constant 16 : i32
    %add3A_520 = vector.broadcast %add3A_519 : i32 to vector<16xi32>
    %add3A_521 = arith.addi %add3A_520, %iota3A : vector<16xi32>
    %mul3A_522 = arith.constant 16 : i32
    %mul3A_523 = vector.broadcast %mul3A_522 : i32 to vector<16xi32>
    %mul3A_524 = arith.muli %add3A_521, %mul3A_523 : vector<16xi32>
    %add3A_525 = arith.constant 13 : i32
    %add3A_526 = vector.broadcast %add3A_525 : i32 to vector<16xi32>
    %add3A_527 = arith.addi %mul3A_524, %add3A_526 : vector<16xi32>
    %lt3A_528 = arith.constant 8 : i32
    %lt3A_529 = vector.broadcast %lt3A_528 : i32 to vector<16xi32>
    %lt3A_530 = arith.cmpi slt, %iota3A, %lt3A_529 : vector<16xi32>
    tpu.vector_store_idx %arg7[%add3A_527], %add3A_275 masked %lt3A_530 : memref<384xf32, #tpu.memory_space<vmem>>[vector<16xi32>], vector<16xf32>, vector<16xi1>
    %mul3A_531 = arith.constant 16 : i32
    %mul3A_532 = vector.broadcast %mul3A_531 : i32 to vector<16xi32>
    %mul3A_533 = arith.muli %iota3A, %mul3A_532 : vector<16xi32>
    %add3A_534 = arith.constant 14 : i32
    %add3A_535 = vector.broadcast %add3A_534 : i32 to vector<16xi32>
    %add3A_536 = arith.addi %mul3A_533, %add3A_535 : vector<16xi32>
    tpu.vector_store_idx %arg7[%add3A_536], %add3A_136 : memref<384xf32, #tpu.memory_space<vmem>>[vector<16xi32>], vector<16xf32>,
    %add3A_537 = arith.constant 16 : i32
    %add3A_538 = vector.broadcast %add3A_537 : i32 to vector<16xi32>
    %add3A_539 = arith.addi %add3A_538, %iota3A : vector<16xi32>
    %mul3A_540 = arith.constant 16 : i32
    %mul3A_541 = vector.broadcast %mul3A_540 : i32 to vector<16xi32>
    %mul3A_542 = arith.muli %add3A_539, %mul3A_541 : vector<16xi32>
    %add3A_543 = arith.constant 14 : i32
    %add3A_544 = vector.broadcast %add3A_543 : i32 to vector<16xi32>
    %add3A_545 = arith.addi %mul3A_542, %add3A_544 : vector<16xi32>
    %lt3A_546 = arith.constant 8 : i32
    %lt3A_547 = vector.broadcast %lt3A_546 : i32 to vector<16xi32>
    %lt3A_548 = arith.cmpi slt, %iota3A, %lt3A_547 : vector<16xi32>
    tpu.vector_store_idx %arg7[%add3A_545], %add3A_275 masked %lt3A_548 : memref<384xf32, #tpu.memory_space<vmem>>[vector<16xi32>], vector<16xf32>, vector<16xi1>
    %mul3A_549 = arith.constant 16 : i32
    %mul3A_550 = vector.broadcast %mul3A_549 : i32 to vector<16xi32>
    %mul3A_551 = arith.muli %iota3A, %mul3A_550 : vector<16xi32>
    %add3A_552 = arith.constant 15 : i32
    %add3A_553 = vector.broadcast %add3A_552 : i32 to vector<16xi32>
    %add3A_554 = arith.addi %mul3A_551, %add3A_553 : vector<16xi32>
    tpu.vector_store_idx %arg7[%add3A_554], %add3A_136 : memref<384xf32, #tpu.memory_space<vmem>>[vector<16xi32>], vector<16xf32>,
    %add3A_555 = arith.constant 16 : i32
    %add3A_556 = vector.broadcast %add3A_555 : i32 to vector<16xi32>
    %add3A_557 = arith.addi %add3A_556, %iota3A : vector<16xi32>
    %mul3A_558 = arith.constant 16 : i32
    %mul3A_559 = vector.broadcast %mul3A_558 : i32 to vector<16xi32>
    %mul3A_560 = arith.muli %add3A_557, %mul3A_559 : vector<16xi32>
    %add3A_561 = arith.constant 15 : i32
    %add3A_562 = vector.broadcast %add3A_561 : i32 to vector<16xi32>
    %add3A_563 = arith.addi %mul3A_560, %add3A_562 : vector<16xi32>
    %lt3A_564 = arith.constant 8 : i32
    %lt3A_565 = vector.broadcast %lt3A_564 : i32 to vector<16xi32>
    %lt3A_566 = arith.cmpi slt, %iota3A, %lt3A_565 : vector<16xi32>
    tpu.vector_store_idx %arg7[%add3A_563], %add3A_275 masked %lt3A_566 : memref<384xf32, #tpu.memory_space<vmem>>[vector<16xi32>], vector<16xf32>, vector<16xi1>
    %dma_wait3A = tpu.memref_slice %arg2[%add3A_4] : memref<3276800xi32, #tpu.memory_space<hbm>> -> memref<12800xi32, #tpu.memory_space<hbm>>
    %dma_wait3A_567 = tpu.memref_slice %arg2[%add3A_4] : memref<3276800xi32, #tpu.memory_space<hbm>> -> memref<12800xi32, #tpu.memory_space<hbm>>
    tpu.wait_dma2 semaphore(%arg12 : memref<!tpu.dma_semaphore, #tpu.memory_space<semaphore_mem>>) src(%dma_wait3A_567 : memref<12800xi32, #tpu.memory_space<hbm>>) dst(%arg8 : memref<12800xi32, #tpu.memory_space<vmem>>)
    %parallel_loop3A = arith.constant 0 : i32
    %parallel_loop3A_568 = arith.constant 800 : i32
    %parallel_loop3A_569 = arith.constant 1 : i32
    scf.for %parallel_loop3A_1013 = %parallel_loop3A to %parallel_loop3A_568 step %parallel_loop3A_569  : i32 {
      %parallel_loop3A_1014 = arith.constant 16 : i32
      %parallel_loop3A_1015 = arith.muli %parallel_loop3A_1013, %parallel_loop3A_1014 : i32
      %parallel_loop3A_1016 = arith.index_cast %parallel_loop3A_1015 : i32 to index
      %parallel_loop3A_1017 = tpu.vector_load %arg8[%parallel_loop3A_1016] {strides = array<i32>} : memref<12800xi32, #tpu.memory_space<vmem>>, vector<16xi32>,
      %parallel_loop3A_1018 = arith.constant 48 : i32
      %parallel_loop3A_1019 = vector.broadcast %parallel_loop3A_1018 : i32 to vector<16xi32>
      %parallel_loop3A_1020 = arith.muli %parallel_loop3A_1017, %parallel_loop3A_1019 : vector<16xi32>
      %parallel_loop3A_1021 = arith.addi %parallel_loop3A_1020, %iota3A : vector<16xi32>
      %parallel_loop3A_1022 = arith.constant 0 : i32
      %parallel_loop3A_1023 = vector.broadcast %parallel_loop3A_1022 : i32 to vector<16xi32>
      %parallel_loop3A_1024 = arith.addi %parallel_loop3A_1021, %parallel_loop3A_1023 : vector<16xi32>
      %parallel_loop3A_1025 = tpu.vector_load_idx %arg7[%parallel_loop3A_1024] : memref<384xf32, #tpu.memory_space<vmem>>[vector<16xi32>], vector<16xf32>,
      %parallel_loop3A_1026 = arith.constant 16 : i32
      %parallel_loop3A_1027 = arith.muli %parallel_loop3A_1013, %parallel_loop3A_1026 : i32
      %parallel_loop3A_1028 = arith.constant 0 : i32
      %parallel_loop3A_1029 = arith.addi %parallel_loop3A_1028, %parallel_loop3A_1027 : i32
      %parallel_loop3A_1030 = arith.index_cast %parallel_loop3A_1029 : i32 to index
      %parallel_loop3A_1031 = tpu.vector_load %arg10[%parallel_loop3A_1030] {strides = array<i32>} : memref<38400xf32, #tpu.memory_space<vmem>>, vector<16xf32>,
      tpu.vector_store %arg10[%parallel_loop3A_1030], %parallel_loop3A_1025 {strides = array<i32>} : memref<38400xf32, #tpu.memory_space<vmem>>, vector<16xf32>,
      %parallel_loop3A_1032 = arith.constant 16 : i32
      %parallel_loop3A_1033 = vector.broadcast %parallel_loop3A_1032 : i32 to vector<16xi32>
      %parallel_loop3A_1034 = arith.addi %parallel_loop3A_1021, %parallel_loop3A_1033 : vector<16xi32>
      %parallel_loop3A_1035 = tpu.vector_load_idx %arg7[%parallel_loop3A_1034] : memref<384xf32, #tpu.memory_space<vmem>>[vector<16xi32>], vector<16xf32>,
      %parallel_loop3A_1036 = arith.constant 16 : i32
      %parallel_loop3A_1037 = arith.muli %parallel_loop3A_1013, %parallel_loop3A_1036 : i32
      %parallel_loop3A_1038 = arith.constant 12800 : i32
      %parallel_loop3A_1039 = arith.addi %parallel_loop3A_1038, %parallel_loop3A_1037 : i32
      %parallel_loop3A_1040 = arith.index_cast %parallel_loop3A_1039 : i32 to index
      %parallel_loop3A_1041 = tpu.vector_load %arg10[%parallel_loop3A_1040] {strides = array<i32>} : memref<38400xf32, #tpu.memory_space<vmem>>, vector<16xf32>,
      tpu.vector_store %arg10[%parallel_loop3A_1040], %parallel_loop3A_1035 {strides = array<i32>} : memref<38400xf32, #tpu.memory_space<vmem>>, vector<16xf32>,
      %parallel_loop3A_1042 = arith.constant 32 : i32
      %parallel_loop3A_1043 = vector.broadcast %parallel_loop3A_1042 : i32 to vector<16xi32>
      %parallel_loop3A_1044 = arith.addi %parallel_loop3A_1021, %parallel_loop3A_1043 : vector<16xi32>
      %parallel_loop3A_1045 = tpu.vector_load_idx %arg7[%parallel_loop3A_1044] : memref<384xf32, #tpu.memory_space<vmem>>[vector<16xi32>], vector<16xf32>,
      %parallel_loop3A_1046 = arith.constant 16 : i32
      %parallel_loop3A_1047 = arith.muli %parallel_loop3A_1013, %parallel_loop3A_1046 : i32
      %parallel_loop3A_1048 = arith.constant 25600 : i32
      %parallel_loop3A_1049 = arith.addi %parallel_loop3A_1048, %parallel_loop3A_1047 : i32
      %parallel_loop3A_1050 = arith.index_cast %parallel_loop3A_1049 : i32 to index
      %parallel_loop3A_1051 = tpu.vector_load %arg10[%parallel_loop3A_1050] {strides = array<i32>} : memref<38400xf32, #tpu.memory_space<vmem>>, vector<16xf32>,
      tpu.vector_store %arg10[%parallel_loop3A_1050], %parallel_loop3A_1045 {strides = array<i32>} : memref<38400xf32, #tpu.memory_space<vmem>>, vector<16xf32>,
    } {sc.loop_unroll_factor = 8 : i64, sc.parallel_access}
    %add3A_570 = arith.constant 0 : i32
    %add3A_571 = arith.addi %add3A_570, %mul3A_2 : i32
    %add3A_572 = arith.constant 0 : i32
    %add3A_573 = arith.addi %add3A_571, %add3A_572 : i32
    %dma_start3A_574 = arith.constant 0 : i32
    %dma_start3A_575 = tpu.memref_slice %arg10[%dma_start3A_574] : memref<38400xf32, #tpu.memory_space<vmem>> -> memref<12800xf32, #tpu.memory_space<vmem>>
    %dma_start3A_576 = tpu.memref_slice %arg4[%add3A_573] : memref<9830400xf32, #tpu.memory_space<hbm>> -> memref<12800xf32, #tpu.memory_space<hbm>>
    %dma_start3A_577 = tpu.memref_slice %arg4[%add3A_573] : memref<9830400xf32, #tpu.memory_space<hbm>> -> memref<12800xf32, #tpu.memory_space<hbm>>
    %dma_start3A_578 = arith.constant 0 : i32
    %dma_start3A_579 = tpu.memref_slice %arg10[%dma_start3A_578] : memref<38400xf32, #tpu.memory_space<vmem>> -> memref<12800xf32, #tpu.memory_space<vmem>>
    tpu.enqueue_dma source(%dma_start3A_579 : memref<12800xf32, #tpu.memory_space<vmem>>) target(%dma_start3A_577 : memref<12800xf32, #tpu.memory_space<hbm>>) target_semaphore(%arg14 : memref<!tpu.dma_semaphore, #tpu.memory_space<semaphore_mem>>)
    %add3A_580 = arith.constant 3276800 : i32
    %add3A_581 = arith.addi %add3A_580, %mul3A_2 : i32
    %add3A_582 = arith.constant 0 : i32
    %add3A_583 = arith.addi %add3A_581, %add3A_582 : i32
    %dma_start3A_584 = arith.constant 12800 : i32
    %dma_start3A_585 = tpu.memref_slice %arg10[%dma_start3A_584] : memref<38400xf32, #tpu.memory_space<vmem>> -> memref<12800xf32, #tpu.memory_space<vmem>>
    %dma_start3A_586 = tpu.memref_slice %arg4[%add3A_583] : memref<9830400xf32, #tpu.memory_space<hbm>> -> memref<12800xf32, #tpu.memory_space<hbm>>
    %dma_start3A_587 = tpu.memref_slice %arg4[%add3A_583] : memref<9830400xf32, #tpu.memory_space<hbm>> -> memref<12800xf32, #tpu.memory_space<hbm>>
    %dma_start3A_588 = arith.constant 12800 : i32
    %dma_start3A_589 = tpu.memref_slice %arg10[%dma_start3A_588] : memref<38400xf32, #tpu.memory_space<vmem>> -> memref<12800xf32, #tpu.memory_space<vmem>>
    tpu.enqueue_dma source(%dma_start3A_589 : memref<12800xf32, #tpu.memory_space<vmem>>) target(%dma_start3A_587 : memref<12800xf32, #tpu.memory_space<hbm>>) target_semaphore(%arg14 : memref<!tpu.dma_semaphore, #tpu.memory_space<semaphore_mem>>)
    %add3A_590 = arith.constant 6553600 : i32
    %add3A_591 = arith.addi %add3A_590, %mul3A_2 : i32
    %add3A_592 = arith.constant 0 : i32
    %add3A_593 = arith.addi %add3A_591, %add3A_592 : i32
    %dma_start3A_594 = arith.constant 25600 : i32
    %dma_start3A_595 = tpu.memref_slice %arg10[%dma_start3A_594] : memref<38400xf32, #tpu.memory_space<vmem>> -> memref<12800xf32, #tpu.memory_space<vmem>>
    %dma_start3A_596 = tpu.memref_slice %arg4[%add3A_593] : memref<9830400xf32, #tpu.memory_space<hbm>> -> memref<12800xf32, #tpu.memory_space<hbm>>
    %dma_start3A_597 = tpu.memref_slice %arg4[%add3A_593] : memref<9830400xf32, #tpu.memory_space<hbm>> -> memref<12800xf32, #tpu.memory_space<hbm>>
    %dma_start3A_598 = arith.constant 25600 : i32
    %dma_start3A_599 = tpu.memref_slice %arg10[%dma_start3A_598] : memref<38400xf32, #tpu.memory_space<vmem>> -> memref<12800xf32, #tpu.memory_space<vmem>>
    tpu.enqueue_dma source(%dma_start3A_599 : memref<12800xf32, #tpu.memory_space<vmem>>) target(%dma_start3A_597 : memref<12800xf32, #tpu.memory_space<hbm>>) target_semaphore(%arg14 : memref<!tpu.dma_semaphore, #tpu.memory_space<semaphore_mem>>)
    %add3A_600 = arith.constant 25600 : i32
    %add3A_601 = arith.addi %mul3A_2, %add3A_600 : i32
    %dma_start3A_602 = tpu.memref_slice %arg2[%add3A_601] : memref<3276800xi32, #tpu.memory_space<hbm>> -> memref<12800xi32, #tpu.memory_space<hbm>>
    %dma_start3A_603 = tpu.memref_slice %arg2[%add3A_601] : memref<3276800xi32, #tpu.memory_space<hbm>> -> memref<12800xi32, #tpu.memory_space<hbm>>
    tpu.enqueue_dma source(%dma_start3A_603 : memref<12800xi32, #tpu.memory_space<hbm>>) target(%arg8 : memref<12800xi32, #tpu.memory_space<vmem>>) target_semaphore(%arg12 : memref<!tpu.dma_semaphore, #tpu.memory_space<semaphore_mem>>)
    %dma_wait3A_604 = tpu.memref_slice %arg2[%add3A_7] : memref<3276800xi32, #tpu.memory_space<hbm>> -> memref<12800xi32, #tpu.memory_space<hbm>>
    %dma_wait3A_605 = tpu.memref_slice %arg2[%add3A_7] : memref<3276800xi32, #tpu.memory_space<hbm>> -> memref<12800xi32, #tpu.memory_space<hbm>>
    tpu.wait_dma2 semaphore(%arg13 : memref<!tpu.dma_semaphore, #tpu.memory_space<semaphore_mem>>) src(%dma_wait3A_605 : memref<12800xi32, #tpu.memory_space<hbm>>) dst(%arg9 : memref<12800xi32, #tpu.memory_space<vmem>>)
    %parallel_loop3A_606 = arith.constant 0 : i32
    %parallel_loop3A_607 = arith.constant 800 : i32
    %parallel_loop3A_608 = arith.constant 1 : i32
    scf.for %parallel_loop3A_1013 = %parallel_loop3A_606 to %parallel_loop3A_607 step %parallel_loop3A_608  : i32 {
      %parallel_loop3A_1014 = arith.constant 16 : i32
      %parallel_loop3A_1015 = arith.muli %parallel_loop3A_1013, %parallel_loop3A_1014 : i32
      %parallel_loop3A_1016 = arith.index_cast %parallel_loop3A_1015 : i32 to index
      %parallel_loop3A_1017 = tpu.vector_load %arg9[%parallel_loop3A_1016] {strides = array<i32>} : memref<12800xi32, #tpu.memory_space<vmem>>, vector<16xi32>,
      %parallel_loop3A_1018 = arith.constant 48 : i32
      %parallel_loop3A_1019 = vector.broadcast %parallel_loop3A_1018 : i32 to vector<16xi32>
      %parallel_loop3A_1020 = arith.muli %parallel_loop3A_1017, %parallel_loop3A_1019 : vector<16xi32>
      %parallel_loop3A_1021 = arith.addi %parallel_loop3A_1020, %iota3A : vector<16xi32>
      %parallel_loop3A_1022 = arith.constant 0 : i32
      %parallel_loop3A_1023 = vector.broadcast %parallel_loop3A_1022 : i32 to vector<16xi32>
      %parallel_loop3A_1024 = arith.addi %parallel_loop3A_1021, %parallel_loop3A_1023 : vector<16xi32>
      %parallel_loop3A_1025 = tpu.vector_load_idx %arg7[%parallel_loop3A_1024] : memref<384xf32, #tpu.memory_space<vmem>>[vector<16xi32>], vector<16xf32>,
      %parallel_loop3A_1026 = arith.constant 16 : i32
      %parallel_loop3A_1027 = arith.muli %parallel_loop3A_1013, %parallel_loop3A_1026 : i32
      %parallel_loop3A_1028 = arith.constant 0 : i32
      %parallel_loop3A_1029 = arith.addi %parallel_loop3A_1028, %parallel_loop3A_1027 : i32
      %parallel_loop3A_1030 = arith.index_cast %parallel_loop3A_1029 : i32 to index
      %parallel_loop3A_1031 = tpu.vector_load %arg11[%parallel_loop3A_1030] {strides = array<i32>} : memref<38400xf32, #tpu.memory_space<vmem>>, vector<16xf32>,
      tpu.vector_store %arg11[%parallel_loop3A_1030], %parallel_loop3A_1025 {strides = array<i32>} : memref<38400xf32, #tpu.memory_space<vmem>>, vector<16xf32>,
      %parallel_loop3A_1032 = arith.constant 16 : i32
      %parallel_loop3A_1033 = vector.broadcast %parallel_loop3A_1032 : i32 to vector<16xi32>
      %parallel_loop3A_1034 = arith.addi %parallel_loop3A_1021, %parallel_loop3A_1033 : vector<16xi32>
      %parallel_loop3A_1035 = tpu.vector_load_idx %arg7[%parallel_loop3A_1034] : memref<384xf32, #tpu.memory_space<vmem>>[vector<16xi32>], vector<16xf32>,
      %parallel_loop3A_1036 = arith.constant 16 : i32
      %parallel_loop3A_1037 = arith.muli %parallel_loop3A_1013, %parallel_loop3A_1036 : i32
      %parallel_loop3A_1038 = arith.constant 12800 : i32
      %parallel_loop3A_1039 = arith.addi %parallel_loop3A_1038, %parallel_loop3A_1037 : i32
      %parallel_loop3A_1040 = arith.index_cast %parallel_loop3A_1039 : i32 to index
      %parallel_loop3A_1041 = tpu.vector_load %arg11[%parallel_loop3A_1040] {strides = array<i32>} : memref<38400xf32, #tpu.memory_space<vmem>>, vector<16xf32>,
      tpu.vector_store %arg11[%parallel_loop3A_1040], %parallel_loop3A_1035 {strides = array<i32>} : memref<38400xf32, #tpu.memory_space<vmem>>, vector<16xf32>,
      %parallel_loop3A_1042 = arith.constant 32 : i32
      %parallel_loop3A_1043 = vector.broadcast %parallel_loop3A_1042 : i32 to vector<16xi32>
      %parallel_loop3A_1044 = arith.addi %parallel_loop3A_1021, %parallel_loop3A_1043 : vector<16xi32>
      %parallel_loop3A_1045 = tpu.vector_load_idx %arg7[%parallel_loop3A_1044] : memref<384xf32, #tpu.memory_space<vmem>>[vector<16xi32>], vector<16xf32>,
      %parallel_loop3A_1046 = arith.constant 16 : i32
      %parallel_loop3A_1047 = arith.muli %parallel_loop3A_1013, %parallel_loop3A_1046 : i32
      %parallel_loop3A_1048 = arith.constant 25600 : i32
      %parallel_loop3A_1049 = arith.addi %parallel_loop3A_1048, %parallel_loop3A_1047 : i32
      %parallel_loop3A_1050 = arith.index_cast %parallel_loop3A_1049 : i32 to index
      %parallel_loop3A_1051 = tpu.vector_load %arg11[%parallel_loop3A_1050] {strides = array<i32>} : memref<38400xf32, #tpu.memory_space<vmem>>, vector<16xf32>,
      tpu.vector_store %arg11[%parallel_loop3A_1050], %parallel_loop3A_1045 {strides = array<i32>} : memref<38400xf32, #tpu.memory_space<vmem>>, vector<16xf32>,
    } {sc.loop_unroll_factor = 8 : i64, sc.parallel_access}
    %add3A_609 = arith.constant 0 : i32
    %add3A_610 = arith.addi %add3A_609, %mul3A_2 : i32
    %add3A_611 = arith.constant 12800 : i32
    %add3A_612 = arith.addi %add3A_610, %add3A_611 : i32
    %dma_start3A_613 = arith.constant 0 : i32
    %dma_start3A_614 = tpu.memref_slice %arg11[%dma_start3A_613] : memref<38400xf32, #tpu.memory_space<vmem>> -> memref<12800xf32, #tpu.memory_space<vmem>>
    %dma_start3A_615 = tpu.memref_slice %arg4[%add3A_612] : memref<9830400xf32, #tpu.memory_space<hbm>> -> memref<12800xf32, #tpu.memory_space<hbm>>
    %dma_start3A_616 = tpu.memref_slice %arg4[%add3A_612] : memref<9830400xf32, #tpu.memory_space<hbm>> -> memref<12800xf32, #tpu.memory_space<hbm>>
    %dma_start3A_617 = arith.constant 0 : i32
    %dma_start3A_618 = tpu.memref_slice %arg11[%dma_start3A_617] : memref<38400xf32, #tpu.memory_space<vmem>> -> memref<12800xf32, #tpu.memory_space<vmem>>
    tpu.enqueue_dma source(%dma_start3A_618 : memref<12800xf32, #tpu.memory_space<vmem>>) target(%dma_start3A_616 : memref<12800xf32, #tpu.memory_space<hbm>>) target_semaphore(%arg15 : memref<!tpu.dma_semaphore, #tpu.memory_space<semaphore_mem>>)
    %add3A_619 = arith.constant 3276800 : i32
    %add3A_620 = arith.addi %add3A_619, %mul3A_2 : i32
    %add3A_621 = arith.constant 12800 : i32
    %add3A_622 = arith.addi %add3A_620, %add3A_621 : i32
    %dma_start3A_623 = arith.constant 12800 : i32
    %dma_start3A_624 = tpu.memref_slice %arg11[%dma_start3A_623] : memref<38400xf32, #tpu.memory_space<vmem>> -> memref<12800xf32, #tpu.memory_space<vmem>>
    %dma_start3A_625 = tpu.memref_slice %arg4[%add3A_622] : memref<9830400xf32, #tpu.memory_space<hbm>> -> memref<12800xf32, #tpu.memory_space<hbm>>
    %dma_start3A_626 = tpu.memref_slice %arg4[%add3A_622] : memref<9830400xf32, #tpu.memory_space<hbm>> -> memref<12800xf32, #tpu.memory_space<hbm>>
    %dma_start3A_627 = arith.constant 12800 : i32
    %dma_start3A_628 = tpu.memref_slice %arg11[%dma_start3A_627] : memref<38400xf32, #tpu.memory_space<vmem>> -> memref<12800xf32, #tpu.memory_space<vmem>>
    tpu.enqueue_dma source(%dma_start3A_628 : memref<12800xf32, #tpu.memory_space<vmem>>) target(%dma_start3A_626 : memref<12800xf32, #tpu.memory_space<hbm>>) target_semaphore(%arg15 : memref<!tpu.dma_semaphore, #tpu.memory_space<semaphore_mem>>)
    %add3A_629 = arith.constant 6553600 : i32
    %add3A_630 = arith.addi %add3A_629, %mul3A_2 : i32
    %add3A_631 = arith.constant 12800 : i32
    %add3A_632 = arith.addi %add3A_630, %add3A_631 : i32
    %dma_start3A_633 = arith.constant 25600 : i32
    %dma_start3A_634 = tpu.memref_slice %arg11[%dma_start3A_633] : memref<38400xf32, #tpu.memory_space<vmem>> -> memref<12800xf32, #tpu.memory_space<vmem>>
    %dma_start3A_635 = tpu.memref_slice %arg4[%add3A_632] : memref<9830400xf32, #tpu.memory_space<hbm>> -> memref<12800xf32, #tpu.memory_space<hbm>>
    %dma_start3A_636 = tpu.memref_slice %arg4[%add3A_632] : memref<9830400xf32, #tpu.memory_space<hbm>> -> memref<12800xf32, #tpu.memory_space<hbm>>
    %dma_start3A_637 = arith.constant 25600 : i32
    %dma_start3A_638 = tpu.memref_slice %arg11[%dma_start3A_637] : memref<38400xf32, #tpu.memory_space<vmem>> -> memref<12800xf32, #tpu.memory_space<vmem>>
    tpu.enqueue_dma source(%dma_start3A_638 : memref<12800xf32, #tpu.memory_space<vmem>>) target(%dma_start3A_636 : memref<12800xf32, #tpu.memory_space<hbm>>) target_semaphore(%arg15 : memref<!tpu.dma_semaphore, #tpu.memory_space<semaphore_mem>>)
    %add3A_639 = arith.constant 38400 : i32
    %add3A_640 = arith.addi %mul3A_2, %add3A_639 : i32
    %dma_start3A_641 = tpu.memref_slice %arg2[%add3A_640] : memref<3276800xi32, #tpu.memory_space<hbm>> -> memref<12800xi32, #tpu.memory_space<hbm>>
    %dma_start3A_642 = tpu.memref_slice %arg2[%add3A_640] : memref<3276800xi32, #tpu.memory_space<hbm>> -> memref<12800xi32, #tpu.memory_space<hbm>>
    tpu.enqueue_dma source(%dma_start3A_642 : memref<12800xi32, #tpu.memory_space<hbm>>) target(%arg9 : memref<12800xi32, #tpu.memory_space<vmem>>) target_semaphore(%arg13 : memref<!tpu.dma_semaphore, #tpu.memory_space<semaphore_mem>>)
    %dma_wait3A_643 = tpu.memref_slice %arg2[%add3A_601] : memref<3276800xi32, #tpu.memory_space<hbm>> -> memref<12800xi32, #tpu.memory_space<hbm>>
    %dma_wait3A_644 = tpu.memref_slice %arg2[%add3A_601] : memref<3276800xi32, #tpu.memory_space<hbm>> -> memref<12800xi32, #tpu.memory_space<hbm>>
    tpu.wait_dma2 semaphore(%arg12 : memref<!tpu.dma_semaphore, #tpu.memory_space<semaphore_mem>>) src(%dma_wait3A_644 : memref<12800xi32, #tpu.memory_space<hbm>>) dst(%arg8 : memref<12800xi32, #tpu.memory_space<vmem>>)
    %dma_wait3A_645 = arith.constant 0 : i32
    %dma_wait3A_646 = tpu.memref_slice %arg10[%dma_wait3A_645] : memref<38400xf32, #tpu.memory_space<vmem>> -> memref<12800xf32, #tpu.memory_space<vmem>>
    %dma_wait3A_647 = tpu.memref_slice %arg4[%add3A_573] : memref<9830400xf32, #tpu.memory_space<hbm>> -> memref<12800xf32, #tpu.memory_space<hbm>>
    %dma_wait3A_648 = tpu.memref_slice %arg4[%add3A_573] : memref<9830400xf32, #tpu.memory_space<hbm>> -> memref<12800xf32, #tpu.memory_space<hbm>>
    %dma_wait3A_649 = arith.constant 0 : i32
    %dma_wait3A_650 = tpu.memref_slice %arg10[%dma_wait3A_649] : memref<38400xf32, #tpu.memory_space<vmem>> -> memref<12800xf32, #tpu.memory_space<vmem>>
    tpu.wait_dma2 semaphore(%arg14 : memref<!tpu.dma_semaphore, #tpu.memory_space<semaphore_mem>>) src(%dma_wait3A_650 : memref<12800xf32, #tpu.memory_space<vmem>>) dst(%dma_wait3A_648 : memref<12800xf32, #tpu.memory_space<hbm>>)
    %dma_wait3A_651 = arith.constant 12800 : i32
    %dma_wait3A_652 = tpu.memref_slice %arg10[%dma_wait3A_651] : memref<38400xf32, #tpu.memory_space<vmem>> -> memref<12800xf32, #tpu.memory_space<vmem>>
    %dma_wait3A_653 = tpu.memref_slice %arg4[%add3A_583] : memref<9830400xf32, #tpu.memory_space<hbm>> -> memref<12800xf32, #tpu.memory_space<hbm>>
    %dma_wait3A_654 = tpu.memref_slice %arg4[%add3A_583] : memref<9830400xf32, #tpu.memory_space<hbm>> -> memref<12800xf32, #tpu.memory_space<hbm>>
    %dma_wait3A_655 = arith.constant 12800 : i32
    %dma_wait3A_656 = tpu.memref_slice %arg10[%dma_wait3A_655] : memref<38400xf32, #tpu.memory_space<vmem>> -> memref<12800xf32, #tpu.memory_space<vmem>>
    tpu.wait_dma2 semaphore(%arg14 : memref<!tpu.dma_semaphore, #tpu.memory_space<semaphore_mem>>) src(%dma_wait3A_656 : memref<12800xf32, #tpu.memory_space<vmem>>) dst(%dma_wait3A_654 : memref<12800xf32, #tpu.memory_space<hbm>>)
    %dma_wait3A_657 = arith.constant 25600 : i32
    %dma_wait3A_658 = tpu.memref_slice %arg10[%dma_wait3A_657] : memref<38400xf32, #tpu.memory_space<vmem>> -> memref<12800xf32, #tpu.memory_space<vmem>>
    %dma_wait3A_659 = tpu.memref_slice %arg4[%add3A_593] : memref<9830400xf32, #tpu.memory_space<hbm>> -> memref<12800xf32, #tpu.memory_space<hbm>>
    %dma_wait3A_660 = tpu.memref_slice %arg4[%add3A_593] : memref<9830400xf32, #tpu.memory_space<hbm>> -> memref<12800xf32, #tpu.memory_space<hbm>>
    %dma_wait3A_661 = arith.constant 25600 : i32
    %dma_wait3A_662 = tpu.memref_slice %arg10[%dma_wait3A_661] : memref<38400xf32, #tpu.memory_space<vmem>> -> memref<12800xf32, #tpu.memory_space<vmem>>
    tpu.wait_dma2 semaphore(%arg14 : memref<!tpu.dma_semaphore, #tpu.memory_space<semaphore_mem>>) src(%dma_wait3A_662 : memref<12800xf32, #tpu.memory_space<vmem>>) dst(%dma_wait3A_660 : memref<12800xf32, #tpu.memory_space<hbm>>)
    %parallel_loop3A_663 = arith.constant 0 : i32
    %parallel_loop3A_664 = arith.constant 800 : i32
    %parallel_loop3A_665 = arith.constant 1 : i32
    scf.for %parallel_loop3A_1013 = %parallel_loop3A_663 to %parallel_loop3A_664 step %parallel_loop3A_665  : i32 {
      %parallel_loop3A_1014 = arith.constant 16 : i32
      %parallel_loop3A_1015 = arith.muli %parallel_loop3A_1013, %parallel_loop3A_1014 : i32
      %parallel_loop3A_1016 = arith.index_cast %parallel_loop3A_1015 : i32 to index
      %parallel_loop3A_1017 = tpu.vector_load %arg8[%parallel_loop3A_1016] {strides = array<i32>} : memref<12800xi32, #tpu.memory_space<vmem>>, vector<16xi32>,
      %parallel_loop3A_1018 = arith.constant 48 : i32
      %parallel_loop3A_1019 = vector.broadcast %parallel_loop3A_1018 : i32 to vector<16xi32>
      %parallel_loop3A_1020 = arith.muli %parallel_loop3A_1017, %parallel_loop3A_1019 : vector<16xi32>
      %parallel_loop3A_1021 = arith.addi %parallel_loop3A_1020, %iota3A : vector<16xi32>
      %parallel_loop3A_1022 = arith.constant 0 : i32
      %parallel_loop3A_1023 = vector.broadcast %parallel_loop3A_1022 : i32 to vector<16xi32>
      %parallel_loop3A_1024 = arith.addi %parallel_loop3A_1021, %parallel_loop3A_1023 : vector<16xi32>
      %parallel_loop3A_1025 = tpu.vector_load_idx %arg7[%parallel_loop3A_1024] : memref<384xf32, #tpu.memory_space<vmem>>[vector<16xi32>], vector<16xf32>,
      %parallel_loop3A_1026 = arith.constant 16 : i32
      %parallel_loop3A_1027 = arith.muli %parallel_loop3A_1013, %parallel_loop3A_1026 : i32
      %parallel_loop3A_1028 = arith.constant 0 : i32
      %parallel_loop3A_1029 = arith.addi %parallel_loop3A_1028, %parallel_loop3A_1027 : i32
      %parallel_loop3A_1030 = arith.index_cast %parallel_loop3A_1029 : i32 to index
      %parallel_loop3A_1031 = tpu.vector_load %arg10[%parallel_loop3A_1030] {strides = array<i32>} : memref<38400xf32, #tpu.memory_space<vmem>>, vector<16xf32>,
      tpu.vector_store %arg10[%parallel_loop3A_1030], %parallel_loop3A_1025 {strides = array<i32>} : memref<38400xf32, #tpu.memory_space<vmem>>, vector<16xf32>,
      %parallel_loop3A_1032 = arith.constant 16 : i32
      %parallel_loop3A_1033 = vector.broadcast %parallel_loop3A_1032 : i32 to vector<16xi32>
      %parallel_loop3A_1034 = arith.addi %parallel_loop3A_1021, %parallel_loop3A_1033 : vector<16xi32>
      %parallel_loop3A_1035 = tpu.vector_load_idx %arg7[%parallel_loop3A_1034] : memref<384xf32, #tpu.memory_space<vmem>>[vector<16xi32>], vector<16xf32>,
      %parallel_loop3A_1036 = arith.constant 16 : i32
      %parallel_loop3A_1037 = arith.muli %parallel_loop3A_1013, %parallel_loop3A_1036 : i32
      %parallel_loop3A_1038 = arith.constant 12800 : i32
      %parallel_loop3A_1039 = arith.addi %parallel_loop3A_1038, %parallel_loop3A_1037 : i32
      %parallel_loop3A_1040 = arith.index_cast %parallel_loop3A_1039 : i32 to index
      %parallel_loop3A_1041 = tpu.vector_load %arg10[%parallel_loop3A_1040] {strides = array<i32>} : memref<38400xf32, #tpu.memory_space<vmem>>, vector<16xf32>,
      tpu.vector_store %arg10[%parallel_loop3A_1040], %parallel_loop3A_1035 {strides = array<i32>} : memref<38400xf32, #tpu.memory_space<vmem>>, vector<16xf32>,
      %parallel_loop3A_1042 = arith.constant 32 : i32
      %parallel_loop3A_1043 = vector.broadcast %parallel_loop3A_1042 : i32 to vector<16xi32>
      %parallel_loop3A_1044 = arith.addi %parallel_loop3A_1021, %parallel_loop3A_1043 : vector<16xi32>
      %parallel_loop3A_1045 = tpu.vector_load_idx %arg7[%parallel_loop3A_1044] : memref<384xf32, #tpu.memory_space<vmem>>[vector<16xi32>], vector<16xf32>,
      %parallel_loop3A_1046 = arith.constant 16 : i32
      %parallel_loop3A_1047 = arith.muli %parallel_loop3A_1013, %parallel_loop3A_1046 : i32
      %parallel_loop3A_1048 = arith.constant 25600 : i32
      %parallel_loop3A_1049 = arith.addi %parallel_loop3A_1048, %parallel_loop3A_1047 : i32
      %parallel_loop3A_1050 = arith.index_cast %parallel_loop3A_1049 : i32 to index
      %parallel_loop3A_1051 = tpu.vector_load %arg10[%parallel_loop3A_1050] {strides = array<i32>} : memref<38400xf32, #tpu.memory_space<vmem>>, vector<16xf32>,
      tpu.vector_store %arg10[%parallel_loop3A_1050], %parallel_loop3A_1045 {strides = array<i32>} : memref<38400xf32, #tpu.memory_space<vmem>>, vector<16xf32>,
    } {sc.loop_unroll_factor = 8 : i64, sc.parallel_access}
    %add3A_666 = arith.constant 0 : i32
    %add3A_667 = arith.addi %add3A_666, %mul3A_2 : i32
    %add3A_668 = arith.constant 25600 : i32
    %add3A_669 = arith.addi %add3A_667, %add3A_668 : i32
    %dma_start3A_670 = arith.constant 0 : i32
    %dma_start3A_671 = tpu.memref_slice %arg10[%dma_start3A_670] : memref<38400xf32, #tpu.memory_space<vmem>> -> memref<12800xf32, #tpu.memory_space<vmem>>
    %dma_start3A_672 = tpu.memref_slice %arg4[%add3A_669] : memref<9830400xf32, #tpu.memory_space<hbm>> -> memref<12800xf32, #tpu.memory_space<hbm>>
    %dma_start3A_673 = tpu.memref_slice %arg4[%add3A_669] : memref<9830400xf32, #tpu.memory_space<hbm>> -> memref<12800xf32, #tpu.memory_space<hbm>>
    %dma_start3A_674 = arith.constant 0 : i32
    %dma_start3A_675 = tpu.memref_slice %arg10[%dma_start3A_674] : memref<38400xf32, #tpu.memory_space<vmem>> -> memref<12800xf32, #tpu.memory_space<vmem>>
    tpu.enqueue_dma source(%dma_start3A_675 : memref<12800xf32, #tpu.memory_space<vmem>>) target(%dma_start3A_673 : memref<12800xf32, #tpu.memory_space<hbm>>) target_semaphore(%arg14 : memref<!tpu.dma_semaphore, #tpu.memory_space<semaphore_mem>>)
    %add3A_676 = arith.constant 3276800 : i32
    %add3A_677 = arith.addi %add3A_676, %mul3A_2 : i32
    %add3A_678 = arith.constant 25600 : i32
    %add3A_679 = arith.addi %add3A_677, %add3A_678 : i32
    %dma_start3A_680 = arith.constant 12800 : i32
    %dma_start3A_681 = tpu.memref_slice %arg10[%dma_start3A_680] : memref<38400xf32, #tpu.memory_space<vmem>> -> memref<12800xf32, #tpu.memory_space<vmem>>
    %dma_start3A_682 = tpu.memref_slice %arg4[%add3A_679] : memref<9830400xf32, #tpu.memory_space<hbm>> -> memref<12800xf32, #tpu.memory_space<hbm>>
    %dma_start3A_683 = tpu.memref_slice %arg4[%add3A_679] : memref<9830400xf32, #tpu.memory_space<hbm>> -> memref<12800xf32, #tpu.memory_space<hbm>>
    %dma_start3A_684 = arith.constant 12800 : i32
    %dma_start3A_685 = tpu.memref_slice %arg10[%dma_start3A_684] : memref<38400xf32, #tpu.memory_space<vmem>> -> memref<12800xf32, #tpu.memory_space<vmem>>
    tpu.enqueue_dma source(%dma_start3A_685 : memref<12800xf32, #tpu.memory_space<vmem>>) target(%dma_start3A_683 : memref<12800xf32, #tpu.memory_space<hbm>>) target_semaphore(%arg14 : memref<!tpu.dma_semaphore, #tpu.memory_space<semaphore_mem>>)
    %add3A_686 = arith.constant 6553600 : i32
    %add3A_687 = arith.addi %add3A_686, %mul3A_2 : i32
    %add3A_688 = arith.constant 25600 : i32
    %add3A_689 = arith.addi %add3A_687, %add3A_688 : i32
    %dma_start3A_690 = arith.constant 25600 : i32
    %dma_start3A_691 = tpu.memref_slice %arg10[%dma_start3A_690] : memref<38400xf32, #tpu.memory_space<vmem>> -> memref<12800xf32, #tpu.memory_space<vmem>>
    %dma_start3A_692 = tpu.memref_slice %arg4[%add3A_689] : memref<9830400xf32, #tpu.memory_space<hbm>> -> memref<12800xf32, #tpu.memory_space<hbm>>
    %dma_start3A_693 = tpu.memref_slice %arg4[%add3A_689] : memref<9830400xf32, #tpu.memory_space<hbm>> -> memref<12800xf32, #tpu.memory_space<hbm>>
    %dma_start3A_694 = arith.constant 25600 : i32
    %dma_start3A_695 = tpu.memref_slice %arg10[%dma_start3A_694] : memref<38400xf32, #tpu.memory_space<vmem>> -> memref<12800xf32, #tpu.memory_space<vmem>>
    tpu.enqueue_dma source(%dma_start3A_695 : memref<12800xf32, #tpu.memory_space<vmem>>) target(%dma_start3A_693 : memref<12800xf32, #tpu.memory_space<hbm>>) target_semaphore(%arg14 : memref<!tpu.dma_semaphore, #tpu.memory_space<semaphore_mem>>)
    %add3A_696 = arith.constant 51200 : i32
    %add3A_697 = arith.addi %mul3A_2, %add3A_696 : i32
    %dma_start3A_698 = tpu.memref_slice %arg2[%add3A_697] : memref<3276800xi32, #tpu.memory_space<hbm>> -> memref<12800xi32, #tpu.memory_space<hbm>>
    %dma_start3A_699 = tpu.memref_slice %arg2[%add3A_697] : memref<3276800xi32, #tpu.memory_space<hbm>> -> memref<12800xi32, #tpu.memory_space<hbm>>
    tpu.enqueue_dma source(%dma_start3A_699 : memref<12800xi32, #tpu.memory_space<hbm>>) target(%arg8 : memref<12800xi32, #tpu.memory_space<vmem>>) target_semaphore(%arg12 : memref<!tpu.dma_semaphore, #tpu.memory_space<semaphore_mem>>)
    %dma_wait3A_700 = tpu.memref_slice %arg2[%add3A_640] : memref<3276800xi32, #tpu.memory_space<hbm>> -> memref<12800xi32, #tpu.memory_space<hbm>>
    %dma_wait3A_701 = tpu.memref_slice %arg2[%add3A_640] : memref<3276800xi32, #tpu.memory_space<hbm>> -> memref<12800xi32, #tpu.memory_space<hbm>>
    tpu.wait_dma2 semaphore(%arg13 : memref<!tpu.dma_semaphore, #tpu.memory_space<semaphore_mem>>) src(%dma_wait3A_701 : memref<12800xi32, #tpu.memory_space<hbm>>) dst(%arg9 : memref<12800xi32, #tpu.memory_space<vmem>>)
    %dma_wait3A_702 = arith.constant 0 : i32
    %dma_wait3A_703 = tpu.memref_slice %arg11[%dma_wait3A_702] : memref<38400xf32, #tpu.memory_space<vmem>> -> memref<12800xf32, #tpu.memory_space<vmem>>
    %dma_wait3A_704 = tpu.memref_slice %arg4[%add3A_612] : memref<9830400xf32, #tpu.memory_space<hbm>> -> memref<12800xf32, #tpu.memory_space<hbm>>
    %dma_wait3A_705 = tpu.memref_slice %arg4[%add3A_612] : memref<9830400xf32, #tpu.memory_space<hbm>> -> memref<12800xf32, #tpu.memory_space<hbm>>
    %dma_wait3A_706 = arith.constant 0 : i32
    %dma_wait3A_707 = tpu.memref_slice %arg11[%dma_wait3A_706] : memref<38400xf32, #tpu.memory_space<vmem>> -> memref<12800xf32, #tpu.memory_space<vmem>>
    tpu.wait_dma2 semaphore(%arg15 : memref<!tpu.dma_semaphore, #tpu.memory_space<semaphore_mem>>) src(%dma_wait3A_707 : memref<12800xf32, #tpu.memory_space<vmem>>) dst(%dma_wait3A_705 : memref<12800xf32, #tpu.memory_space<hbm>>)
    %dma_wait3A_708 = arith.constant 12800 : i32
    %dma_wait3A_709 = tpu.memref_slice %arg11[%dma_wait3A_708] : memref<38400xf32, #tpu.memory_space<vmem>> -> memref<12800xf32, #tpu.memory_space<vmem>>
    %dma_wait3A_710 = tpu.memref_slice %arg4[%add3A_622] : memref<9830400xf32, #tpu.memory_space<hbm>> -> memref<12800xf32, #tpu.memory_space<hbm>>
    %dma_wait3A_711 = tpu.memref_slice %arg4[%add3A_622] : memref<9830400xf32, #tpu.memory_space<hbm>> -> memref<12800xf32, #tpu.memory_space<hbm>>
    %dma_wait3A_712 = arith.constant 12800 : i32
    %dma_wait3A_713 = tpu.memref_slice %arg11[%dma_wait3A_712] : memref<38400xf32, #tpu.memory_space<vmem>> -> memref<12800xf32, #tpu.memory_space<vmem>>
    tpu.wait_dma2 semaphore(%arg15 : memref<!tpu.dma_semaphore, #tpu.memory_space<semaphore_mem>>) src(%dma_wait3A_713 : memref<12800xf32, #tpu.memory_space<vmem>>) dst(%dma_wait3A_711 : memref<12800xf32, #tpu.memory_space<hbm>>)
    %dma_wait3A_714 = arith.constant 25600 : i32
    %dma_wait3A_715 = tpu.memref_slice %arg11[%dma_wait3A_714] : memref<38400xf32, #tpu.memory_space<vmem>> -> memref<12800xf32, #tpu.memory_space<vmem>>
    %dma_wait3A_716 = tpu.memref_slice %arg4[%add3A_632] : memref<9830400xf32, #tpu.memory_space<hbm>> -> memref<12800xf32, #tpu.memory_space<hbm>>
    %dma_wait3A_717 = tpu.memref_slice %arg4[%add3A_632] : memref<9830400xf32, #tpu.memory_space<hbm>> -> memref<12800xf32, #tpu.memory_space<hbm>>
    %dma_wait3A_718 = arith.constant 25600 : i32
    %dma_wait3A_719 = tpu.memref_slice %arg11[%dma_wait3A_718] : memref<38400xf32, #tpu.memory_space<vmem>> -> memref<12800xf32, #tpu.memory_space<vmem>>
    tpu.wait_dma2 semaphore(%arg15 : memref<!tpu.dma_semaphore, #tpu.memory_space<semaphore_mem>>) src(%dma_wait3A_719 : memref<12800xf32, #tpu.memory_space<vmem>>) dst(%dma_wait3A_717 : memref<12800xf32, #tpu.memory_space<hbm>>)
    %parallel_loop3A_720 = arith.constant 0 : i32
    %parallel_loop3A_721 = arith.constant 800 : i32
    %parallel_loop3A_722 = arith.constant 1 : i32
    scf.for %parallel_loop3A_1013 = %parallel_loop3A_720 to %parallel_loop3A_721 step %parallel_loop3A_722  : i32 {
      %parallel_loop3A_1014 = arith.constant 16 : i32
      %parallel_loop3A_1015 = arith.muli %parallel_loop3A_1013, %parallel_loop3A_1014 : i32
      %parallel_loop3A_1016 = arith.index_cast %parallel_loop3A_1015 : i32 to index
      %parallel_loop3A_1017 = tpu.vector_load %arg9[%parallel_loop3A_1016] {strides = array<i32>} : memref<12800xi32, #tpu.memory_space<vmem>>, vector<16xi32>,
      %parallel_loop3A_1018 = arith.constant 48 : i32
      %parallel_loop3A_1019 = vector.broadcast %parallel_loop3A_1018 : i32 to vector<16xi32>
      %parallel_loop3A_1020 = arith.muli %parallel_loop3A_1017, %parallel_loop3A_1019 : vector<16xi32>
      %parallel_loop3A_1021 = arith.addi %parallel_loop3A_1020, %iota3A : vector<16xi32>
      %parallel_loop3A_1022 = arith.constant 0 : i32
      %parallel_loop3A_1023 = vector.broadcast %parallel_loop3A_1022 : i32 to vector<16xi32>
      %parallel_loop3A_1024 = arith.addi %parallel_loop3A_1021, %parallel_loop3A_1023 : vector<16xi32>
      %parallel_loop3A_1025 = tpu.vector_load_idx %arg7[%parallel_loop3A_1024] : memref<384xf32, #tpu.memory_space<vmem>>[vector<16xi32>], vector<16xf32>,
      %parallel_loop3A_1026 = arith.constant 16 : i32
      %parallel_loop3A_1027 = arith.muli %parallel_loop3A_1013, %parallel_loop3A_1026 : i32
      %parallel_loop3A_1028 = arith.constant 0 : i32
      %parallel_loop3A_1029 = arith.addi %parallel_loop3A_1028, %parallel_loop3A_1027 : i32
      %parallel_loop3A_1030 = arith.index_cast %parallel_loop3A_1029 : i32 to index
      %parallel_loop3A_1031 = tpu.vector_load %arg11[%parallel_loop3A_1030] {strides = array<i32>} : memref<38400xf32, #tpu.memory_space<vmem>>, vector<16xf32>,
      tpu.vector_store %arg11[%parallel_loop3A_1030], %parallel_loop3A_1025 {strides = array<i32>} : memref<38400xf32, #tpu.memory_space<vmem>>, vector<16xf32>,
      %parallel_loop3A_1032 = arith.constant 16 : i32
      %parallel_loop3A_1033 = vector.broadcast %parallel_loop3A_1032 : i32 to vector<16xi32>
      %parallel_loop3A_1034 = arith.addi %parallel_loop3A_1021, %parallel_loop3A_1033 : vector<16xi32>
      %parallel_loop3A_1035 = tpu.vector_load_idx %arg7[%parallel_loop3A_1034] : memref<384xf32, #tpu.memory_space<vmem>>[vector<16xi32>], vector<16xf32>,
      %parallel_loop3A_1036 = arith.constant 16 : i32
      %parallel_loop3A_1037 = arith.muli %parallel_loop3A_1013, %parallel_loop3A_1036 : i32
      %parallel_loop3A_1038 = arith.constant 12800 : i32
      %parallel_loop3A_1039 = arith.addi %parallel_loop3A_1038, %parallel_loop3A_1037 : i32
      %parallel_loop3A_1040 = arith.index_cast %parallel_loop3A_1039 : i32 to index
      %parallel_loop3A_1041 = tpu.vector_load %arg11[%parallel_loop3A_1040] {strides = array<i32>} : memref<38400xf32, #tpu.memory_space<vmem>>, vector<16xf32>,
      tpu.vector_store %arg11[%parallel_loop3A_1040], %parallel_loop3A_1035 {strides = array<i32>} : memref<38400xf32, #tpu.memory_space<vmem>>, vector<16xf32>,
      %parallel_loop3A_1042 = arith.constant 32 : i32
      %parallel_loop3A_1043 = vector.broadcast %parallel_loop3A_1042 : i32 to vector<16xi32>
      %parallel_loop3A_1044 = arith.addi %parallel_loop3A_1021, %parallel_loop3A_1043 : vector<16xi32>
      %parallel_loop3A_1045 = tpu.vector_load_idx %arg7[%parallel_loop3A_1044] : memref<384xf32, #tpu.memory_space<vmem>>[vector<16xi32>], vector<16xf32>,
      %parallel_loop3A_1046 = arith.constant 16 : i32
      %parallel_loop3A_1047 = arith.muli %parallel_loop3A_1013, %parallel_loop3A_1046 : i32
      %parallel_loop3A_1048 = arith.constant 25600 : i32
      %parallel_loop3A_1049 = arith.addi %parallel_loop3A_1048, %parallel_loop3A_1047 : i32
      %parallel_loop3A_1050 = arith.index_cast %parallel_loop3A_1049 : i32 to index
      %parallel_loop3A_1051 = tpu.vector_load %arg11[%parallel_loop3A_1050] {strides = array<i32>} : memref<38400xf32, #tpu.memory_space<vmem>>, vector<16xf32>,
      tpu.vector_store %arg11[%parallel_loop3A_1050], %parallel_loop3A_1045 {strides = array<i32>} : memref<38400xf32, #tpu.memory_space<vmem>>, vector<16xf32>,
    } {sc.loop_unroll_factor = 8 : i64, sc.parallel_access}
    %add3A_723 = arith.constant 0 : i32
    %add3A_724 = arith.addi %add3A_723, %mul3A_2 : i32
    %add3A_725 = arith.constant 38400 : i32
    %add3A_726 = arith.addi %add3A_724, %add3A_725 : i32
    %dma_start3A_727 = arith.constant 0 : i32
    %dma_start3A_728 = tpu.memref_slice %arg11[%dma_start3A_727] : memref<38400xf32, #tpu.memory_space<vmem>> -> memref<12800xf32, #tpu.memory_space<vmem>>
    %dma_start3A_729 = tpu.memref_slice %arg4[%add3A_726] : memref<9830400xf32, #tpu.memory_space<hbm>> -> memref<12800xf32, #tpu.memory_space<hbm>>
    %dma_start3A_730 = tpu.memref_slice %arg4[%add3A_726] : memref<9830400xf32, #tpu.memory_space<hbm>> -> memref<12800xf32, #tpu.memory_space<hbm>>
    %dma_start3A_731 = arith.constant 0 : i32
    %dma_start3A_732 = tpu.memref_slice %arg11[%dma_start3A_731] : memref<38400xf32, #tpu.memory_space<vmem>> -> memref<12800xf32, #tpu.memory_space<vmem>>
    tpu.enqueue_dma source(%dma_start3A_732 : memref<12800xf32, #tpu.memory_space<vmem>>) target(%dma_start3A_730 : memref<12800xf32, #tpu.memory_space<hbm>>) target_semaphore(%arg15 : memref<!tpu.dma_semaphore, #tpu.memory_space<semaphore_mem>>)
    %add3A_733 = arith.constant 3276800 : i32
    %add3A_734 = arith.addi %add3A_733, %mul3A_2 : i32
    %add3A_735 = arith.constant 38400 : i32
    %add3A_736 = arith.addi %add3A_734, %add3A_735 : i32
    %dma_start3A_737 = arith.constant 12800 : i32
    %dma_start3A_738 = tpu.memref_slice %arg11[%dma_start3A_737] : memref<38400xf32, #tpu.memory_space<vmem>> -> memref<12800xf32, #tpu.memory_space<vmem>>
    %dma_start3A_739 = tpu.memref_slice %arg4[%add3A_736] : memref<9830400xf32, #tpu.memory_space<hbm>> -> memref<12800xf32, #tpu.memory_space<hbm>>
    %dma_start3A_740 = tpu.memref_slice %arg4[%add3A_736] : memref<9830400xf32, #tpu.memory_space<hbm>> -> memref<12800xf32, #tpu.memory_space<hbm>>
    %dma_start3A_741 = arith.constant 12800 : i32
    %dma_start3A_742 = tpu.memref_slice %arg11[%dma_start3A_741] : memref<38400xf32, #tpu.memory_space<vmem>> -> memref<12800xf32, #tpu.memory_space<vmem>>
    tpu.enqueue_dma source(%dma_start3A_742 : memref<12800xf32, #tpu.memory_space<vmem>>) target(%dma_start3A_740 : memref<12800xf32, #tpu.memory_space<hbm>>) target_semaphore(%arg15 : memref<!tpu.dma_semaphore, #tpu.memory_space<semaphore_mem>>)
    %add3A_743 = arith.constant 6553600 : i32
    %add3A_744 = arith.addi %add3A_743, %mul3A_2 : i32
    %add3A_745 = arith.constant 38400 : i32
    %add3A_746 = arith.addi %add3A_744, %add3A_745 : i32
    %dma_start3A_747 = arith.constant 25600 : i32
    %dma_start3A_748 = tpu.memref_slice %arg11[%dma_start3A_747] : memref<38400xf32, #tpu.memory_space<vmem>> -> memref<12800xf32, #tpu.memory_space<vmem>>
    %dma_start3A_749 = tpu.memref_slice %arg4[%add3A_746] : memref<9830400xf32, #tpu.memory_space<hbm>> -> memref<12800xf32, #tpu.memory_space<hbm>>
    %dma_start3A_750 = tpu.memref_slice %arg4[%add3A_746] : memref<9830400xf32, #tpu.memory_space<hbm>> -> memref<12800xf32, #tpu.memory_space<hbm>>
    %dma_start3A_751 = arith.constant 25600 : i32
    %dma_start3A_752 = tpu.memref_slice %arg11[%dma_start3A_751] : memref<38400xf32, #tpu.memory_space<vmem>> -> memref<12800xf32, #tpu.memory_space<vmem>>
    tpu.enqueue_dma source(%dma_start3A_752 : memref<12800xf32, #tpu.memory_space<vmem>>) target(%dma_start3A_750 : memref<12800xf32, #tpu.memory_space<hbm>>) target_semaphore(%arg15 : memref<!tpu.dma_semaphore, #tpu.memory_space<semaphore_mem>>)
    %add3A_753 = arith.constant 64000 : i32
    %add3A_754 = arith.addi %mul3A_2, %add3A_753 : i32
    %dma_start3A_755 = tpu.memref_slice %arg2[%add3A_754] : memref<3276800xi32, #tpu.memory_space<hbm>> -> memref<12800xi32, #tpu.memory_space<hbm>>
    %dma_start3A_756 = tpu.memref_slice %arg2[%add3A_754] : memref<3276800xi32, #tpu.memory_space<hbm>> -> memref<12800xi32, #tpu.memory_space<hbm>>
    tpu.enqueue_dma source(%dma_start3A_756 : memref<12800xi32, #tpu.memory_space<hbm>>) target(%arg9 : memref<12800xi32, #tpu.memory_space<vmem>>) target_semaphore(%arg13 : memref<!tpu.dma_semaphore, #tpu.memory_space<semaphore_mem>>)
    %dma_wait3A_757 = tpu.memref_slice %arg2[%add3A_697] : memref<3276800xi32, #tpu.memory_space<hbm>> -> memref<12800xi32, #tpu.memory_space<hbm>>
    %dma_wait3A_758 = tpu.memref_slice %arg2[%add3A_697] : memref<3276800xi32, #tpu.memory_space<hbm>> -> memref<12800xi32, #tpu.memory_space<hbm>>
    tpu.wait_dma2 semaphore(%arg12 : memref<!tpu.dma_semaphore, #tpu.memory_space<semaphore_mem>>) src(%dma_wait3A_758 : memref<12800xi32, #tpu.memory_space<hbm>>) dst(%arg8 : memref<12800xi32, #tpu.memory_space<vmem>>)
    %dma_wait3A_759 = arith.constant 0 : i32
    %dma_wait3A_760 = tpu.memref_slice %arg10[%dma_wait3A_759] : memref<38400xf32, #tpu.memory_space<vmem>> -> memref<12800xf32, #tpu.memory_space<vmem>>
    %dma_wait3A_761 = tpu.memref_slice %arg4[%add3A_669] : memref<9830400xf32, #tpu.memory_space<hbm>> -> memref<12800xf32, #tpu.memory_space<hbm>>
    %dma_wait3A_762 = tpu.memref_slice %arg4[%add3A_669] : memref<9830400xf32, #tpu.memory_space<hbm>> -> memref<12800xf32, #tpu.memory_space<hbm>>
    %dma_wait3A_763 = arith.constant 0 : i32
    %dma_wait3A_764 = tpu.memref_slice %arg10[%dma_wait3A_763] : memref<38400xf32, #tpu.memory_space<vmem>> -> memref<12800xf32, #tpu.memory_space<vmem>>
    tpu.wait_dma2 semaphore(%arg14 : memref<!tpu.dma_semaphore, #tpu.memory_space<semaphore_mem>>) src(%dma_wait3A_764 : memref<12800xf32, #tpu.memory_space<vmem>>) dst(%dma_wait3A_762 : memref<12800xf32, #tpu.memory_space<hbm>>)
    %dma_wait3A_765 = arith.constant 12800 : i32
    %dma_wait3A_766 = tpu.memref_slice %arg10[%dma_wait3A_765] : memref<38400xf32, #tpu.memory_space<vmem>> -> memref<12800xf32, #tpu.memory_space<vmem>>
    %dma_wait3A_767 = tpu.memref_slice %arg4[%add3A_679] : memref<9830400xf32, #tpu.memory_space<hbm>> -> memref<12800xf32, #tpu.memory_space<hbm>>
    %dma_wait3A_768 = tpu.memref_slice %arg4[%add3A_679] : memref<9830400xf32, #tpu.memory_space<hbm>> -> memref<12800xf32, #tpu.memory_space<hbm>>
    %dma_wait3A_769 = arith.constant 12800 : i32
    %dma_wait3A_770 = tpu.memref_slice %arg10[%dma_wait3A_769] : memref<38400xf32, #tpu.memory_space<vmem>> -> memref<12800xf32, #tpu.memory_space<vmem>>
    tpu.wait_dma2 semaphore(%arg14 : memref<!tpu.dma_semaphore, #tpu.memory_space<semaphore_mem>>) src(%dma_wait3A_770 : memref<12800xf32, #tpu.memory_space<vmem>>) dst(%dma_wait3A_768 : memref<12800xf32, #tpu.memory_space<hbm>>)
    %dma_wait3A_771 = arith.constant 25600 : i32
    %dma_wait3A_772 = tpu.memref_slice %arg10[%dma_wait3A_771] : memref<38400xf32, #tpu.memory_space<vmem>> -> memref<12800xf32, #tpu.memory_space<vmem>>
    %dma_wait3A_773 = tpu.memref_slice %arg4[%add3A_689] : memref<9830400xf32, #tpu.memory_space<hbm>> -> memref<12800xf32, #tpu.memory_space<hbm>>
    %dma_wait3A_774 = tpu.memref_slice %arg4[%add3A_689] : memref<9830400xf32, #tpu.memory_space<hbm>> -> memref<12800xf32, #tpu.memory_space<hbm>>
    %dma_wait3A_775 = arith.constant 25600 : i32
    %dma_wait3A_776 = tpu.memref_slice %arg10[%dma_wait3A_775] : memref<38400xf32, #tpu.memory_space<vmem>> -> memref<12800xf32, #tpu.memory_space<vmem>>
    tpu.wait_dma2 semaphore(%arg14 : memref<!tpu.dma_semaphore, #tpu.memory_space<semaphore_mem>>) src(%dma_wait3A_776 : memref<12800xf32, #tpu.memory_space<vmem>>) dst(%dma_wait3A_774 : memref<12800xf32, #tpu.memory_space<hbm>>)
    %parallel_loop3A_777 = arith.constant 0 : i32
    %parallel_loop3A_778 = arith.constant 800 : i32
    %parallel_loop3A_779 = arith.constant 1 : i32
    scf.for %parallel_loop3A_1013 = %parallel_loop3A_777 to %parallel_loop3A_778 step %parallel_loop3A_779  : i32 {
      %parallel_loop3A_1014 = arith.constant 16 : i32
      %parallel_loop3A_1015 = arith.muli %parallel_loop3A_1013, %parallel_loop3A_1014 : i32
      %parallel_loop3A_1016 = arith.index_cast %parallel_loop3A_1015 : i32 to index
      %parallel_loop3A_1017 = tpu.vector_load %arg8[%parallel_loop3A_1016] {strides = array<i32>} : memref<12800xi32, #tpu.memory_space<vmem>>, vector<16xi32>,
      %parallel_loop3A_1018 = arith.constant 48 : i32
      %parallel_loop3A_1019 = vector.broadcast %parallel_loop3A_1018 : i32 to vector<16xi32>
      %parallel_loop3A_1020 = arith.muli %parallel_loop3A_1017, %parallel_loop3A_1019 : vector<16xi32>
      %parallel_loop3A_1021 = arith.addi %parallel_loop3A_1020, %iota3A : vector<16xi32>
      %parallel_loop3A_1022 = arith.constant 0 : i32
      %parallel_loop3A_1023 = vector.broadcast %parallel_loop3A_1022 : i32 to vector<16xi32>
      %parallel_loop3A_1024 = arith.addi %parallel_loop3A_1021, %parallel_loop3A_1023 : vector<16xi32>
      %parallel_loop3A_1025 = tpu.vector_load_idx %arg7[%parallel_loop3A_1024] : memref<384xf32, #tpu.memory_space<vmem>>[vector<16xi32>], vector<16xf32>,
      %parallel_loop3A_1026 = arith.constant 16 : i32
      %parallel_loop3A_1027 = arith.muli %parallel_loop3A_1013, %parallel_loop3A_1026 : i32
      %parallel_loop3A_1028 = arith.constant 0 : i32
      %parallel_loop3A_1029 = arith.addi %parallel_loop3A_1028, %parallel_loop3A_1027 : i32
      %parallel_loop3A_1030 = arith.index_cast %parallel_loop3A_1029 : i32 to index
      %parallel_loop3A_1031 = tpu.vector_load %arg10[%parallel_loop3A_1030] {strides = array<i32>} : memref<38400xf32, #tpu.memory_space<vmem>>, vector<16xf32>,
      tpu.vector_store %arg10[%parallel_loop3A_1030], %parallel_loop3A_1025 {strides = array<i32>} : memref<38400xf32, #tpu.memory_space<vmem>>, vector<16xf32>,
      %parallel_loop3A_1032 = arith.constant 16 : i32
      %parallel_loop3A_1033 = vector.broadcast %parallel_loop3A_1032 : i32 to vector<16xi32>
      %parallel_loop3A_1034 = arith.addi %parallel_loop3A_1021, %parallel_loop3A_1033 : vector<16xi32>
      %parallel_loop3A_1035 = tpu.vector_load_idx %arg7[%parallel_loop3A_1034] : memref<384xf32, #tpu.memory_space<vmem>>[vector<16xi32>], vector<16xf32>,
      %parallel_loop3A_1036 = arith.constant 16 : i32
      %parallel_loop3A_1037 = arith.muli %parallel_loop3A_1013, %parallel_loop3A_1036 : i32
      %parallel_loop3A_1038 = arith.constant 12800 : i32
      %parallel_loop3A_1039 = arith.addi %parallel_loop3A_1038, %parallel_loop3A_1037 : i32
      %parallel_loop3A_1040 = arith.index_cast %parallel_loop3A_1039 : i32 to index
      %parallel_loop3A_1041 = tpu.vector_load %arg10[%parallel_loop3A_1040] {strides = array<i32>} : memref<38400xf32, #tpu.memory_space<vmem>>, vector<16xf32>,
      tpu.vector_store %arg10[%parallel_loop3A_1040], %parallel_loop3A_1035 {strides = array<i32>} : memref<38400xf32, #tpu.memory_space<vmem>>, vector<16xf32>,
      %parallel_loop3A_1042 = arith.constant 32 : i32
      %parallel_loop3A_1043 = vector.broadcast %parallel_loop3A_1042 : i32 to vector<16xi32>
      %parallel_loop3A_1044 = arith.addi %parallel_loop3A_1021, %parallel_loop3A_1043 : vector<16xi32>
      %parallel_loop3A_1045 = tpu.vector_load_idx %arg7[%parallel_loop3A_1044] : memref<384xf32, #tpu.memory_space<vmem>>[vector<16xi32>], vector<16xf32>,
      %parallel_loop3A_1046 = arith.constant 16 : i32
      %parallel_loop3A_1047 = arith.muli %parallel_loop3A_1013, %parallel_loop3A_1046 : i32
      %parallel_loop3A_1048 = arith.constant 25600 : i32
      %parallel_loop3A_1049 = arith.addi %parallel_loop3A_1048, %parallel_loop3A_1047 : i32
      %parallel_loop3A_1050 = arith.index_cast %parallel_loop3A_1049 : i32 to index
      %parallel_loop3A_1051 = tpu.vector_load %arg10[%parallel_loop3A_1050] {strides = array<i32>} : memref<38400xf32, #tpu.memory_space<vmem>>, vector<16xf32>,
      tpu.vector_store %arg10[%parallel_loop3A_1050], %parallel_loop3A_1045 {strides = array<i32>} : memref<38400xf32, #tpu.memory_space<vmem>>, vector<16xf32>,
    } {sc.loop_unroll_factor = 8 : i64, sc.parallel_access}
    %add3A_780 = arith.constant 0 : i32
    %add3A_781 = arith.addi %add3A_780, %mul3A_2 : i32
    %add3A_782 = arith.constant 51200 : i32
    %add3A_783 = arith.addi %add3A_781, %add3A_782 : i32
    %dma_start3A_784 = arith.constant 0 : i32
    %dma_start3A_785 = tpu.memref_slice %arg10[%dma_start3A_784] : memref<38400xf32, #tpu.memory_space<vmem>> -> memref<12800xf32, #tpu.memory_space<vmem>>
    %dma_start3A_786 = tpu.memref_slice %arg4[%add3A_783] : memref<9830400xf32, #tpu.memory_space<hbm>> -> memref<12800xf32, #tpu.memory_space<hbm>>
    %dma_start3A_787 = tpu.memref_slice %arg4[%add3A_783] : memref<9830400xf32, #tpu.memory_space<hbm>> -> memref<12800xf32, #tpu.memory_space<hbm>>
    %dma_start3A_788 = arith.constant 0 : i32
    %dma_start3A_789 = tpu.memref_slice %arg10[%dma_start3A_788] : memref<38400xf32, #tpu.memory_space<vmem>> -> memref<12800xf32, #tpu.memory_space<vmem>>
    tpu.enqueue_dma source(%dma_start3A_789 : memref<12800xf32, #tpu.memory_space<vmem>>) target(%dma_start3A_787 : memref<12800xf32, #tpu.memory_space<hbm>>) target_semaphore(%arg14 : memref<!tpu.dma_semaphore, #tpu.memory_space<semaphore_mem>>)
    %add3A_790 = arith.constant 3276800 : i32
    %add3A_791 = arith.addi %add3A_790, %mul3A_2 : i32
    %add3A_792 = arith.constant 51200 : i32
    %add3A_793 = arith.addi %add3A_791, %add3A_792 : i32
    %dma_start3A_794 = arith.constant 12800 : i32
    %dma_start3A_795 = tpu.memref_slice %arg10[%dma_start3A_794] : memref<38400xf32, #tpu.memory_space<vmem>> -> memref<12800xf32, #tpu.memory_space<vmem>>
    %dma_start3A_796 = tpu.memref_slice %arg4[%add3A_793] : memref<9830400xf32, #tpu.memory_space<hbm>> -> memref<12800xf32, #tpu.memory_space<hbm>>
    %dma_start3A_797 = tpu.memref_slice %arg4[%add3A_793] : memref<9830400xf32, #tpu.memory_space<hbm>> -> memref<12800xf32, #tpu.memory_space<hbm>>
    %dma_start3A_798 = arith.constant 12800 : i32
    %dma_start3A_799 = tpu.memref_slice %arg10[%dma_start3A_798] : memref<38400xf32, #tpu.memory_space<vmem>> -> memref<12800xf32, #tpu.memory_space<vmem>>
    tpu.enqueue_dma source(%dma_start3A_799 : memref<12800xf32, #tpu.memory_space<vmem>>) target(%dma_start3A_797 : memref<12800xf32, #tpu.memory_space<hbm>>) target_semaphore(%arg14 : memref<!tpu.dma_semaphore, #tpu.memory_space<semaphore_mem>>)
    %add3A_800 = arith.constant 6553600 : i32
    %add3A_801 = arith.addi %add3A_800, %mul3A_2 : i32
    %add3A_802 = arith.constant 51200 : i32
    %add3A_803 = arith.addi %add3A_801, %add3A_802 : i32
    %dma_start3A_804 = arith.constant 25600 : i32
    %dma_start3A_805 = tpu.memref_slice %arg10[%dma_start3A_804] : memref<38400xf32, #tpu.memory_space<vmem>> -> memref<12800xf32, #tpu.memory_space<vmem>>
    %dma_start3A_806 = tpu.memref_slice %arg4[%add3A_803] : memref<9830400xf32, #tpu.memory_space<hbm>> -> memref<12800xf32, #tpu.memory_space<hbm>>
    %dma_start3A_807 = tpu.memref_slice %arg4[%add3A_803] : memref<9830400xf32, #tpu.memory_space<hbm>> -> memref<12800xf32, #tpu.memory_space<hbm>>
    %dma_start3A_808 = arith.constant 25600 : i32
    %dma_start3A_809 = tpu.memref_slice %arg10[%dma_start3A_808] : memref<38400xf32, #tpu.memory_space<vmem>> -> memref<12800xf32, #tpu.memory_space<vmem>>
    tpu.enqueue_dma source(%dma_start3A_809 : memref<12800xf32, #tpu.memory_space<vmem>>) target(%dma_start3A_807 : memref<12800xf32, #tpu.memory_space<hbm>>) target_semaphore(%arg14 : memref<!tpu.dma_semaphore, #tpu.memory_space<semaphore_mem>>)
    %add3A_810 = arith.constant 76800 : i32
    %add3A_811 = arith.addi %mul3A_2, %add3A_810 : i32
    %dma_start3A_812 = tpu.memref_slice %arg2[%add3A_811] : memref<3276800xi32, #tpu.memory_space<hbm>> -> memref<12800xi32, #tpu.memory_space<hbm>>
    %dma_start3A_813 = tpu.memref_slice %arg2[%add3A_811] : memref<3276800xi32, #tpu.memory_space<hbm>> -> memref<12800xi32, #tpu.memory_space<hbm>>
    tpu.enqueue_dma source(%dma_start3A_813 : memref<12800xi32, #tpu.memory_space<hbm>>) target(%arg8 : memref<12800xi32, #tpu.memory_space<vmem>>) target_semaphore(%arg12 : memref<!tpu.dma_semaphore, #tpu.memory_space<semaphore_mem>>)
    %dma_wait3A_814 = tpu.memref_slice %arg2[%add3A_754] : memref<3276800xi32, #tpu.memory_space<hbm>> -> memref<12800xi32, #tpu.memory_space<hbm>>
    %dma_wait3A_815 = tpu.memref_slice %arg2[%add3A_754] : memref<3276800xi32, #tpu.memory_space<hbm>> -> memref<12800xi32, #tpu.memory_space<hbm>>
    tpu.wait_dma2 semaphore(%arg13 : memref<!tpu.dma_semaphore, #tpu.memory_space<semaphore_mem>>) src(%dma_wait3A_815 : memref<12800xi32, #tpu.memory_space<hbm>>) dst(%arg9 : memref<12800xi32, #tpu.memory_space<vmem>>)
    %dma_wait3A_816 = arith.constant 0 : i32
    %dma_wait3A_817 = tpu.memref_slice %arg11[%dma_wait3A_816] : memref<38400xf32, #tpu.memory_space<vmem>> -> memref<12800xf32, #tpu.memory_space<vmem>>
    %dma_wait3A_818 = tpu.memref_slice %arg4[%add3A_726] : memref<9830400xf32, #tpu.memory_space<hbm>> -> memref<12800xf32, #tpu.memory_space<hbm>>
    %dma_wait3A_819 = tpu.memref_slice %arg4[%add3A_726] : memref<9830400xf32, #tpu.memory_space<hbm>> -> memref<12800xf32, #tpu.memory_space<hbm>>
    %dma_wait3A_820 = arith.constant 0 : i32
    %dma_wait3A_821 = tpu.memref_slice %arg11[%dma_wait3A_820] : memref<38400xf32, #tpu.memory_space<vmem>> -> memref<12800xf32, #tpu.memory_space<vmem>>
    tpu.wait_dma2 semaphore(%arg15 : memref<!tpu.dma_semaphore, #tpu.memory_space<semaphore_mem>>) src(%dma_wait3A_821 : memref<12800xf32, #tpu.memory_space<vmem>>) dst(%dma_wait3A_819 : memref<12800xf32, #tpu.memory_space<hbm>>)
    %dma_wait3A_822 = arith.constant 12800 : i32
    %dma_wait3A_823 = tpu.memref_slice %arg11[%dma_wait3A_822] : memref<38400xf32, #tpu.memory_space<vmem>> -> memref<12800xf32, #tpu.memory_space<vmem>>
    %dma_wait3A_824 = tpu.memref_slice %arg4[%add3A_736] : memref<9830400xf32, #tpu.memory_space<hbm>> -> memref<12800xf32, #tpu.memory_space<hbm>>
    %dma_wait3A_825 = tpu.memref_slice %arg4[%add3A_736] : memref<9830400xf32, #tpu.memory_space<hbm>> -> memref<12800xf32, #tpu.memory_space<hbm>>
    %dma_wait3A_826 = arith.constant 12800 : i32
    %dma_wait3A_827 = tpu.memref_slice %arg11[%dma_wait3A_826] : memref<38400xf32, #tpu.memory_space<vmem>> -> memref<12800xf32, #tpu.memory_space<vmem>>
    tpu.wait_dma2 semaphore(%arg15 : memref<!tpu.dma_semaphore, #tpu.memory_space<semaphore_mem>>) src(%dma_wait3A_827 : memref<12800xf32, #tpu.memory_space<vmem>>) dst(%dma_wait3A_825 : memref<12800xf32, #tpu.memory_space<hbm>>)
    %dma_wait3A_828 = arith.constant 25600 : i32
    %dma_wait3A_829 = tpu.memref_slice %arg11[%dma_wait3A_828] : memref<38400xf32, #tpu.memory_space<vmem>> -> memref<12800xf32, #tpu.memory_space<vmem>>
    %dma_wait3A_830 = tpu.memref_slice %arg4[%add3A_746] : memref<9830400xf32, #tpu.memory_space<hbm>> -> memref<12800xf32, #tpu.memory_space<hbm>>
    %dma_wait3A_831 = tpu.memref_slice %arg4[%add3A_746] : memref<9830400xf32, #tpu.memory_space<hbm>> -> memref<12800xf32, #tpu.memory_space<hbm>>
    %dma_wait3A_832 = arith.constant 25600 : i32
    %dma_wait3A_833 = tpu.memref_slice %arg11[%dma_wait3A_832] : memref<38400xf32, #tpu.memory_space<vmem>> -> memref<12800xf32, #tpu.memory_space<vmem>>
    tpu.wait_dma2 semaphore(%arg15 : memref<!tpu.dma_semaphore, #tpu.memory_space<semaphore_mem>>) src(%dma_wait3A_833 : memref<12800xf32, #tpu.memory_space<vmem>>) dst(%dma_wait3A_831 : memref<12800xf32, #tpu.memory_space<hbm>>)
    %parallel_loop3A_834 = arith.constant 0 : i32
    %parallel_loop3A_835 = arith.constant 800 : i32
    %parallel_loop3A_836 = arith.constant 1 : i32
    scf.for %parallel_loop3A_1013 = %parallel_loop3A_834 to %parallel_loop3A_835 step %parallel_loop3A_836  : i32 {
      %parallel_loop3A_1014 = arith.constant 16 : i32
      %parallel_loop3A_1015 = arith.muli %parallel_loop3A_1013, %parallel_loop3A_1014 : i32
      %parallel_loop3A_1016 = arith.index_cast %parallel_loop3A_1015 : i32 to index
      %parallel_loop3A_1017 = tpu.vector_load %arg9[%parallel_loop3A_1016] {strides = array<i32>} : memref<12800xi32, #tpu.memory_space<vmem>>, vector<16xi32>,
      %parallel_loop3A_1018 = arith.constant 48 : i32
      %parallel_loop3A_1019 = vector.broadcast %parallel_loop3A_1018 : i32 to vector<16xi32>
      %parallel_loop3A_1020 = arith.muli %parallel_loop3A_1017, %parallel_loop3A_1019 : vector<16xi32>
      %parallel_loop3A_1021 = arith.addi %parallel_loop3A_1020, %iota3A : vector<16xi32>
      %parallel_loop3A_1022 = arith.constant 0 : i32
      %parallel_loop3A_1023 = vector.broadcast %parallel_loop3A_1022 : i32 to vector<16xi32>
      %parallel_loop3A_1024 = arith.addi %parallel_loop3A_1021, %parallel_loop3A_1023 : vector<16xi32>
      %parallel_loop3A_1025 = tpu.vector_load_idx %arg7[%parallel_loop3A_1024] : memref<384xf32, #tpu.memory_space<vmem>>[vector<16xi32>], vector<16xf32>,
      %parallel_loop3A_1026 = arith.constant 16 : i32
      %parallel_loop3A_1027 = arith.muli %parallel_loop3A_1013, %parallel_loop3A_1026 : i32
      %parallel_loop3A_1028 = arith.constant 0 : i32
      %parallel_loop3A_1029 = arith.addi %parallel_loop3A_1028, %parallel_loop3A_1027 : i32
      %parallel_loop3A_1030 = arith.index_cast %parallel_loop3A_1029 : i32 to index
      %parallel_loop3A_1031 = tpu.vector_load %arg11[%parallel_loop3A_1030] {strides = array<i32>} : memref<38400xf32, #tpu.memory_space<vmem>>, vector<16xf32>,
      tpu.vector_store %arg11[%parallel_loop3A_1030], %parallel_loop3A_1025 {strides = array<i32>} : memref<38400xf32, #tpu.memory_space<vmem>>, vector<16xf32>,
      %parallel_loop3A_1032 = arith.constant 16 : i32
      %parallel_loop3A_1033 = vector.broadcast %parallel_loop3A_1032 : i32 to vector<16xi32>
      %parallel_loop3A_1034 = arith.addi %parallel_loop3A_1021, %parallel_loop3A_1033 : vector<16xi32>
      %parallel_loop3A_1035 = tpu.vector_load_idx %arg7[%parallel_loop3A_1034] : memref<384xf32, #tpu.memory_space<vmem>>[vector<16xi32>], vector<16xf32>,
      %parallel_loop3A_1036 = arith.constant 16 : i32
      %parallel_loop3A_1037 = arith.muli %parallel_loop3A_1013, %parallel_loop3A_1036 : i32
      %parallel_loop3A_1038 = arith.constant 12800 : i32
      %parallel_loop3A_1039 = arith.addi %parallel_loop3A_1038, %parallel_loop3A_1037 : i32
      %parallel_loop3A_1040 = arith.index_cast %parallel_loop3A_1039 : i32 to index
      %parallel_loop3A_1041 = tpu.vector_load %arg11[%parallel_loop3A_1040] {strides = array<i32>} : memref<38400xf32, #tpu.memory_space<vmem>>, vector<16xf32>,
      tpu.vector_store %arg11[%parallel_loop3A_1040], %parallel_loop3A_1035 {strides = array<i32>} : memref<38400xf32, #tpu.memory_space<vmem>>, vector<16xf32>,
      %parallel_loop3A_1042 = arith.constant 32 : i32
      %parallel_loop3A_1043 = vector.broadcast %parallel_loop3A_1042 : i32 to vector<16xi32>
      %parallel_loop3A_1044 = arith.addi %parallel_loop3A_1021, %parallel_loop3A_1043 : vector<16xi32>
      %parallel_loop3A_1045 = tpu.vector_load_idx %arg7[%parallel_loop3A_1044] : memref<384xf32, #tpu.memory_space<vmem>>[vector<16xi32>], vector<16xf32>,
      %parallel_loop3A_1046 = arith.constant 16 : i32
      %parallel_loop3A_1047 = arith.muli %parallel_loop3A_1013, %parallel_loop3A_1046 : i32
      %parallel_loop3A_1048 = arith.constant 25600 : i32
      %parallel_loop3A_1049 = arith.addi %parallel_loop3A_1048, %parallel_loop3A_1047 : i32
      %parallel_loop3A_1050 = arith.index_cast %parallel_loop3A_1049 : i32 to index
      %parallel_loop3A_1051 = tpu.vector_load %arg11[%parallel_loop3A_1050] {strides = array<i32>} : memref<38400xf32, #tpu.memory_space<vmem>>, vector<16xf32>,
      tpu.vector_store %arg11[%parallel_loop3A_1050], %parallel_loop3A_1045 {strides = array<i32>} : memref<38400xf32, #tpu.memory_space<vmem>>, vector<16xf32>,
    } {sc.loop_unroll_factor = 8 : i64, sc.parallel_access}
    %add3A_837 = arith.constant 0 : i32
    %add3A_838 = arith.addi %add3A_837, %mul3A_2 : i32
    %add3A_839 = arith.constant 64000 : i32
    %add3A_840 = arith.addi %add3A_838, %add3A_839 : i32
    %dma_start3A_841 = arith.constant 0 : i32
    %dma_start3A_842 = tpu.memref_slice %arg11[%dma_start3A_841] : memref<38400xf32, #tpu.memory_space<vmem>> -> memref<12800xf32, #tpu.memory_space<vmem>>
    %dma_start3A_843 = tpu.memref_slice %arg4[%add3A_840] : memref<9830400xf32, #tpu.memory_space<hbm>> -> memref<12800xf32, #tpu.memory_space<hbm>>
    %dma_start3A_844 = tpu.memref_slice %arg4[%add3A_840] : memref<9830400xf32, #tpu.memory_space<hbm>> -> memref<12800xf32, #tpu.memory_space<hbm>>
    %dma_start3A_845 = arith.constant 0 : i32
    %dma_start3A_846 = tpu.memref_slice %arg11[%dma_start3A_845] : memref<38400xf32, #tpu.memory_space<vmem>> -> memref<12800xf32, #tpu.memory_space<vmem>>
    tpu.enqueue_dma source(%dma_start3A_846 : memref<12800xf32, #tpu.memory_space<vmem>>) target(%dma_start3A_844 : memref<12800xf32, #tpu.memory_space<hbm>>) target_semaphore(%arg15 : memref<!tpu.dma_semaphore, #tpu.memory_space<semaphore_mem>>)
    %add3A_847 = arith.constant 3276800 : i32
    %add3A_848 = arith.addi %add3A_847, %mul3A_2 : i32
    %add3A_849 = arith.constant 64000 : i32
    %add3A_850 = arith.addi %add3A_848, %add3A_849 : i32
    %dma_start3A_851 = arith.constant 12800 : i32
    %dma_start3A_852 = tpu.memref_slice %arg11[%dma_start3A_851] : memref<38400xf32, #tpu.memory_space<vmem>> -> memref<12800xf32, #tpu.memory_space<vmem>>
    %dma_start3A_853 = tpu.memref_slice %arg4[%add3A_850] : memref<9830400xf32, #tpu.memory_space<hbm>> -> memref<12800xf32, #tpu.memory_space<hbm>>
    %dma_start3A_854 = tpu.memref_slice %arg4[%add3A_850] : memref<9830400xf32, #tpu.memory_space<hbm>> -> memref<12800xf32, #tpu.memory_space<hbm>>
    %dma_start3A_855 = arith.constant 12800 : i32
    %dma_start3A_856 = tpu.memref_slice %arg11[%dma_start3A_855] : memref<38400xf32, #tpu.memory_space<vmem>> -> memref<12800xf32, #tpu.memory_space<vmem>>
    tpu.enqueue_dma source(%dma_start3A_856 : memref<12800xf32, #tpu.memory_space<vmem>>) target(%dma_start3A_854 : memref<12800xf32, #tpu.memory_space<hbm>>) target_semaphore(%arg15 : memref<!tpu.dma_semaphore, #tpu.memory_space<semaphore_mem>>)
    %add3A_857 = arith.constant 6553600 : i32
    %add3A_858 = arith.addi %add3A_857, %mul3A_2 : i32
    %add3A_859 = arith.constant 64000 : i32
    %add3A_860 = arith.addi %add3A_858, %add3A_859 : i32
    %dma_start3A_861 = arith.constant 25600 : i32
    %dma_start3A_862 = tpu.memref_slice %arg11[%dma_start3A_861] : memref<38400xf32, #tpu.memory_space<vmem>> -> memref<12800xf32, #tpu.memory_space<vmem>>
    %dma_start3A_863 = tpu.memref_slice %arg4[%add3A_860] : memref<9830400xf32, #tpu.memory_space<hbm>> -> memref<12800xf32, #tpu.memory_space<hbm>>
    %dma_start3A_864 = tpu.memref_slice %arg4[%add3A_860] : memref<9830400xf32, #tpu.memory_space<hbm>> -> memref<12800xf32, #tpu.memory_space<hbm>>
    %dma_start3A_865 = arith.constant 25600 : i32
    %dma_start3A_866 = tpu.memref_slice %arg11[%dma_start3A_865] : memref<38400xf32, #tpu.memory_space<vmem>> -> memref<12800xf32, #tpu.memory_space<vmem>>
    tpu.enqueue_dma source(%dma_start3A_866 : memref<12800xf32, #tpu.memory_space<vmem>>) target(%dma_start3A_864 : memref<12800xf32, #tpu.memory_space<hbm>>) target_semaphore(%arg15 : memref<!tpu.dma_semaphore, #tpu.memory_space<semaphore_mem>>)
    %add3A_867 = arith.constant 89600 : i32
    %add3A_868 = arith.addi %mul3A_2, %add3A_867 : i32
    %dma_start3A_869 = tpu.memref_slice %arg2[%add3A_868] : memref<3276800xi32, #tpu.memory_space<hbm>> -> memref<12800xi32, #tpu.memory_space<hbm>>
    %dma_start3A_870 = tpu.memref_slice %arg2[%add3A_868] : memref<3276800xi32, #tpu.memory_space<hbm>> -> memref<12800xi32, #tpu.memory_space<hbm>>
    tpu.enqueue_dma source(%dma_start3A_870 : memref<12800xi32, #tpu.memory_space<hbm>>) target(%arg9 : memref<12800xi32, #tpu.memory_space<vmem>>) target_semaphore(%arg13 : memref<!tpu.dma_semaphore, #tpu.memory_space<semaphore_mem>>)
    %dma_wait3A_871 = tpu.memref_slice %arg2[%add3A_811] : memref<3276800xi32, #tpu.memory_space<hbm>> -> memref<12800xi32, #tpu.memory_space<hbm>>
    %dma_wait3A_872 = tpu.memref_slice %arg2[%add3A_811] : memref<3276800xi32, #tpu.memory_space<hbm>> -> memref<12800xi32, #tpu.memory_space<hbm>>
    tpu.wait_dma2 semaphore(%arg12 : memref<!tpu.dma_semaphore, #tpu.memory_space<semaphore_mem>>) src(%dma_wait3A_872 : memref<12800xi32, #tpu.memory_space<hbm>>) dst(%arg8 : memref<12800xi32, #tpu.memory_space<vmem>>)
    %dma_wait3A_873 = arith.constant 0 : i32
    %dma_wait3A_874 = tpu.memref_slice %arg10[%dma_wait3A_873] : memref<38400xf32, #tpu.memory_space<vmem>> -> memref<12800xf32, #tpu.memory_space<vmem>>
    %dma_wait3A_875 = tpu.memref_slice %arg4[%add3A_783] : memref<9830400xf32, #tpu.memory_space<hbm>> -> memref<12800xf32, #tpu.memory_space<hbm>>
    %dma_wait3A_876 = tpu.memref_slice %arg4[%add3A_783] : memref<9830400xf32, #tpu.memory_space<hbm>> -> memref<12800xf32, #tpu.memory_space<hbm>>
    %dma_wait3A_877 = arith.constant 0 : i32
    %dma_wait3A_878 = tpu.memref_slice %arg10[%dma_wait3A_877] : memref<38400xf32, #tpu.memory_space<vmem>> -> memref<12800xf32, #tpu.memory_space<vmem>>
    tpu.wait_dma2 semaphore(%arg14 : memref<!tpu.dma_semaphore, #tpu.memory_space<semaphore_mem>>) src(%dma_wait3A_878 : memref<12800xf32, #tpu.memory_space<vmem>>) dst(%dma_wait3A_876 : memref<12800xf32, #tpu.memory_space<hbm>>)
    %dma_wait3A_879 = arith.constant 12800 : i32
    %dma_wait3A_880 = tpu.memref_slice %arg10[%dma_wait3A_879] : memref<38400xf32, #tpu.memory_space<vmem>> -> memref<12800xf32, #tpu.memory_space<vmem>>
    %dma_wait3A_881 = tpu.memref_slice %arg4[%add3A_793] : memref<9830400xf32, #tpu.memory_space<hbm>> -> memref<12800xf32, #tpu.memory_space<hbm>>
    %dma_wait3A_882 = tpu.memref_slice %arg4[%add3A_793] : memref<9830400xf32, #tpu.memory_space<hbm>> -> memref<12800xf32, #tpu.memory_space<hbm>>
    %dma_wait3A_883 = arith.constant 12800 : i32
    %dma_wait3A_884 = tpu.memref_slice %arg10[%dma_wait3A_883] : memref<38400xf32, #tpu.memory_space<vmem>> -> memref<12800xf32, #tpu.memory_space<vmem>>
    tpu.wait_dma2 semaphore(%arg14 : memref<!tpu.dma_semaphore, #tpu.memory_space<semaphore_mem>>) src(%dma_wait3A_884 : memref<12800xf32, #tpu.memory_space<vmem>>) dst(%dma_wait3A_882 : memref<12800xf32, #tpu.memory_space<hbm>>)
    %dma_wait3A_885 = arith.constant 25600 : i32
    %dma_wait3A_886 = tpu.memref_slice %arg10[%dma_wait3A_885] : memref<38400xf32, #tpu.memory_space<vmem>> -> memref<12800xf32, #tpu.memory_space<vmem>>
    %dma_wait3A_887 = tpu.memref_slice %arg4[%add3A_803] : memref<9830400xf32, #tpu.memory_space<hbm>> -> memref<12800xf32, #tpu.memory_space<hbm>>
    %dma_wait3A_888 = tpu.memref_slice %arg4[%add3A_803] : memref<9830400xf32, #tpu.memory_space<hbm>> -> memref<12800xf32, #tpu.memory_space<hbm>>
    %dma_wait3A_889 = arith.constant 25600 : i32
    %dma_wait3A_890 = tpu.memref_slice %arg10[%dma_wait3A_889] : memref<38400xf32, #tpu.memory_space<vmem>> -> memref<12800xf32, #tpu.memory_space<vmem>>
    tpu.wait_dma2 semaphore(%arg14 : memref<!tpu.dma_semaphore, #tpu.memory_space<semaphore_mem>>) src(%dma_wait3A_890 : memref<12800xf32, #tpu.memory_space<vmem>>) dst(%dma_wait3A_888 : memref<12800xf32, #tpu.memory_space<hbm>>)
    %parallel_loop3A_891 = arith.constant 0 : i32
    %parallel_loop3A_892 = arith.constant 800 : i32
    %parallel_loop3A_893 = arith.constant 1 : i32
    scf.for %parallel_loop3A_1013 = %parallel_loop3A_891 to %parallel_loop3A_892 step %parallel_loop3A_893  : i32 {
      %parallel_loop3A_1014 = arith.constant 16 : i32
      %parallel_loop3A_1015 = arith.muli %parallel_loop3A_1013, %parallel_loop3A_1014 : i32
      %parallel_loop3A_1016 = arith.index_cast %parallel_loop3A_1015 : i32 to index
      %parallel_loop3A_1017 = tpu.vector_load %arg8[%parallel_loop3A_1016] {strides = array<i32>} : memref<12800xi32, #tpu.memory_space<vmem>>, vector<16xi32>,
      %parallel_loop3A_1018 = arith.constant 48 : i32
      %parallel_loop3A_1019 = vector.broadcast %parallel_loop3A_1018 : i32 to vector<16xi32>
      %parallel_loop3A_1020 = arith.muli %parallel_loop3A_1017, %parallel_loop3A_1019 : vector<16xi32>
      %parallel_loop3A_1021 = arith.addi %parallel_loop3A_1020, %iota3A : vector<16xi32>
      %parallel_loop3A_1022 = arith.constant 0 : i32
      %parallel_loop3A_1023 = vector.broadcast %parallel_loop3A_1022 : i32 to vector<16xi32>
      %parallel_loop3A_1024 = arith.addi %parallel_loop3A_1021, %parallel_loop3A_1023 : vector<16xi32>
      %parallel_loop3A_1025 = tpu.vector_load_idx %arg7[%parallel_loop3A_1024] : memref<384xf32, #tpu.memory_space<vmem>>[vector<16xi32>], vector<16xf32>,
      %parallel_loop3A_1026 = arith.constant 16 : i32
      %parallel_loop3A_1027 = arith.muli %parallel_loop3A_1013, %parallel_loop3A_1026 : i32
      %parallel_loop3A_1028 = arith.constant 0 : i32
      %parallel_loop3A_1029 = arith.addi %parallel_loop3A_1028, %parallel_loop3A_1027 : i32
      %parallel_loop3A_1030 = arith.index_cast %parallel_loop3A_1029 : i32 to index
      %parallel_loop3A_1031 = tpu.vector_load %arg10[%parallel_loop3A_1030] {strides = array<i32>} : memref<38400xf32, #tpu.memory_space<vmem>>, vector<16xf32>,
      tpu.vector_store %arg10[%parallel_loop3A_1030], %parallel_loop3A_1025 {strides = array<i32>} : memref<38400xf32, #tpu.memory_space<vmem>>, vector<16xf32>,
      %parallel_loop3A_1032 = arith.constant 16 : i32
      %parallel_loop3A_1033 = vector.broadcast %parallel_loop3A_1032 : i32 to vector<16xi32>
      %parallel_loop3A_1034 = arith.addi %parallel_loop3A_1021, %parallel_loop3A_1033 : vector<16xi32>
      %parallel_loop3A_1035 = tpu.vector_load_idx %arg7[%parallel_loop3A_1034] : memref<384xf32, #tpu.memory_space<vmem>>[vector<16xi32>], vector<16xf32>,
      %parallel_loop3A_1036 = arith.constant 16 : i32
      %parallel_loop3A_1037 = arith.muli %parallel_loop3A_1013, %parallel_loop3A_1036 : i32
      %parallel_loop3A_1038 = arith.constant 12800 : i32
      %parallel_loop3A_1039 = arith.addi %parallel_loop3A_1038, %parallel_loop3A_1037 : i32
      %parallel_loop3A_1040 = arith.index_cast %parallel_loop3A_1039 : i32 to index
      %parallel_loop3A_1041 = tpu.vector_load %arg10[%parallel_loop3A_1040] {strides = array<i32>} : memref<38400xf32, #tpu.memory_space<vmem>>, vector<16xf32>,
      tpu.vector_store %arg10[%parallel_loop3A_1040], %parallel_loop3A_1035 {strides = array<i32>} : memref<38400xf32, #tpu.memory_space<vmem>>, vector<16xf32>,
      %parallel_loop3A_1042 = arith.constant 32 : i32
      %parallel_loop3A_1043 = vector.broadcast %parallel_loop3A_1042 : i32 to vector<16xi32>
      %parallel_loop3A_1044 = arith.addi %parallel_loop3A_1021, %parallel_loop3A_1043 : vector<16xi32>
      %parallel_loop3A_1045 = tpu.vector_load_idx %arg7[%parallel_loop3A_1044] : memref<384xf32, #tpu.memory_space<vmem>>[vector<16xi32>], vector<16xf32>,
      %parallel_loop3A_1046 = arith.constant 16 : i32
      %parallel_loop3A_1047 = arith.muli %parallel_loop3A_1013, %parallel_loop3A_1046 : i32
      %parallel_loop3A_1048 = arith.constant 25600 : i32
      %parallel_loop3A_1049 = arith.addi %parallel_loop3A_1048, %parallel_loop3A_1047 : i32
      %parallel_loop3A_1050 = arith.index_cast %parallel_loop3A_1049 : i32 to index
      %parallel_loop3A_1051 = tpu.vector_load %arg10[%parallel_loop3A_1050] {strides = array<i32>} : memref<38400xf32, #tpu.memory_space<vmem>>, vector<16xf32>,
      tpu.vector_store %arg10[%parallel_loop3A_1050], %parallel_loop3A_1045 {strides = array<i32>} : memref<38400xf32, #tpu.memory_space<vmem>>, vector<16xf32>,
    } {sc.loop_unroll_factor = 8 : i64, sc.parallel_access}
    %add3A_894 = arith.constant 0 : i32
    %add3A_895 = arith.addi %add3A_894, %mul3A_2 : i32
    %add3A_896 = arith.constant 76800 : i32
    %add3A_897 = arith.addi %add3A_895, %add3A_896 : i32
    %dma_start3A_898 = arith.constant 0 : i32
    %dma_start3A_899 = tpu.memref_slice %arg10[%dma_start3A_898] : memref<38400xf32, #tpu.memory_space<vmem>> -> memref<12800xf32, #tpu.memory_space<vmem>>
    %dma_start3A_900 = tpu.memref_slice %arg4[%add3A_897] : memref<9830400xf32, #tpu.memory_space<hbm>> -> memref<12800xf32, #tpu.memory_space<hbm>>
    %dma_start3A_901 = tpu.memref_slice %arg4[%add3A_897] : memref<9830400xf32, #tpu.memory_space<hbm>> -> memref<12800xf32, #tpu.memory_space<hbm>>
    %dma_start3A_902 = arith.constant 0 : i32
    %dma_start3A_903 = tpu.memref_slice %arg10[%dma_start3A_902] : memref<38400xf32, #tpu.memory_space<vmem>> -> memref<12800xf32, #tpu.memory_space<vmem>>
    tpu.enqueue_dma source(%dma_start3A_903 : memref<12800xf32, #tpu.memory_space<vmem>>) target(%dma_start3A_901 : memref<12800xf32, #tpu.memory_space<hbm>>) target_semaphore(%arg14 : memref<!tpu.dma_semaphore, #tpu.memory_space<semaphore_mem>>)
    %add3A_904 = arith.constant 3276800 : i32
    %add3A_905 = arith.addi %add3A_904, %mul3A_2 : i32
    %add3A_906 = arith.constant 76800 : i32
    %add3A_907 = arith.addi %add3A_905, %add3A_906 : i32
    %dma_start3A_908 = arith.constant 12800 : i32
    %dma_start3A_909 = tpu.memref_slice %arg10[%dma_start3A_908] : memref<38400xf32, #tpu.memory_space<vmem>> -> memref<12800xf32, #tpu.memory_space<vmem>>
    %dma_start3A_910 = tpu.memref_slice %arg4[%add3A_907] : memref<9830400xf32, #tpu.memory_space<hbm>> -> memref<12800xf32, #tpu.memory_space<hbm>>
    %dma_start3A_911 = tpu.memref_slice %arg4[%add3A_907] : memref<9830400xf32, #tpu.memory_space<hbm>> -> memref<12800xf32, #tpu.memory_space<hbm>>
    %dma_start3A_912 = arith.constant 12800 : i32
    %dma_start3A_913 = tpu.memref_slice %arg10[%dma_start3A_912] : memref<38400xf32, #tpu.memory_space<vmem>> -> memref<12800xf32, #tpu.memory_space<vmem>>
    tpu.enqueue_dma source(%dma_start3A_913 : memref<12800xf32, #tpu.memory_space<vmem>>) target(%dma_start3A_911 : memref<12800xf32, #tpu.memory_space<hbm>>) target_semaphore(%arg14 : memref<!tpu.dma_semaphore, #tpu.memory_space<semaphore_mem>>)
    %add3A_914 = arith.constant 6553600 : i32
    %add3A_915 = arith.addi %add3A_914, %mul3A_2 : i32
    %add3A_916 = arith.constant 76800 : i32
    %add3A_917 = arith.addi %add3A_915, %add3A_916 : i32
    %dma_start3A_918 = arith.constant 25600 : i32
    %dma_start3A_919 = tpu.memref_slice %arg10[%dma_start3A_918] : memref<38400xf32, #tpu.memory_space<vmem>> -> memref<12800xf32, #tpu.memory_space<vmem>>
    %dma_start3A_920 = tpu.memref_slice %arg4[%add3A_917] : memref<9830400xf32, #tpu.memory_space<hbm>> -> memref<12800xf32, #tpu.memory_space<hbm>>
    %dma_start3A_921 = tpu.memref_slice %arg4[%add3A_917] : memref<9830400xf32, #tpu.memory_space<hbm>> -> memref<12800xf32, #tpu.memory_space<hbm>>
    %dma_start3A_922 = arith.constant 25600 : i32
    %dma_start3A_923 = tpu.memref_slice %arg10[%dma_start3A_922] : memref<38400xf32, #tpu.memory_space<vmem>> -> memref<12800xf32, #tpu.memory_space<vmem>>
    tpu.enqueue_dma source(%dma_start3A_923 : memref<12800xf32, #tpu.memory_space<vmem>>) target(%dma_start3A_921 : memref<12800xf32, #tpu.memory_space<hbm>>) target_semaphore(%arg14 : memref<!tpu.dma_semaphore, #tpu.memory_space<semaphore_mem>>)
    %dma_wait3A_924 = tpu.memref_slice %arg2[%add3A_868] : memref<3276800xi32, #tpu.memory_space<hbm>> -> memref<12800xi32, #tpu.memory_space<hbm>>
    %dma_wait3A_925 = tpu.memref_slice %arg2[%add3A_868] : memref<3276800xi32, #tpu.memory_space<hbm>> -> memref<12800xi32, #tpu.memory_space<hbm>>
    tpu.wait_dma2 semaphore(%arg13 : memref<!tpu.dma_semaphore, #tpu.memory_space<semaphore_mem>>) src(%dma_wait3A_925 : memref<12800xi32, #tpu.memory_space<hbm>>) dst(%arg9 : memref<12800xi32, #tpu.memory_space<vmem>>)
    %dma_wait3A_926 = arith.constant 0 : i32
    %dma_wait3A_927 = tpu.memref_slice %arg11[%dma_wait3A_926] : memref<38400xf32, #tpu.memory_space<vmem>> -> memref<12800xf32, #tpu.memory_space<vmem>>
    %dma_wait3A_928 = tpu.memref_slice %arg4[%add3A_840] : memref<9830400xf32, #tpu.memory_space<hbm>> -> memref<12800xf32, #tpu.memory_space<hbm>>
    %dma_wait3A_929 = tpu.memref_slice %arg4[%add3A_840] : memref<9830400xf32, #tpu.memory_space<hbm>> -> memref<12800xf32, #tpu.memory_space<hbm>>
    %dma_wait3A_930 = arith.constant 0 : i32
    %dma_wait3A_931 = tpu.memref_slice %arg11[%dma_wait3A_930] : memref<38400xf32, #tpu.memory_space<vmem>> -> memref<12800xf32, #tpu.memory_space<vmem>>
    tpu.wait_dma2 semaphore(%arg15 : memref<!tpu.dma_semaphore, #tpu.memory_space<semaphore_mem>>) src(%dma_wait3A_931 : memref<12800xf32, #tpu.memory_space<vmem>>) dst(%dma_wait3A_929 : memref<12800xf32, #tpu.memory_space<hbm>>)
    %dma_wait3A_932 = arith.constant 12800 : i32
    %dma_wait3A_933 = tpu.memref_slice %arg11[%dma_wait3A_932] : memref<38400xf32, #tpu.memory_space<vmem>> -> memref<12800xf32, #tpu.memory_space<vmem>>
    %dma_wait3A_934 = tpu.memref_slice %arg4[%add3A_850] : memref<9830400xf32, #tpu.memory_space<hbm>> -> memref<12800xf32, #tpu.memory_space<hbm>>
    %dma_wait3A_935 = tpu.memref_slice %arg4[%add3A_850] : memref<9830400xf32, #tpu.memory_space<hbm>> -> memref<12800xf32, #tpu.memory_space<hbm>>
    %dma_wait3A_936 = arith.constant 12800 : i32
    %dma_wait3A_937 = tpu.memref_slice %arg11[%dma_wait3A_936] : memref<38400xf32, #tpu.memory_space<vmem>> -> memref<12800xf32, #tpu.memory_space<vmem>>
    tpu.wait_dma2 semaphore(%arg15 : memref<!tpu.dma_semaphore, #tpu.memory_space<semaphore_mem>>) src(%dma_wait3A_937 : memref<12800xf32, #tpu.memory_space<vmem>>) dst(%dma_wait3A_935 : memref<12800xf32, #tpu.memory_space<hbm>>)
    %dma_wait3A_938 = arith.constant 25600 : i32
    %dma_wait3A_939 = tpu.memref_slice %arg11[%dma_wait3A_938] : memref<38400xf32, #tpu.memory_space<vmem>> -> memref<12800xf32, #tpu.memory_space<vmem>>
    %dma_wait3A_940 = tpu.memref_slice %arg4[%add3A_860] : memref<9830400xf32, #tpu.memory_space<hbm>> -> memref<12800xf32, #tpu.memory_space<hbm>>
    %dma_wait3A_941 = tpu.memref_slice %arg4[%add3A_860] : memref<9830400xf32, #tpu.memory_space<hbm>> -> memref<12800xf32, #tpu.memory_space<hbm>>
    %dma_wait3A_942 = arith.constant 25600 : i32
    %dma_wait3A_943 = tpu.memref_slice %arg11[%dma_wait3A_942] : memref<38400xf32, #tpu.memory_space<vmem>> -> memref<12800xf32, #tpu.memory_space<vmem>>
    tpu.wait_dma2 semaphore(%arg15 : memref<!tpu.dma_semaphore, #tpu.memory_space<semaphore_mem>>) src(%dma_wait3A_943 : memref<12800xf32, #tpu.memory_space<vmem>>) dst(%dma_wait3A_941 : memref<12800xf32, #tpu.memory_space<hbm>>)
    %parallel_loop3A_944 = arith.constant 0 : i32
    %parallel_loop3A_945 = arith.constant 800 : i32
    %parallel_loop3A_946 = arith.constant 1 : i32
    scf.for %parallel_loop3A_1013 = %parallel_loop3A_944 to %parallel_loop3A_945 step %parallel_loop3A_946  : i32 {
      %parallel_loop3A_1014 = arith.constant 16 : i32
      %parallel_loop3A_1015 = arith.muli %parallel_loop3A_1013, %parallel_loop3A_1014 : i32
      %parallel_loop3A_1016 = arith.index_cast %parallel_loop3A_1015 : i32 to index
      %parallel_loop3A_1017 = tpu.vector_load %arg9[%parallel_loop3A_1016] {strides = array<i32>} : memref<12800xi32, #tpu.memory_space<vmem>>, vector<16xi32>,
      %parallel_loop3A_1018 = arith.constant 48 : i32
      %parallel_loop3A_1019 = vector.broadcast %parallel_loop3A_1018 : i32 to vector<16xi32>
      %parallel_loop3A_1020 = arith.muli %parallel_loop3A_1017, %parallel_loop3A_1019 : vector<16xi32>
      %parallel_loop3A_1021 = arith.addi %parallel_loop3A_1020, %iota3A : vector<16xi32>
      %parallel_loop3A_1022 = arith.constant 0 : i32
      %parallel_loop3A_1023 = vector.broadcast %parallel_loop3A_1022 : i32 to vector<16xi32>
      %parallel_loop3A_1024 = arith.addi %parallel_loop3A_1021, %parallel_loop3A_1023 : vector<16xi32>
      %parallel_loop3A_1025 = tpu.vector_load_idx %arg7[%parallel_loop3A_1024] : memref<384xf32, #tpu.memory_space<vmem>>[vector<16xi32>], vector<16xf32>,
      %parallel_loop3A_1026 = arith.constant 16 : i32
      %parallel_loop3A_1027 = arith.muli %parallel_loop3A_1013, %parallel_loop3A_1026 : i32
      %parallel_loop3A_1028 = arith.constant 0 : i32
      %parallel_loop3A_1029 = arith.addi %parallel_loop3A_1028, %parallel_loop3A_1027 : i32
      %parallel_loop3A_1030 = arith.index_cast %parallel_loop3A_1029 : i32 to index
      %parallel_loop3A_1031 = tpu.vector_load %arg11[%parallel_loop3A_1030] {strides = array<i32>} : memref<38400xf32, #tpu.memory_space<vmem>>, vector<16xf32>,
      tpu.vector_store %arg11[%parallel_loop3A_1030], %parallel_loop3A_1025 {strides = array<i32>} : memref<38400xf32, #tpu.memory_space<vmem>>, vector<16xf32>,
      %parallel_loop3A_1032 = arith.constant 16 : i32
      %parallel_loop3A_1033 = vector.broadcast %parallel_loop3A_1032 : i32 to vector<16xi32>
      %parallel_loop3A_1034 = arith.addi %parallel_loop3A_1021, %parallel_loop3A_1033 : vector<16xi32>
      %parallel_loop3A_1035 = tpu.vector_load_idx %arg7[%parallel_loop3A_1034] : memref<384xf32, #tpu.memory_space<vmem>>[vector<16xi32>], vector<16xf32>,
      %parallel_loop3A_1036 = arith.constant 16 : i32
      %parallel_loop3A_1037 = arith.muli %parallel_loop3A_1013, %parallel_loop3A_1036 : i32
      %parallel_loop3A_1038 = arith.constant 12800 : i32
      %parallel_loop3A_1039 = arith.addi %parallel_loop3A_1038, %parallel_loop3A_1037 : i32
      %parallel_loop3A_1040 = arith.index_cast %parallel_loop3A_1039 : i32 to index
      %parallel_loop3A_1041 = tpu.vector_load %arg11[%parallel_loop3A_1040] {strides = array<i32>} : memref<38400xf32, #tpu.memory_space<vmem>>, vector<16xf32>,
      tpu.vector_store %arg11[%parallel_loop3A_1040], %parallel_loop3A_1035 {strides = array<i32>} : memref<38400xf32, #tpu.memory_space<vmem>>, vector<16xf32>,
      %parallel_loop3A_1042 = arith.constant 32 : i32
      %parallel_loop3A_1043 = vector.broadcast %parallel_loop3A_1042 : i32 to vector<16xi32>
      %parallel_loop3A_1044 = arith.addi %parallel_loop3A_1021, %parallel_loop3A_1043 : vector<16xi32>
      %parallel_loop3A_1045 = tpu.vector_load_idx %arg7[%parallel_loop3A_1044] : memref<384xf32, #tpu.memory_space<vmem>>[vector<16xi32>], vector<16xf32>,
      %parallel_loop3A_1046 = arith.constant 16 : i32
      %parallel_loop3A_1047 = arith.muli %parallel_loop3A_1013, %parallel_loop3A_1046 : i32
      %parallel_loop3A_1048 = arith.constant 25600 : i32
      %parallel_loop3A_1049 = arith.addi %parallel_loop3A_1048, %parallel_loop3A_1047 : i32
      %parallel_loop3A_1050 = arith.index_cast %parallel_loop3A_1049 : i32 to index
      %parallel_loop3A_1051 = tpu.vector_load %arg11[%parallel_loop3A_1050] {strides = array<i32>} : memref<38400xf32, #tpu.memory_space<vmem>>, vector<16xf32>,
      tpu.vector_store %arg11[%parallel_loop3A_1050], %parallel_loop3A_1045 {strides = array<i32>} : memref<38400xf32, #tpu.memory_space<vmem>>, vector<16xf32>,
    } {sc.loop_unroll_factor = 8 : i64, sc.parallel_access}
    %add3A_947 = arith.constant 0 : i32
    %add3A_948 = arith.addi %add3A_947, %mul3A_2 : i32
    %add3A_949 = arith.constant 89600 : i32
    %add3A_950 = arith.addi %add3A_948, %add3A_949 : i32
    %dma_start3A_951 = arith.constant 0 : i32
    %dma_start3A_952 = tpu.memref_slice %arg11[%dma_start3A_951] : memref<38400xf32, #tpu.memory_space<vmem>> -> memref<12800xf32, #tpu.memory_space<vmem>>
    %dma_start3A_953 = tpu.memref_slice %arg4[%add3A_950] : memref<9830400xf32, #tpu.memory_space<hbm>> -> memref<12800xf32, #tpu.memory_space<hbm>>
    %dma_start3A_954 = tpu.memref_slice %arg4[%add3A_950] : memref<9830400xf32, #tpu.memory_space<hbm>> -> memref<12800xf32, #tpu.memory_space<hbm>>
    %dma_start3A_955 = arith.constant 0 : i32
    %dma_start3A_956 = tpu.memref_slice %arg11[%dma_start3A_955] : memref<38400xf32, #tpu.memory_space<vmem>> -> memref<12800xf32, #tpu.memory_space<vmem>>
    tpu.enqueue_dma source(%dma_start3A_956 : memref<12800xf32, #tpu.memory_space<vmem>>) target(%dma_start3A_954 : memref<12800xf32, #tpu.memory_space<hbm>>) target_semaphore(%arg15 : memref<!tpu.dma_semaphore, #tpu.memory_space<semaphore_mem>>)
    %add3A_957 = arith.constant 3276800 : i32
    %add3A_958 = arith.addi %add3A_957, %mul3A_2 : i32
    %add3A_959 = arith.constant 89600 : i32
    %add3A_960 = arith.addi %add3A_958, %add3A_959 : i32
    %dma_start3A_961 = arith.constant 12800 : i32
    %dma_start3A_962 = tpu.memref_slice %arg11[%dma_start3A_961] : memref<38400xf32, #tpu.memory_space<vmem>> -> memref<12800xf32, #tpu.memory_space<vmem>>
    %dma_start3A_963 = tpu.memref_slice %arg4[%add3A_960] : memref<9830400xf32, #tpu.memory_space<hbm>> -> memref<12800xf32, #tpu.memory_space<hbm>>
    %dma_start3A_964 = tpu.memref_slice %arg4[%add3A_960] : memref<9830400xf32, #tpu.memory_space<hbm>> -> memref<12800xf32, #tpu.memory_space<hbm>>
    %dma_start3A_965 = arith.constant 12800 : i32
    %dma_start3A_966 = tpu.memref_slice %arg11[%dma_start3A_965] : memref<38400xf32, #tpu.memory_space<vmem>> -> memref<12800xf32, #tpu.memory_space<vmem>>
    tpu.enqueue_dma source(%dma_start3A_966 : memref<12800xf32, #tpu.memory_space<vmem>>) target(%dma_start3A_964 : memref<12800xf32, #tpu.memory_space<hbm>>) target_semaphore(%arg15 : memref<!tpu.dma_semaphore, #tpu.memory_space<semaphore_mem>>)
    %add3A_967 = arith.constant 6553600 : i32
    %add3A_968 = arith.addi %add3A_967, %mul3A_2 : i32
    %add3A_969 = arith.constant 89600 : i32
    %add3A_970 = arith.addi %add3A_968, %add3A_969 : i32
    %dma_start3A_971 = arith.constant 25600 : i32
    %dma_start3A_972 = tpu.memref_slice %arg11[%dma_start3A_971] : memref<38400xf32, #tpu.memory_space<vmem>> -> memref<12800xf32, #tpu.memory_space<vmem>>
    %dma_start3A_973 = tpu.memref_slice %arg4[%add3A_970] : memref<9830400xf32, #tpu.memory_space<hbm>> -> memref<12800xf32, #tpu.memory_space<hbm>>
    %dma_start3A_974 = tpu.memref_slice %arg4[%add3A_970] : memref<9830400xf32, #tpu.memory_space<hbm>> -> memref<12800xf32, #tpu.memory_space<hbm>>
    %dma_start3A_975 = arith.constant 25600 : i32
    %dma_start3A_976 = tpu.memref_slice %arg11[%dma_start3A_975] : memref<38400xf32, #tpu.memory_space<vmem>> -> memref<12800xf32, #tpu.memory_space<vmem>>
    tpu.enqueue_dma source(%dma_start3A_976 : memref<12800xf32, #tpu.memory_space<vmem>>) target(%dma_start3A_974 : memref<12800xf32, #tpu.memory_space<hbm>>) target_semaphore(%arg15 : memref<!tpu.dma_semaphore, #tpu.memory_space<semaphore_mem>>)
    %dma_wait3A_977 = arith.constant 0 : i32
    %dma_wait3A_978 = tpu.memref_slice %arg10[%dma_wait3A_977] : memref<38400xf32, #tpu.memory_space<vmem>> -> memref<12800xf32, #tpu.memory_space<vmem>>
    %dma_wait3A_979 = tpu.memref_slice %arg4[%add3A_897] : memref<9830400xf32, #tpu.memory_space<hbm>> -> memref<12800xf32, #tpu.memory_space<hbm>>
    %dma_wait3A_980 = tpu.memref_slice %arg4[%add3A_897] : memref<9830400xf32, #tpu.memory_space<hbm>> -> memref<12800xf32, #tpu.memory_space<hbm>>
    %dma_wait3A_981 = arith.constant 0 : i32
    %dma_wait3A_982 = tpu.memref_slice %arg10[%dma_wait3A_981] : memref<38400xf32, #tpu.memory_space<vmem>> -> memref<12800xf32, #tpu.memory_space<vmem>>
    tpu.wait_dma2 semaphore(%arg14 : memref<!tpu.dma_semaphore, #tpu.memory_space<semaphore_mem>>) src(%dma_wait3A_982 : memref<12800xf32, #tpu.memory_space<vmem>>) dst(%dma_wait3A_980 : memref<12800xf32, #tpu.memory_space<hbm>>)
    %dma_wait3A_983 = arith.constant 12800 : i32
    %dma_wait3A_984 = tpu.memref_slice %arg10[%dma_wait3A_983] : memref<38400xf32, #tpu.memory_space<vmem>> -> memref<12800xf32, #tpu.memory_space<vmem>>
    %dma_wait3A_985 = tpu.memref_slice %arg4[%add3A_907] : memref<9830400xf32, #tpu.memory_space<hbm>> -> memref<12800xf32, #tpu.memory_space<hbm>>
    %dma_wait3A_986 = tpu.memref_slice %arg4[%add3A_907] : memref<9830400xf32, #tpu.memory_space<hbm>> -> memref<12800xf32, #tpu.memory_space<hbm>>
    %dma_wait3A_987 = arith.constant 12800 : i32
    %dma_wait3A_988 = tpu.memref_slice %arg10[%dma_wait3A_987] : memref<38400xf32, #tpu.memory_space<vmem>> -> memref<12800xf32, #tpu.memory_space<vmem>>
    tpu.wait_dma2 semaphore(%arg14 : memref<!tpu.dma_semaphore, #tpu.memory_space<semaphore_mem>>) src(%dma_wait3A_988 : memref<12800xf32, #tpu.memory_space<vmem>>) dst(%dma_wait3A_986 : memref<12800xf32, #tpu.memory_space<hbm>>)
    %dma_wait3A_989 = arith.constant 25600 : i32
    %dma_wait3A_990 = tpu.memref_slice %arg10[%dma_wait3A_989] : memref<38400xf32, #tpu.memory_space<vmem>> -> memref<12800xf32, #tpu.memory_space<vmem>>
    %dma_wait3A_991 = tpu.memref_slice %arg4[%add3A_917] : memref<9830400xf32, #tpu.memory_space<hbm>> -> memref<12800xf32, #tpu.memory_space<hbm>>
    %dma_wait3A_992 = tpu.memref_slice %arg4[%add3A_917] : memref<9830400xf32, #tpu.memory_space<hbm>> -> memref<12800xf32, #tpu.memory_space<hbm>>
    %dma_wait3A_993 = arith.constant 25600 : i32
    %dma_wait3A_994 = tpu.memref_slice %arg10[%dma_wait3A_993] : memref<38400xf32, #tpu.memory_space<vmem>> -> memref<12800xf32, #tpu.memory_space<vmem>>
    tpu.wait_dma2 semaphore(%arg14 : memref<!tpu.dma_semaphore, #tpu.memory_space<semaphore_mem>>) src(%dma_wait3A_994 : memref<12800xf32, #tpu.memory_space<vmem>>) dst(%dma_wait3A_992 : memref<12800xf32, #tpu.memory_space<hbm>>)
    %dma_wait3A_995 = arith.constant 0 : i32
    %dma_wait3A_996 = tpu.memref_slice %arg11[%dma_wait3A_995] : memref<38400xf32, #tpu.memory_space<vmem>> -> memref<12800xf32, #tpu.memory_space<vmem>>
    %dma_wait3A_997 = tpu.memref_slice %arg4[%add3A_950] : memref<9830400xf32, #tpu.memory_space<hbm>> -> memref<12800xf32, #tpu.memory_space<hbm>>
    %dma_wait3A_998 = tpu.memref_slice %arg4[%add3A_950] : memref<9830400xf32, #tpu.memory_space<hbm>> -> memref<12800xf32, #tpu.memory_space<hbm>>
    %dma_wait3A_999 = arith.constant 0 : i32
    %dma_wait3A_1000 = tpu.memref_slice %arg11[%dma_wait3A_999] : memref<38400xf32, #tpu.memory_space<vmem>> -> memref<12800xf32, #tpu.memory_space<vmem>>
    tpu.wait_dma2 semaphore(%arg15 : memref<!tpu.dma_semaphore, #tpu.memory_space<semaphore_mem>>) src(%dma_wait3A_1000 : memref<12800xf32, #tpu.memory_space<vmem>>) dst(%dma_wait3A_998 : memref<12800xf32, #tpu.memory_space<hbm>>)
    %dma_wait3A_1001 = arith.constant 12800 : i32
    %dma_wait3A_1002 = tpu.memref_slice %arg11[%dma_wait3A_1001] : memref<38400xf32, #tpu.memory_space<vmem>> -> memref<12800xf32, #tpu.memory_space<vmem>>
    %dma_wait3A_1003 = tpu.memref_slice %arg4[%add3A_960] : memref<9830400xf32, #tpu.memory_space<hbm>> -> memref<12800xf32, #tpu.memory_space<hbm>>
    %dma_wait3A_1004 = tpu.memref_slice %arg4[%add3A_960] : memref<9830400xf32, #tpu.memory_space<hbm>> -> memref<12800xf32, #tpu.memory_space<hbm>>
    %dma_wait3A_1005 = arith.constant 12800 : i32
    %dma_wait3A_1006 = tpu.memref_slice %arg11[%dma_wait3A_1005] : memref<38400xf32, #tpu.memory_space<vmem>> -> memref<12800xf32, #tpu.memory_space<vmem>>
    tpu.wait_dma2 semaphore(%arg15 : memref<!tpu.dma_semaphore, #tpu.memory_space<semaphore_mem>>) src(%dma_wait3A_1006 : memref<12800xf32, #tpu.memory_space<vmem>>) dst(%dma_wait3A_1004 : memref<12800xf32, #tpu.memory_space<hbm>>)
    %dma_wait3A_1007 = arith.constant 25600 : i32
    %dma_wait3A_1008 = tpu.memref_slice %arg11[%dma_wait3A_1007] : memref<38400xf32, #tpu.memory_space<vmem>> -> memref<12800xf32, #tpu.memory_space<vmem>>
    %dma_wait3A_1009 = tpu.memref_slice %arg4[%add3A_970] : memref<9830400xf32, #tpu.memory_space<hbm>> -> memref<12800xf32, #tpu.memory_space<hbm>>
    %dma_wait3A_1010 = tpu.memref_slice %arg4[%add3A_970] : memref<9830400xf32, #tpu.memory_space<hbm>> -> memref<12800xf32, #tpu.memory_space<hbm>>
    %dma_wait3A_1011 = arith.constant 25600 : i32
    %dma_wait3A_1012 = tpu.memref_slice %arg11[%dma_wait3A_1011] : memref<38400xf32, #tpu.memory_space<vmem>> -> memref<12800xf32, #tpu.memory_space<vmem>>
    tpu.wait_dma2 semaphore(%arg15 : memref<!tpu.dma_semaphore, #tpu.memory_space<semaphore_mem>>) src(%dma_wait3A_1012 : memref<12800xf32, #tpu.memory_space<vmem>>) dst(%dma_wait3A_1010 : memref<12800xf32, #tpu.memory_space<hbm>>)
    return
  }
}

</mosaic_0001>

<sc_bundles>
// kernel: kernel.3.cloned.1.call-start
scs
__scs_entry_jumppad:
0x0: {  	(pc) =	sbr.rel $0x88, $3  }
0x1: {  	(tag) =	ssettag $0x0;
	lr =	simm.s32 $0x1  }
0x2: {  	[smem:$0x3F9D] =	sst lr;
	_ =	strace $0xD0000000  }
0x3: {  	_ = 	snop  }
0x4: {  	_ = 	snop  }
0x5: {  	_ = 	snop  }
0x6: {  	_ = 	snop  }
0x7: {  	_ = 	snop  }
__scs_overlays_trampoline_lowered:
0x8: {  	[smem:$0x3FAC] =	sst s0  }
0x9: {  	[smem:$0x3FAD] =	sst s1  }
0xa: {  	[smem:$0x3FAE] =	sst s2  }
0xb: {  	[smem:$0x3FAF] =	sst s3  }
0xc: {  	[smem:$0x3FB0] =	sst s4  }
0xd: {  	[smem:$0x3FB1] =	sst s5  }
0xe: {  	[smem:$0x3FB2] =	sst s6  }
0xf: {  	[smem:$0x3FB3] =	sst s7  }
0x10: {  	[smem:$0x3FB4] =	sst s8  }
0x11: {  	[smem:$0x3FB5] =	sst s9;
	s0 =	simm.s32 @!p0 $0x0  }
0x12: {  	s1 =	sld [smem:$0x3F9B];
	s0 =	simm.s32 @p0 $0x1  }
0x13: {  	[smem:$0x3FB6] =	sst s0;
	s0 =	simm.s32 @!p1 $0x0  }
0x14: {  	s2 =	sld [smem:$0x3F9A];
	s0 =	simm.s32 @p1 $0x1  }
0x15: {  	[smem:$0x3FB7] =	sst s0;
	s0 =	simm.s32 @!p2 $0x0  }
0x16: {  	s3 =	sld [smem:$0x3FDB];
	s0 =	simm.s32 @p2 $0x1  }
0x17: {  	s4 =	simm.s32 $0x1BF5;
	[smem:$0x3FB9] =	sst s0  }
0x18: {  	s0 =	sld [smem:$0x3F9C];
	_ =	swait.ge [sflag:s4], $0x0  }
0x19: {  	s7 =	sld [smem:$0x3F9D]  }
0x1a: {  	s8 =	sadd.s32 $0xFFFFE003, lr  }
0x1b: {  	s9 =	sadd.s32 $0xFFFFFEF7, lr;
	s5 =	simm.s32 $0xFFFFFFFF;
	p2 =	slt.u32 s8, $0xFFFFF086  }
0x1c: {  	p1 =	slt.u32 s9, $0xF7A;
	s5 =	simm.s32 @!p2 $0x0  }
0x1d: {  	s5 =	simm.s32 @p1 $0x1;
	p0 =	seq.s32 s7, s2  }
0x1e: {  	s7 =	smul.u32 @!p0 $0xF7A, s2;
	p2 =	seq.s32 @!p0 s5, $0x0  }
0x1f: {  	s9 =	smul.u32 $0xF7A, s1;
	s8 =	simm.s32 @!p0 $0x1BF5;
	p2 =	por !p2, p0  }
0x20: {  	[sflag:s8] =	ssyncset.s32 @!p0 $0xFFFFF086;
	s6 =	sadd.s32 @!p0 s3, s7;
	s7 =	simm.s32 @!p0 $0x108  }
0x21: {  	s3 =	sadd.s32 s3, s9;
	s6 =	sadd.s32 @!p0 $0x88, s6;
	s7 =	simm.s32 @p2 $0x1082  }
0x22: {  	[simem:s7], [sflag:s8] =	dma.local @!p0 [hbm:s6], $0xF7A  }
0x23: {  	s9 =	sor.u32 $0xD0000000, s2;
	s6 =	simm.s32 $0x108;
	_ =	swait.ge @!p0 [sflag:s8], $0x0  }
0x24: {  	s3 =	sadd.s32 $0x88, s3;
	s6 =	simm.s32 @!p1 $0x1082;
	[sflag:s4] =	ssyncset.s32 $0xFFFFF086  }
0x25: {  	[simem:s6], [sflag:s4] =	dma.local [hbm:s3], $0xF7A  }
0x26: {  	[smem:$0x3F9D] =	sst s1;
	(tag) =	ssettag s2;
	_ =	strace s9  }
0x27: {  	s1 =	sld [smem:$0x3FAD]  }
0x28: {  	s2 =	sld [smem:$0x3FAE]  }
0x29: {  	s4 =	sld [smem:$0x3FB0]  }
0x2a: {  	p0 =	seq.s32 s5, $0x0;
	s5 =	sld [smem:$0x3FB1]  }
0x2b: {  	s6 =	sld [smem:$0x3FB2]  }
0x2c: {  	s7 =	sld [smem:$0x3FB3]  }
0x2d: {  	s3 =	simm.s32 $0x108;
	s8 =	sld [smem:$0x3FB4]  }
0x2e: {  	s3 =	simm.s32 @!p0 $0x1082;
	s9 =	sld [smem:$0x3FB5]  }
0x2f: {  	lr =	sadd.s32 s0, s3;
	s0 =	sld [smem:$0x3FAC]  }
0x30: {  	s3 =	sld [smem:$0x3FAF]  }
0x31: {  	[smem:$0x3FB8] =	sst s10  }
0x32: {  	s10 =	sld [smem:$0x3FB6];
	_ =	sdelay $0x3  }
0x33: {  	p0 =	seq.s32 s10, $0x1;
	s10 =	sld [smem:$0x3FB8];
	_ =	sdelay $0x3  }
0x34: {  	[smem:$0x3FB8] =	sst s10  }
0x35: {  	s10 =	sld [smem:$0x3FB7];
	_ =	sdelay $0x3  }
0x36: {  	p1 =	seq.s32 s10, $0x1;
	s10 =	sld [smem:$0x3FB8];
	_ =	sdelay $0x3  }
0x37: {  	[smem:$0x3FB8] =	sst s10  }
0x38: {  	s10 =	sld [smem:$0x3FB9]  }
0x39: {  	_ = 	snop;
	(pc) =	sbr.ind lr, $3  }
0x3a: {  	_ = 	snop  }
0x3b: {  	_ = 	snop  }
0x3c: {  	p2 =	seq.s32 s10, $0x1;
	s10 =	sld [smem:$0x3FB8]  }
0x3d: {  	_ =	shalt  }
0x3e: {  	_ =	shalt  }
0x3f: {  	_ =	shalt  }
0x40: {  	_ =	shalt  }
0x41: {  	_ =	shalt  }
0x42: {  	_ =	shalt  }
0x43: {  	_ =	shalt  }
0x44: {  	_ =	shalt  }
0x45: {  	_ =	shalt  }
0x46: {  	_ =	shalt  }
0x47: {  	_ =	shalt  }
0x48: {  	_ =	shalt  }
0x49: {  	_ =	shalt  }
0x4a: {  	_ =	shalt  }
0x4b: {  	_ =	shalt  }
0x4c: {  	_ =	shalt  }
0x4d: {  	_ =	shalt  }
0x4e: {  	_ =	shalt  }
0x4f: {  	_ =	shalt  }
0x50: {  	_ =	shalt  }
0x51: {  	_ =	shalt  }
0x52: {  	_ =	shalt  }
0x53: {  	_ =	shalt  }
0x54: {  	_ =	shalt  }
0x55: {  	_ =	shalt  }
0x56: {  	_ =	shalt  }
0x57: {  	_ =	shalt  }
0x58: {  	_ =	shalt  }
0x59: {  	_ =	shalt  }
0x5a: {  	_ =	shalt  }
0x5b: {  	_ =	shalt  }
0x5c: {  	_ =	shalt  }
0x5d: {  	_ =	shalt  }
0x5e: {  	_ =	shalt  }
0x5f: {  	_ =	shalt  }
0x60: {  	_ =	shalt  }
0x61: {  	_ =	shalt  }
0x62: {  	_ =	shalt  }
0x63: {  	_ =	shalt  }
0x64: {  	_ =	shalt  }
0x65: {  	_ =	shalt  }
0x66: {  	_ =	shalt  }
0x67: {  	_ =	shalt  }
0x68: {  	_ =	shalt  }
0x69: {  	_ =	shalt  }
0x6a: {  	_ =	shalt  }
0x6b: {  	_ =	shalt  }
0x6c: {  	_ =	shalt  }
0x6d: {  	_ =	shalt  }
0x6e: {  	_ =	shalt  }
0x6f: {  	_ =	shalt  }
0x70: {  	_ =	shalt  }
0x71: {  	_ =	shalt  }
0x72: {  	_ =	shalt  }
0x73: {  	_ =	shalt  }
0x74: {  	_ =	shalt  }
0x75: {  	_ =	shalt  }
0x76: {  	_ =	shalt  }
0x77: {  	_ =	shalt  }
0x78: {  	_ =	shalt  }
0x79: {  	_ =	shalt  }
0x7a: {  	_ =	shalt  }
0x7b: {  	_ =	shalt  }
0x7c: {  	_ =	shalt  }
0x7d: {  	_ =	shalt  }
0x7e: {  	_ =	shalt  }
0x7f: {  	_ =	shalt  }
0x80: {  	_ =	shalt  }
0x81: {  	_ =	shalt  }
0x82: {  	_ =	shalt  }
0x83: {  	_ =	shalt  }
0x84: {  	_ =	shalt  }
0x85: {  	_ =	shalt  }
0x86: {  	_ =	shalt  }
0x87: {  	_ =	shalt  }
.Lfunc_end0:
.L_simem_size_0:
called_computation_lowered:
.L_overlay_start_0:
0x88: {  	s2 =	sld [smem:$0x3FD9]  }
0x89: {  	s3 =	sld [smem:$0x3FFE];
	_ =	sdelay $0x1  }
0x8a: {  	s1 =	srdreg.scid  }
0x8b: {  	s0 =	sand.u32 $0x1, s1  }
0x8c: {  	s17 =	sshll.u32 s0, $0xA;
	s2 =	sadd.s32 s3, s2  }
0x8d: {  	s2 =	sadd.s32 s2, s17  }
0x8e: {  	[smem:$0x3FC4] =	sst s2  }
0x8f: {  	_ = 	snop  }
0x90: {  	s2 =	sld [smem:$0x3FC9]  }
0x91: {  	s18 =	sld [smem:$0x3FD0];
	(tm) =	ssettm $0x1  }
0x92: {  	s4 =	sld [smem:$0x3FFB];
	_ =	sdelay $0x3  }
0x93: {  	_ =	strace s4  }
0x94: {  	s4 =	sld [smem:$0x3FFC];
	_ =	sdelay $0x3  }
0x95: {  	_ =	strace s4  }
0x96: {  	s4 =	sld [smem:$0x3FFD];
	_ =	sdelay $0x3  }
0x97: {  	_ =	strace s4  }
0x98: {  	_ =	strace $0x8FFFFFFF  }
0x99: {  	s19 =	sld [smem:$0x3FDB];
	_ =	sdelay $0x1  }
0x9a: {  	s5 =	simm.s32 $_scs_section_size  }
0x9b: {  	s6 =	simm.s32 $_size__tile_overlayer_lowered;
	s7 =	simm.s32 $_tile_overlayer_lowered  }
0x9c: {  	s22 =	simm.s32 $0x1BFF;
	s21 =	sshll.u32 s7, $0x1;
	s4 =	sadd.s32 s5, s19  }
0x9d: {  	s8 =	simm.s32 $0x0;
	s20 =	sshll.u32 s6, $0x1;
	s6 =	sadd.s32 s21, s4  }
0x9e: {  	[timem:s8], [sflag:s22] =	dma.local [hbm:s6], s20  }
0x9f: {  	_ =	swait.ge [sflag:s22], s20  }
0xa0: {  	s5 =	ssub.s32 $0x0, s20;
	[sflag:s22] =	ssyncset.done $0x0  }
0xa1: {  	[sflag:s22] =	ssyncadd.s32 s5;
	_ =	sdelay $0x1  }
0xa2: {  	s23 =	simm.s32 $0x1B8B  }
0xa3: {  	_ =	swait.ge [sflag:s23], $0x1  }
0xa4: {  	[sflag:s23] =	ssyncset.done $0x0  }
0xa5: {  	s25 =	simm.s32 $0x1B8E;
	s24 =	sld [smem:$0x3FFE];
	[sflag:s23] =	ssyncadd.s32 $0xFFFFFFFF  }
0xa6: {  	s26 =	simm.s32 $execute0_lowered;
	[smem:$0x3FD2] =	sst s25  }
0xa7: {  	s6 =	sshll.u32 s26, $0x1;
	_ =	strace $0x80000046;
	[dreg:$0x1] =	wrdreg $0xFFFFFFFF  }
0xa8: {  	s28 =	simm.s32 $_size_execute0_lowered;
	s4 =	sadd.s32 s4, s6;
	[dreg:$0x0] =	wrdreg $0x0  }
0xa9: {  	s6 =	sshll.u32 s28, $0x1;
	[dreg:$0x2] =	wrdreg s4  }
0xaa: {  	[dreg:$0x3] =	wrdreg s6  }
0xab: {  	[dreg:$0x4] =	wrdreg $0xC0  }
0xac: {  	_ =	task [dreg:s8], $0x5FFFF  }
0xad: {  	[dreg:$0x1] =	wrdreg $0xFFFFFFFF  }
0xae: {  	[dreg:$0x0] =	wrdreg $0x60  }
0xaf: {  	[dreg:$0x2] =	wrdreg s2  }
0xb0: {  	[dreg:$0x3] =	wrdreg s24  }
0xb1: {  	[dreg:$0x4] =	wrdreg s18  }
0xb2: {  	[dreg:$0x5] =	wrdreg $0x9  }
0xb3: {  	_ =	task.clear_ibuf [dreg:s8], $0x6FFFF;
	_ =	strace $0x90000046  }
0xb4: {  	s29 =	simm.s32 $0x9;
	_ =	strace $0x80000048  }
0xb5: {  	_ =	swait.ge [sflag:s29], $0x1  }
0xb6: {  	[sflag:s29] =	ssyncadd.s32 $0xFFFFFFFF  }
0xb7: {  	_ =	strace $0x90000048  }
0xb8: {  	_ =	sfence  }
0xb9: {  	s30 =	sld [smem:$0x0];
	_ =	sdelay $0x2  }
0xba: {  	s31 =	sshll.u32 s1, $0xD;
	s1 =	sshrl.u32 s1, $0x2  }
0xbb: {  	s3 =	sand.u32 $0x4000, s31;
	s1 =	sadd.s32 s1, s30  }
0xbc: {  	s0 =	sor.u32 s3, s0;
	s1 =	sshll.u32 s1, $0x11  }
0xbd: {  	s0 =	sor.u32 s1, s0  }
0xbe: {  	s0 =	sadd.s32 $0x8F2B, s0  }
0xbf: {  	[sflag:s0] =	ssyncadd.remote.s32 $0x1  }
0xc0: {  	_ =	sfence.sel $0xFFFF  }
0xc1: {  	[dreg:$0x0] =	wrdreg $0xFFFFFFFF;
	(pc) =	sbr.abs _section_cstart, $3  }
0xc2: {  	[dreg:$0x1] =	wrdreg $0xFFFFFFFF  }
0xc3: {  	_ =	task.clear_ibuf [dreg:s8], $0x2FFFF;
	_ =	strace $0x9FFFFFFF  }
0xc4: {  	(tm) =	ssettm $0x7FFFFFFF  }
0xc5: {  	_ =	shalt  }
tec
execute0_lowered:
.L_overlay_start_1:
0x0: {  	(tag) =	ssettag $0x1  }
0x1: {  	v0 =	vimm.s32 $0x2C2E2D2D;
	vm2 =	vcmask $0x1304;
	v1 =	vimm.s32 $0x2D2C2E2E  }
0x2: {  	v2 =	vimm.s32 $0x88444000;
	v3 =	vimm.s32 $0x2E2D2D2C;
	vm3 =	vcmask $0x2314  }
0x3: {  	vm1 =	vcmask $0x3728;
	vm0 =	vcmask $0x3B38;
	vm4 =	vcmask $0x1F00  }
0x4: {  	v46 =	vimm.s32 $0xC0C0C08;
	vm6 =	vcmask $0x2F20;
	v47 =	vimm.s32 $0x20282424  }
0x5: {  	v4 =	vimm.s32 $0x24202828;
	v5 =	vimm.s32 $0x99555111;
	v48 =	vimm.s32 $0x28242420  }
0x6: {  	vm5 =	vcmask $0x3B30;
	v53 =	vimm.s32 $0xD0D0D09;
	v55 =	vimm.s32 $0x21292525  }
0x7: {  	v56 =	vimm.s32 $0x25212929;
	v6 =	vimm.s32 $0xAA666222;
	v57 =	vimm.s32 $0x29252521  }
0x8: {  	v61 =	vimm.s32 $0xE0E0E0A;
	v62 =	vimm.s32 $0x222A2626;
	v21 =	vimm.s32 $0x26222A2A  }
0x9: {  	v22 =	vimm.s32 $0x2A262622;
	v7 =	vimm.s32 $0xBB777333;
	v34 =	vimm.s32 $0xF0F0F0B  }
0xa: {  	v36 =	vimm.s32 $0x232B2727;
	v37 =	vimm.s32 $0x27232B2B;
	v39 =	vimm.s32 $0x2B272723  }
0xb: {  	v10 =	vimm.s32 $0x2E2D2C2C;
	v11 =	vimm.s32 $0x2C2E2E2D;
	v42 =	vimm.s32 $0x18181414  }
0xc: {  	v43 =	vimm.s32 $0x28242020;
	vm14 =	vcmask $0xF00;
	vm15 =	vcmask $0x1310  }
0xd: {  	v0 =	vunpack.c.0.s8.s32 v0;
	v1 =	vunpack.c.0.s8.s32 v1;
	v2 =	vunpack.c.l.s4.s8 v2  }
0xe: {  	v3 =	vunpack.c.0.s8.s32 v3;
	v9 =	vunpack.c.0.s8.s32 v4;
	v5 =	vunpack.c.l.s4.s8 v5  }
0xf: {  	v50 =	vunpack.c.0.s8.s32 v48;
	v4 =	vunpack.c.0.s8.s32 v55;
	v12 =	vunpack.c.0.s8.s32 v56  }
0x10: {  	v6 =	vunpack.c.l.s4.s8 v6;
	v63 =	vunpack.c.0.s8.s32 v61;
	v20 =	vunpack.c.0.s8.s32 v62  }
0x11: {  	v15 =	vunpack.c.0.s8.s32 v21;
	v7 =	vunpack.c.l.s4.s8 v7;
	v38 =	vunpack.c.0.s8.s32 v37  }
0x12: {  	v10 =	vunpack.c.0.s8.s32 v10;
	v0 =	vnsel vm2, $0x2C, v0;
	v2 =	vunpack.c.0.s8.s32 v2  }
0x13: {  	v51 =	vunpack.c.0.s8.s32 v5;
	v4 =	vnsel vm2, $0x21, v4;
	v5 =	vunpack.c.0.s8.s32 v57  }
0x14: {  	v6 =	vunpack.c.0.s8.s32 v6;
	v8 =	vnsel vm2, $0x22, v20;
	v7 =	vunpack.c.0.s8.s32 v7  }
0x15: {  	v0 =	vsel vm3, v1, v0;
	v4 =	vsel vm3, v12, v4;
	v32 =	vsel vm3, v15, v8  }
0x16: {  	v8 =	vunpack.c.0.s8.s32 v39;
	v1 =	vnsel vm2, $0x2D, v1;
	v0 =	vsel vm1, v3, v0  }
0x17: {  	v2 =	vand.u32 $0xF, v2;
	v3 =	vunpack.c.0.s8.s32 v47;
	v54 =	vand.u32 $0xF, v51  }
0x18: {  	v59 =	vsel vm1, v5, v4;
	v60 =	vand.u32 $0xF, v6;
	v5 =	vunpack.c.0.s8.s32 v22  }
0x19: {  	v35 =	vand.u32 $0xF, v7;
	v45 =	vnsel vm4, $0x14, v2;
	v2 =	vunpack.c.0.s8.s32 v46  }
0x1a: {  	v7 =	vunpack.c.0.s8.s32 v36;
	v0 =	vsel vm0, $0x2E, v0;
	v49 =	vnsel vm2, $0x20, v3  }
0x1b: {  	v41 =	vsel vm3, v10, v1;
	[tilespmem:$0x1FE80] =	vst v0;
	v0 =	vsel vm6, v2, v45;
	v2 =	vsel vm3, v9, v49  }
0x1c: {  	v1 =	vunpack.c.0.s8.s32 v42;
	v0 =	vsel vm5, $0x10, v0;
	v52 =	vsel vm1, v50, v2  }
0x1d: {  	v23 =	vnsel vm4, $0x16, v60;
	v3 =	vnsel vm4, $0x15, v54;
	[tilespmem:$0x1FE90] =	vst v0;
	v0 =	vsel vm0, $0x28, v52  }
0x1e: {  	v7 =	vnsel vm2, $0x23, v7;
	v2 =	vunpack.c.0.s8.s32 v53;
	[tilespmem:$0x1FEA0] =	vst v0;
	v0 =	vsel vm0, $0x29, v59  }
0x1f: {  	v1 =	vnsel vm14, $0x1C, v1;
	v7 =	vsel vm3, v38, v7;
	[tilespmem:$0x1FEC0] =	vst v0;
	v0 =	vsel vm6, v63, v23  }
0x20: {  	v45 =	vsel vm15, $0x18, v1;
	v2 =	vsel vm6, v2, v3;
	v0 =	vsel vm5, $0x12, v0  }
0x21: {  	v58 =	vsel vm5, $0x11, v2;
	v2 =	vsel vm1, v5, v32;
	[tilespmem:$0x1FED0] =	vst v0;
	v0 =	vunpack.c.0.s8.s32 v34  }
0x22: {  	s1 =	srdreg.scid;
	s2 =	stileid.u32;
	v8 =	vsel vm1, v8, v7;
	v33 =	vsel vm0, $0x2A, v2;
	v2 =	vnsel vm4, $0x17, v35  }
0x23: {  	s0 =	rddreg [dreg:$0x0];
	v11 =	vunpack.c.0.s8.s32 v11;
	s4 =	sand.u32 $0x1, s1;
	s2 =	sshll.u32 s2, $0x1;
	[tilespmem:$0x1FF20] =	vst v45;
	v40 =	vsel vm0, $0x2B, v8;
	v0 =	vsel vm6, v0, v2  }
0x24: {  	v44 =	vimm.s32 $0x20282824;
	s3 =	rddreg [dreg:$0x1];
	s5 =	sor.u32 s4, s2;
	v10 =	vunpack.c.0.s8.s32 v43;
	[tilespmem:$0x1FF00] =	vst v40;
	v0 =	vsel vm5, $0x13, v0  }
0x25: {  	s25 =	rddreg [dreg:$0x2];
	s5 =	smul.u32 $0x19000, s5;
	v9 =	vnsel vm2, $0x24, v9;
	[tilespmem:$0x1FEF0] =	vst v0;
	v0 =	vsel vm1, v11, v41;
	v11 =	vunpack.c.0.s8.s32 v44  }
0x26: {  	s3 =	sadd.s32 $0x400, s3;
	s2 =	simm.s32 $0x0;
	s4 =	ssub.s32 $0x2, s4;
	v13 =	vsel vm3, v10, v9;
	[tilespmem:$0x1FEB0] =	vst v58  }
0x27: {  	[smem:$0x7FF] =	sst s2;
	s6 =	sshrl.u32 s4, $0x1;
	s5 =	sshrl.u32 s5, $0x3;
	[tilespmem:$0x1FEE0] =	vst v33;
	v0 =	vsel vm0, $0x2C, v0;
	v46 =	vsel vm1, v11, v13  }
0x28: {  	s26 =	ssub.s32 s4, s6;
	s28 =	sadd.s32 $0x640, s5;
	s7 =	sadd.s32 s0, s5;
	[tilespmem:$0x1FF10] =	vst v0;
	v0 =	vsel vm0, $0x20, v46  }
0x29: {  	s6 =	sadd.s32 s25, s5;
	s10 =	sadd.s32 $0xC80, s5;
	s11 =	sadd.s32 $0x12C0, s5;
	[tilespmem:$0x1FF30] =	vst v0  }
0x2a: {  	v14 =	vimm.s32 $0x1A1A1616;
	s15 =	sadd.s32 $0x1900, s5;
	_ =	strace $0x80000047;
	[dreg:$0x4] =	wrdreg s3  }
0x2b: {  	v16 =	vimm.s32 $0x1B1B1717;
	v17 =	vimm.s32 $0x232B2B27;
	s16 =	sadd.s32 $0x1F40, s5;
	s8 =	sadd.s32 s0, s28;
	[dreg:$0x5] =	wrdreg s7  }
0x2c: {  	s19 =	sadd.s32 $0x2580, s5;
	s9 =	sadd.s32 $0xC8000, s6;
	v52 =	vnsel vm2, $0x26, v15;
	v15 =	vimm.s32 $0x222A2A26;
	[dreg:$0x6] =	wrdreg s8  }
0x2d: {  	v16 =	vunpack.c.0.s8.s32 v16;
	s5 =	sadd.s32 $0x2BC0, s5;
	s4 =	sadd.s32 s25, s28;
	v53 =	vunpack.c.0.s8.s32 v15;
	v15 =	vimm.s32 $0x2B272323;
	[dreg:$0x8] =	wrdreg s9  }
0x2e: {  	v48 =	vimm.s32 $0x29252121;
	v14 =	vunpack.c.0.s8.s32 v14;
	s12 =	sadd.s32 $0x64640, s6;
	s13 =	sadd.s32 $0xC8640, s6;
	v15 =	vunpack.c.0.s8.s32 v15;
	[dreg:$0xa] =	wrdreg s4  }
0x2f: {  	v17 =	vunpack.c.0.s8.s32 v17;
	v55 =	vnsel vm14, $0x1F, v16;
	s14 =	sadd.s32 s0, s11;
	s17 =	sadd.s32 s0, s16;
	v2 =	vnsel vm2, $0x27, v38;
	[dreg:$0xb] =	wrdreg s12  }
0x30: {  	v12 =	vnsel vm2, $0x25, v12;
	s18 =	sadd.s32 s25, s15;
	s20 =	sadd.s32 s0, s19;
	v54 =	vsel vm3, v15, v2;
	v15 =	vlaneseq.u32;
	[dreg:$0xc] =	wrdreg s13  }
0x31: {  	v56 =	vsel vm15, $0x1B, v55;
	s21 =	sadd.s32 s25, s16;
	s22 =	sadd.s32 s25, s19;
	v1 =	vunpack.c.0.s8.s32 v48;
	v16 =	vmul.u32 $0x10, v15;
	[dreg:$0xd] =	wrdreg s14  }
0x32: {  	v47 =	vimm.s32 $0x19191515;
	v51 =	vnsel vm14, $0x1E, v14;
	s23 =	sadd.s32 s25, s5;
	s24 =	sadd.s32 $0x64C80, s6;
	v50 =	vimm.s32 $0x2A262222;
	[dreg:$0x11] =	wrdreg s17  }
0x33: {  	s28 =	sadd.s32 $0x652C0, s6;
	s29 =	sadd.s32 $0xC92C0, s6;
	v1 =	vsel vm3, v1, v12;
	v13 =	vimm.s32 $0x21292925;
	v58 =	vor.u32 $0x100, v16;
	[dreg:$0x12] =	wrdreg s18  }
0x34: {  	s30 =	sadd.s32 $0x65900, s6;
	s31 =	sadd.s32 $0xC9900, s6;
	v59 =	vor.u32 $0x1, v16;
	v60 =	vor.u32 $0x101, v16;
	v61 =	vor.u32 $0x2, v16;
	[dreg:$0x13] =	wrdreg s20  }
0x35: {  	s1 =	sadd.s32 $0x65F40, s6;
	s16 =	simm.s32 $0x2;
	v62 =	vor.u32 $0x102, v16;
	v63 =	vor.u32 $0x3, v16;
	v26 =	vor.u32 $0x103, v16;
	[dreg:$0x14] =	wrdreg s21  }
0x36: {  	s19 =	simm.s32 $0x16080;
	v27 =	vor.u32 $0x4, v16;
	v28 =	vor.u32 $0x104, v16;
	v29 =	vor.u32 $0x5, v16;
	s7 =	sadd.s32 $0x64000, s6;
	[dreg:$0x16] =	wrdreg s22  }
0x37: {  	v30 =	vor.u32 $0x105, v16;
	v31 =	vor.u32 $0x6, v16;
	v32 =	vor.u32 $0x106, v16;
	s8 =	sadd.s32 s0, s10;
	s9 =	sadd.s32 s0, s15;
	[tilespmem:$0x1FF80] =	vst v56;
	[dreg:$0x17] =	wrdreg s23  }
0x38: {  	v33 =	vor.u32 $0x7, v16;
	v34 =	vor.u32 $0x107, v16;
	v35 =	vor.u32 $0x8, v16;
	s4 =	sadd.s32 s25, s11;
	s0 =	sadd.s32 s0, s5;
	[tilespmem:$0x1FFA0] =	vst v58;
	[dreg:$0x18] =	wrdreg s24  }
0x39: {  	v36 =	vor.u32 $0x108, v16;
	v37 =	vor.u32 $0x9, v16;
	v0 =	vunpack.c.0.s8.s32 v47;
	[tilespmem:$0x1FFB0] =	vst v59;
	[dreg:$0x1b] =	wrdreg s28;
	s3 =	sadd.s32 $0x66580, s6;
	s5 =	sadd.s32 $0x66BC0, s6  }
0x3a: {  	v38 =	vor.u32 $0x109, v16;
	v39 =	vor.u32 $0xA, v16;
	v13 =	vunpack.c.0.s8.s32 v13;
	[tilespmem:$0x1FFC0] =	vst v60;
	s11 =	simm.s32 $0x100;
	s12 =	simm.s32 $0x1;
	s13 =	simm.s32 $0x6680  }
0x3b: {  	v40 =	vor.u32 $0x10A, v16;
	v41 =	vor.u32 $0xB, v16;
	[tilespmem:$0x1FFD0] =	vst v61;
	s14 =	simm.s32 $0x9880;
	s15 =	simm.s32 $0xCA80;
	v0 =	vnsel vm14, $0x1D, v0;
	[dreg:$0x7] =	wrdreg s7  }
0x3c: {  	v42 =	vor.u32 $0x10B, v16;
	v49 =	vsel vm1, v13, v1;
	[tilespmem:$0x1FFE0] =	vst v62;
	s17 =	simm.s32 $0xFC80;
	s18 =	simm.s32 $0x12E80;
	[dreg:$0x9] =	wrdreg s8;
	v0 =	vsel vm15, $0x19, v0  }
0x3d: {  	v43 =	vor.u32 $0xC, v16;
	v1 =	vunpack.c.0.s8.s32 v50;
	s20 =	simm.s32 $0x3;
	s21 =	simm.s32 $0x4;
	[dreg:$0xf] =	wrdreg s9;
	[tilespmem:$0x1FF40] =	vst v0;
	v0 =	vsel vm0, $0x21, v49  }
0x3e: {  	v44 =	vor.u32 $0x10C, v16;
	v45 =	vor.u32 $0xD, v16;
	s22 =	simm.s32 $0x0;
	s7 =	sadd.s32 s25, s10;
	[dreg:$0x10] =	wrdreg s4;
	[tilespmem:$0x1FF50] =	vst v0;
	v0 =	vsel vm15, $0x1A, v51  }
0x3f: {  	v48 =	vor.u32 $0x10E, v16;
	[dreg:$0x15] =	wrdreg s0;
	s25 =	smax.u32 s26, $0x1;
	s26 =	sadd.s32 $0xC8C80, s6;
	[tilespmem:$0x1FF60] =	vst v0;
	v0 =	vsel vm3, v1, v52;
	v1 =	vsel vm1, v17, v54  }
0x40: {  	v46 =	vor.u32 $0x10D, v16;
	[tilespmem:$0x1FFF0] =	vst v63;
	s0 =	sadd.s32 $0xC9F40, s6;
	s4 =	sadd.s32 $0xCA580, s6;
	[dreg:$0xe] =	wrdreg s7;
	v0 =	vsel vm1, v53, v0;
	v57 =	vsel vm0, $0x23, v1  }
0x41: {  	v47 =	vor.u32 $0xE, v16;
	v50 =	vor.u32 $0x10F, v16;
	s8 =	simm.s32 $0x280;
	s9 =	simm.s32 $0x3480;
	[dreg:$0x19] =	wrdreg s25;
	v0 =	vsel vm0, $0x22, v0;
	[tilespmem:$0x1FF90] =	vst v57  }
0x42: {  	s10 =	simm.s32 $0x5;
	[dreg:$0x1a] =	wrdreg s26;
	s7 =	sadd.s32 $0xCABC0, s6;
	v49 =	vor.u32 $0xF, v16;
	v51 =	vor.u32 $0x10, v15;
	v52 =	vor.u32 $0x20, v15;
	[tilespmem:$0x1FF70] =	vst v0  }
.LBB2_1:
0x43: {  	s23 =	rddreg [dreg:$0x5]  }
0x44: {  	[tilespmem:s8], [sflag:$0x1] =	stream.linear.gather [hbm4b:s23+s2], $0x3200, $0x38;
	[tilespmem:$0x19280] =	vst v63  }
0x45: {  	s26 =	rddreg [dreg:$0x6]  }
0x46: {  	[tilespmem:s9], [sflag:$0x2] =	stream.linear.gather [hbm4b:s26+s2], $0x3200, $0x38;
	[tilespmem:$0x19280] =	vst v63  }
0x47: {  	s28 =	rddreg [dreg:$0x4]  }
0x48: {  	[tilespmem:s2], [sflag:$0x5] =	stream.linear.gather [hbm4b:s28+s2], $0x80, $0x38;
	[tilespmem:$0x19280] =	vst v63  }
0x49: {  	_ =	swait.ge [sflag:s10], $0x80  }
0x4a: {  	v3 =	vld [tilespmem:$0x1FEB0];
	_ =	sdelay $0x5  }
0x4b: {  	[sflag:s10] =	ssyncset.done $0x0  }
0x4c: {  	[sflag:s10] =	ssyncadd.s32 $0xFFFFFF80  }
0x4d: {  	v53 =	vld.idx.msk [tilespmem:v3+s2+$0x0], $0xffff  }
0x4e: {  	v3 =	vld [tilespmem:$0x1FEC0];
	_ =	sdelay $0x7  }
0x4f: {  	v54 =	vld.idx.msk [tilespmem:v3+s2+$0x0], $0xffff  }
0x50: {  	v3 =	vld [tilespmem:$0x1FED0];
	_ =	sdelay $0x7  }
0x51: {  	v55 =	vld.idx.msk [tilespmem:v3+s2+$0x0], $0xffff  }
0x52: {  	v3 =	vld [tilespmem:$0x1FEE0];
	_ =	sdelay $0x7  }
0x53: {  	v56 =	vld.idx.msk [tilespmem:v3+s2+$0x0], $0xffff  }
0x54: {  	v3 =	vld [tilespmem:$0x1FEF0];
	_ =	sdelay $0x7  }
0x55: {  	v57 =	vld.idx.msk [tilespmem:v3+s2+$0x0], $0xffff  }
0x56: {  	v3 =	vld [tilespmem:$0x1FF00];
	_ =	sdelay $0x7  }
0x57: {  	v58 =	vld.idx.msk [tilespmem:v3+s2+$0x0], $0xffff  }
0x58: {  	v3 =	vld [tilespmem:$0x1FF10];
	_ =	sdelay $0x7  }
0x59: {  	v59 =	vld.idx.msk [tilespmem:v3+s2+$0x0], $0xffff  }
0x5a: {  	v3 =	vld [tilespmem:$0x1FF20];
	_ =	sdelay $0x7  }
0x5b: {  	v60 =	vld.idx.msk [tilespmem:v3+s2+$0x0], $0xffff  }
0x5c: {  	v3 =	vld [tilespmem:$0x1FF30];
	_ =	sdelay $0x7  }
0x5d: {  	v61 =	vld.idx.msk [tilespmem:v3+s2+$0x0], $0xffff  }
0x5e: {  	v3 =	vld [tilespmem:$0x1FF40];
	_ =	sdelay $0x1  }
0x5f: {  	v1 =	vld [tilespmem:$0x1FE90]  }
0x60: {  	v2 =	vld [tilespmem:$0x1FEA0];
	_ =	sdelay $0x4  }
0x61: {  	v62 =	vld.idx.msk [tilespmem:v3+s2+$0x0], $0xffff  }
0x62: {  	v3 =	vld [tilespmem:$0x1FF50]  }
0x63: {  	v1 =	vld.idx.msk [tilespmem:v1+s2+$0x0], $0xffff  }
0x64: {  	v2 =	vld.idx.msk [tilespmem:v2+s2+$0x0], $0xffff;
	_ =	sdelay $0x3  }
0x65: {  	v0 =	vld [tilespmem:$0x1FE80]  }
0x66: {  	v1 =	vmul.f32 v2, v1;
	v2 =	vld [tilespmem:$0x1FF70]  }
0x67: {  	v63 =	vld.idx.msk [tilespmem:v3+s2+$0x0], $0xffff  }
0x68: {  	v3 =	vld [tilespmem:$0x1FF60]  }
0x69: {  	v4 =	vld [tilespmem:$0x1FF80]  }
0x6a: {  	v10 =	vld [tilespmem:$0x1FF90];
	_ =	sdelay $0x2  }
0x6b: {  	v0 =	vld.idx.msk [tilespmem:v0+s2+$0x0], $0xffff;
	_ =	sdelay $0x1  }
0x6c: {  	v2 =	vld.idx.msk [tilespmem:v2+s2+$0x0], $0xffff  }
0x6d: {  	v3 =	vld.idx.msk [tilespmem:v3+s2+$0x0], $0xffff  }
0x6e: {  	v9 =	vld.idx.msk [tilespmem:v4+s2+$0x0], $0xffff;
	v60 =	vmul.f32 v61, v60  }
0x6f: {  	v11 =	vld.idx.msk [tilespmem:v10+s2+$0x0], $0xffff;
	v0 =	vadd.f32 v1, v0;
	v1 =	vmul.f32 v54, v53  }
0x70: {  	v20 =	vadd.f32 v60, v59;
	v21 =	vmul.f32 v63, v62  }
0x71: {  	v0 =	vadd.f32 v1, v0;
	v1 =	vmul.f32 v56, v55  }
0x72: {  	v54 =	vadd.f32 v21, v20;
	v2 =	vmul.f32 v2, v3  }
0x73: {  	v0 =	vadd.f32 v1, v0  }
0x74: {  	v1 =	vmul.f32 v58, v57;
	v3 =	vmul.f32 v11, v9;
	v2 =	vadd.f32 v2, v54;
	_ =	sdelay $0x1  }
0x75: {  	v0 =	vadd.f32 v1, v0;
	v1 =	vadd.f32 v3, v2;
	v2 =	vld [tilespmem:$0x1FFA0];
	_ =	sdelay $0x4  }
0x76: {  	[tilespmem:$0x80] =	vst v0  }
0x77: {  	[tilespmem:$0x90] =	vst v1  }
0x78: {  	[tilespmem:v16+s11+$0x0] =	vst.idx.msk $0xffff, v0  }
0x79: {  	[tilespmem:v2+s11+$0x0] =	vst.idx.msk $0xff, v1;
	v2 =	vld [tilespmem:$0x1FFB0];
	_ =	sdelay $0x7  }
0x7a: {  	[tilespmem:v2+s11+$0x0] =	vst.idx.msk $0xffff, v0;
	v2 =	vld [tilespmem:$0x1FFC0];
	_ =	sdelay $0x7  }
0x7b: {  	[tilespmem:v2+s11+$0x0] =	vst.idx.msk $0xff, v1;
	v2 =	vld [tilespmem:$0x1FFD0];
	_ =	sdelay $0x7  }
0x7c: {  	[tilespmem:v2+s11+$0x0] =	vst.idx.msk $0xffff, v0;
	v2 =	vld [tilespmem:$0x1FFE0];
	_ =	sdelay $0x7  }
0x7d: {  	[tilespmem:v2+s11+$0x0] =	vst.idx.msk $0xff, v1;
	v2 =	vld [tilespmem:$0x1FFF0];
	_ =	sdelay $0x7  }
0x7e: {  	[tilespmem:v2+s11+$0x0] =	vst.idx.msk $0xffff, v0  }
0x7f: {  	[tilespmem:v26+s11+$0x0] =	vst.idx.msk $0xff, v1  }
0x80: {  	[tilespmem:v27+s11+$0x0] =	vst.idx.msk $0xffff, v0  }
0x81: {  	[tilespmem:v28+s11+$0x0] =	vst.idx.msk $0xff, v1  }
0x82: {  	[tilespmem:v29+s11+$0x0] =	vst.idx.msk $0xffff, v0  }
0x83: {  	[tilespmem:v30+s11+$0x0] =	vst.idx.msk $0xff, v1  }
0x84: {  	[tilespmem:v31+s11+$0x0] =	vst.idx.msk $0xffff, v0  }
0x85: {  	[tilespmem:v32+s11+$0x0] =	vst.idx.msk $0xff, v1  }
0x86: {  	[tilespmem:v33+s11+$0x0] =	vst.idx.msk $0xffff, v0  }
0x87: {  	[tilespmem:v34+s11+$0x0] =	vst.idx.msk $0xff, v1  }
0x88: {  	[tilespmem:v35+s11+$0x0] =	vst.idx.msk $0xffff, v0  }
0x89: {  	[tilespmem:v36+s11+$0x0] =	vst.idx.msk $0xff, v1  }
0x8a: {  	[tilespmem:v37+s11+$0x0] =	vst.idx.msk $0xffff, v0  }
0x8b: {  	[tilespmem:v38+s11+$0x0] =	vst.idx.msk $0xff, v1  }
0x8c: {  	[tilespmem:v39+s11+$0x0] =	vst.idx.msk $0xffff, v0  }
0x8d: {  	[tilespmem:v40+s11+$0x0] =	vst.idx.msk $0xff, v1  }
0x8e: {  	[tilespmem:v41+s11+$0x0] =	vst.idx.msk $0xffff, v0  }
0x8f: {  	[tilespmem:v42+s11+$0x0] =	vst.idx.msk $0xff, v1  }
0x90: {  	[tilespmem:v43+s11+$0x0] =	vst.idx.msk $0xffff, v0  }
0x91: {  	[tilespmem:v44+s11+$0x0] =	vst.idx.msk $0xff, v1  }
0x92: {  	[tilespmem:v45+s11+$0x0] =	vst.idx.msk $0xffff, v0  }
0x93: {  	[tilespmem:v46+s11+$0x0] =	vst.idx.msk $0xff, v1  }
0x94: {  	[tilespmem:v47+s11+$0x0] =	vst.idx.msk $0xffff, v0  }
0x95: {  	[tilespmem:v48+s11+$0x0] =	vst.idx.msk $0xff, v1  }
0x96: {  	[tilespmem:v49+s11+$0x0] =	vst.idx.msk $0xffff, v0  }
0x97: {  	[tilespmem:v50+s11+$0x0] =	vst.idx.msk $0xff, v1  }
0x98: {  	_ =	swait.ge [sflag:s12], $0x3200  }
0x99: {  	[sflag:s12] =	ssyncset.done $0x0  }
0x9a: {  	s23 =	simm.s32 $0x0;
	[sflag:s12] =	ssyncadd.s32 $0xFFFFCE00  }
0x9b: {  	v0 =	vld [tilespmem:s23+$0x2F0]  }
0x9c: {  	v1 =	vld [tilespmem:s23+$0x280]  }
0x9d: {  	v2 =	vld [tilespmem:s23+$0x290]  }
0x9e: {  	v3 =	vld [tilespmem:s23+$0x2A0]  }
0x9f: {  	v22 =	vld [tilespmem:s23+$0x2B0]  }
0xa0: {  	v23 =	vld [tilespmem:s23+$0x2C0];
	v0 =	vmul.u32 $0x30, v0  }
0xa1: {  	v6 =	vld [tilespmem:s23+$0x2D0];
	v1 =	vmul.u32 $0x30, v1  }
0xa2: {  	v8 =	vld [tilespmem:s23+$0x2E0];
	v2 =	vmul.u32 $0x30, v2;
	v7 =	vor.u32 v15, v0  }
0xa3: {  	v3 =	vmul.u32 $0x30, v3;
	v9 =	vor.u32 v15, v1  }
0xa4: {  	v53 =	vmul.u32 $0x30, v22;
	v10 =	vor.u32 v15, v2  }
0xa5: {  	v54 =	vmul.u32 $0x30, v23;
	v11 =	vor.u32 v15, v3  }
0xa6: {  	v55 =	vmul.u32 $0x30, v6;
	v20 =	vor.u32 v15, v53  }
0xa7: {  	v57 =	vmul.u32 $0x30, v8;
	v21 =	vor.u32 v15, v54;
	v56 =	vld.idx.msk [tilespmem:v7+s11+$0x0], $0xffff  }
0xa8: {  	v22 =	vor.u32 v15, v55;
	v58 =	vld.idx.msk [tilespmem:v9+s11+$0x0], $0xffff  }
0xa9: {  	v5 =	vor.u32 v15, v57;
	v59 =	vld.idx.msk [tilespmem:v10+s11+$0x0], $0xffff  }
0xaa: {  	v60 =	vld.idx.msk [tilespmem:v11+s11+$0x0], $0xffff  }
0xab: {  	v61 =	vld.idx.msk [tilespmem:v20+s11+$0x0], $0xffff  }
0xac: {  	v23 =	vadd.s32 v51, v0;
	v62 =	vld.idx.msk [tilespmem:v21+s11+$0x0], $0xffff  }
0xad: {  	v6 =	vadd.s32 v51, v1;
	v63 =	vld.idx.msk [tilespmem:v22+s11+$0x0], $0xffff  }
0xae: {  	s24 =	simm.s32 $0x80;
	v7 =	vadd.s32 v51, v2;
	v5 =	vld.idx.msk [tilespmem:v5+s11+$0x0], $0xffff;
	[tilespmem:s23+$0x66F0] =	vst v56  }
0xaf: {  	v8 =	vadd.s32 v51, v3;
	[tilespmem:s23+$0x66A0] =	vst v60;
	v60 =	vld [tilespmem:s24+$0x2C0]  }
0xb0: {  	v20 =	vadd.s32 v51, v53;
	[tilespmem:s23+$0x66B0] =	vst v61;
	v61 =	vld [tilespmem:s24+$0x2D0]  }
0xb1: {  	v9 =	vadd.s32 v51, v54;
	[tilespmem:s23+$0x6680] =	vst v58;
	v4 =	vld.idx.msk [tilespmem:v23+s11+$0x0], $0xffff  }
0xb2: {  	v22 =	vadd.s32 v51, v57;
	[tilespmem:s23+$0x6690] =	vst v59;
	v6 =	vld.idx.msk [tilespmem:v6+s11+$0x0], $0xffff  }
0xb3: {  	v7 =	vld.idx.msk [tilespmem:v7+s11+$0x0], $0xffff  }
0xb4: {  	v8 =	vld.idx.msk [tilespmem:v8+s11+$0x0], $0xffff  }
0xb5: {  	[tilespmem:s23+$0x66C0] =	vst v62;
	v56 =	vld.idx.msk [tilespmem:v20+s11+$0x0], $0xffff  }
0xb6: {  	v21 =	vadd.s32 v51, v55;
	[tilespmem:s23+$0x66E0] =	vst v5;
	v9 =	vld.idx.msk [tilespmem:v9+s11+$0x0], $0xffff  }
0xb7: {  	v5 =	vld.idx.msk [tilespmem:v22+s11+$0x0], $0xffff  }
0xb8: {  	v23 =	vld [tilespmem:s24+$0x280]  }
0xb9: {  	v0 =	vadd.s32 v52, v0;
	v20 =	vld [tilespmem:s24+$0x290]  }
0xba: {  	[tilespmem:s23+$0x66D0] =	vst v63;
	v22 =	vld [tilespmem:s24+$0x2B0]  }
0xbb: {  	v1 =	vadd.s32 v52, v1;
	[tilespmem:s23+$0x98F0] =	vst v4;
	v4 =	vld.idx.msk [tilespmem:v21+s11+$0x0], $0xffff  }
0xbc: {  	v2 =	vadd.s32 v52, v2;
	[tilespmem:s23+$0x9880] =	vst v6;
	v6 =	vld [tilespmem:s24+$0x2F0]  }
0xbd: {  	v3 =	vadd.s32 v52, v3;
	v21 =	vld [tilespmem:s24+$0x2A0]  }
0xbe: {  	v53 =	vadd.s32 v52, v53;
	[tilespmem:s23+$0x9890] =	vst v7;
	v7 =	vmul.u32 $0x30, v23;
	v0 =	vld.idx.msk [tilespmem:v0+s11+$0x0], $0xffff  }
0xbf: {  	v54 =	vadd.s32 v52, v54;
	[tilespmem:s23+$0x98B0] =	vst v56;
	v56 =	vld [tilespmem:s24+$0x2E0]  }
0xc0: {  	[tilespmem:s23+$0x98A0] =	vst v8;
	v8 =	vmul.u32 $0x30, v20;
	v1 =	vld.idx.msk [tilespmem:v1+s11+$0x0], $0xffff;
	v20 =	vor.u32 v15, v7  }
0xc1: {  	v55 =	vadd.s32 v52, v55;
	v10 =	vmul.u32 $0x30, v60;
	v2 =	vld.idx.msk [tilespmem:v2+s11+$0x0], $0xffff  }
0xc2: {  	[tilespmem:s23+$0x98C0] =	vst v9;
	v3 =	vld.idx.msk [tilespmem:v3+s11+$0x0], $0xffff;
	v6 =	vmul.u32 $0x30, v6;
	v58 =	vmul.u32 $0x30, v21;
	v21 =	vor.u32 v15, v8  }
0xc3: {  	v11 =	vmul.u32 $0x30, v61;
	v63 =	vld.idx.msk [tilespmem:v53+s11+$0x0], $0xffff;
	[tilespmem:s23+$0xCAF0] =	vst v0;
	v0 =	vor.u32 v15, v10  }
0xc4: {  	v53 =	vld.idx.msk [tilespmem:v54+s11+$0x0], $0xffff;
	[tilespmem:s23+$0x98D0] =	vst v4;
	v23 =	vor.u32 v15, v6  }
0xc5: {  	[tilespmem:s23+$0xCA80] =	vst v1;
	v1 =	vld.idx.msk [tilespmem:v20+s11+$0x0], $0xffff;
	v20 =	vor.u32 v15, v11  }
0xc6: {  	v57 =	vadd.s32 v52, v57;
	v59 =	vmul.u32 $0x30, v22;
	v54 =	vld.idx.msk [tilespmem:v55+s11+$0x0], $0xffff  }
0xc7: {  	v56 =	vmul.u32 $0x30, v56;
	[tilespmem:s23+$0xCA90] =	vst v2;
	v22 =	vor.u32 v15, v58;
	v2 =	vld.idx.msk [tilespmem:v21+s11+$0x0], $0xffff  }
0xc8: {  	v60 =	vor.u32 v15, v59;
	v0 =	vld.idx.msk [tilespmem:v0+s11+$0x0], $0xffff  }
0xc9: {  	[tilespmem:s23+$0xCAA0] =	vst v3;
	v3 =	vor.u32 v15, v56;
	v23 =	vld.idx.msk [tilespmem:v23+s11+$0x0], $0xffff  }
0xca: {  	[tilespmem:s23+$0x98E0] =	vst v5;
	v9 =	vld.idx.msk [tilespmem:v20+s11+$0x0], $0xffff;
	v20 =	vadd.s32 v51, v10  }
0xcb: {  	v55 =	vld.idx.msk [tilespmem:v57+s11+$0x0], $0xffff;
	v21 =	vadd.s32 v51, v6  }
0xcc: {  	v5 =	vld.idx.msk [tilespmem:v22+s11+$0x0], $0xffff;
	v22 =	vadd.s32 v51, v7;
	[tilespmem:s24+$0x6680] =	vst v1  }
0xcd: {  	v60 =	vld.idx.msk [tilespmem:v60+s11+$0x0], $0xffff;
	v1 =	vadd.s32 v51, v58;
	[tilespmem:s24+$0x66C0] =	vst v0  }
0xce: {  	v3 =	vld.idx.msk [tilespmem:v3+s11+$0x0], $0xffff;
	[tilespmem:s24+$0x66F0] =	vst v23;
	v23 =	vadd.s32 v51, v8  }
0xcf: {  	[tilespmem:s24+$0x6690] =	vst v2;
	v2 =	vadd.s32 v51, v59;
	v61 =	vld.idx.msk [tilespmem:v20+s11+$0x0], $0xffff  }
0xd0: {  	[tilespmem:s23+$0xCAB0] =	vst v63;
	v0 =	vadd.s32 v51, v11;
	v4 =	vld.idx.msk [tilespmem:v21+s11+$0x0], $0xffff  }
0xd1: {  	v6 =	vadd.s32 v52, v6;
	[tilespmem:s24+$0x66A0] =	vst v5;
	v21 =	vld.idx.msk [tilespmem:v22+s11+$0x0], $0xffff  }
0xd2: {  	[tilespmem:s24+$0x66B0] =	vst v60;
	v22 =	vadd.s32 v51, v56;
	v1 =	vld.idx.msk [tilespmem:v1+s11+$0x0], $0xffff  }
0xd3: {  	[tilespmem:s24+$0x66D0] =	vst v9;
	v57 =	vld.idx.msk [tilespmem:v23+s11+$0x0], $0xffff;
	v23 =	vadd.s32 v52, v7  }
0xd4: {  	[tilespmem:s24+$0x66E0] =	vst v3;
	v3 =	vadd.s32 v52, v8;
	v2 =	vld.idx.msk [tilespmem:v2+s11+$0x0], $0xffff  }
0xd5: {  	v60 =	vadd.s32 v52, v58;
	v63 =	vld.idx.msk [tilespmem:v0+s11+$0x0], $0xffff;
	[tilespmem:s24+$0x98F0] =	vst v4  }
0xd6: {  	[tilespmem:s24+$0x9880] =	vst v21;
	v62 =	vld.idx.msk [tilespmem:v6+s11+$0x0], $0xffff  }
0xd7: {  	[tilespmem:s24+$0x98A0] =	vst v1;
	v0 =	vld.idx.msk [tilespmem:v22+s11+$0x0], $0xffff  }
0xd8: {  	v58 =	vadd.s32 v52, v10;
	v59 =	vadd.s32 v52, v59;
	[tilespmem:s24+$0x9890] =	vst v57;
	v1 =	vld.idx.msk [tilespmem:v23+s11+$0x0], $0xffff  }
0xd9: {  	s25 =	simm.s32 $0x8;
	s26 =	simm.s32 $0x400;
	v56 =	vadd.s32 v52, v56;
	[tilespmem:s24+$0x98B0] =	vst v2;
	v57 =	vadd.s32 v52, v11;
	v2 =	vld.idx.msk [tilespmem:v3+s11+$0x0], $0xffff  }
.LBB2_2:
0xda: {  	s28 =	sshra.s32 s26, $0x2;
	s25 =	sadd.s32 $0x8, s25;
	v3 =	vld.idx.msk [tilespmem:v60+s11+$0x0], $0xffff;
	[tilespmem:s24+$0x98C0] =	vst v61  }
0xdb: {  	v4 =	vld [tilespmem:s28+$0x2F0];
	p0 =	slt.u32 s25, $0x318;
	[tilespmem:s24+$0xCAF0] =	vst v62  }
0xdc: {  	v5 =	vld [tilespmem:s28+$0x280];
	[tilespmem:s24+$0x98D0] =	vst v63  }
0xdd: {  	v6 =	vld [tilespmem:s28+$0x290];
	[tilespmem:s24+$0x98E0] =	vst v0  }
0xde: {  	v0 =	vld [tilespmem:s28+$0x2A0];
	[tilespmem:s24+$0xCA80] =	vst v1  }
0xdf: {  	v1 =	vld [tilespmem:s28+$0x2B0];
	[tilespmem:s24+$0xCA90] =	vst v2  }
0xe0: {  	v2 =	vld [tilespmem:s28+$0x2C0];
	v4 =	vmul.u32 $0x30, v4;
	[tilespmem:s24+$0xCAA0] =	vst v3  }
0xe1: {  	v3 =	vmul.u32 $0x30, v5;
	v5 =	vld [tilespmem:s28+$0x2D0];
	[tilespmem:s23+$0xCAC0] =	vst v53  }
0xe2: {  	v6 =	vmul.u32 $0x30, v6;
	v7 =	vld [tilespmem:s28+$0x2E0];
	v8 =	vor.u32 v15, v4;
	[tilespmem:s23+$0xCAD0] =	vst v54  }
0xe3: {  	v9 =	vor.u32 v15, v3;
	v10 =	vadd.s32 v51, v3;
	v0 =	vmul.u32 $0x30, v0;
	v11 =	vld.idx.msk [tilespmem:v59+s11+$0x0], $0xffff;
	[tilespmem:s23+$0xCAE0] =	vst v55;
	s23 =	smov.u32 s24;
	s24 =	smov.u32 s28  }
0xe4: {  	v59 =	vor.u32 v15, v6;
	v61 =	vadd.s32 v51, v6;
	v1 =	vmul.u32 $0x30, v1;
	v53 =	vld.idx.msk [tilespmem:v58+s11+$0x0], $0xffff  }
0xe5: {  	v58 =	vor.u32 v15, v0;
	v62 =	vadd.s32 v51, v0;
	v2 =	vmul.u32 $0x30, v2;
	v54 =	vld.idx.msk [tilespmem:v57+s11+$0x0], $0xffff  }
0xe6: {  	v57 =	vor.u32 v15, v1;
	v63 =	vadd.s32 v51, v1;
	v5 =	vmul.u32 $0x30, v5;
	v55 =	vld.idx.msk [tilespmem:v56+s11+$0x0], $0xffff  }
0xe7: {  	v12 =	vor.u32 v15, v2;
	v13 =	vadd.s32 v51, v2;
	v7 =	vmul.u32 $0x30, v7;
	v8 =	vld.idx.msk [tilespmem:v8+s11+$0x0], $0xffff  }
0xe8: {  	v3 =	vadd.s32 v52, v3;
	v9 =	vld.idx.msk [tilespmem:v9+s11+$0x0], $0xffff;
	v14 =	vor.u32 v15, v5;
	v17 =	vadd.s32 v51, v5  }
0xe9: {  	v21 =	vadd.s32 v51, v4;
	v18 =	vld.idx.msk [tilespmem:v59+s11+$0x0], $0xffff;
	v19 =	vor.u32 v15, v7;
	v20 =	vadd.s32 v51, v7  }
0xea: {  	v6 =	vadd.s32 v52, v6;
	v60 =	vadd.s32 v52, v0;
	v59 =	vadd.s32 v52, v1;
	v22 =	vld.idx.msk [tilespmem:v58+s11+$0x0], $0xffff  }
0xeb: {  	v56 =	vadd.s32 v52, v7;
	v58 =	vadd.s32 v52, v2;
	v0 =	vld.idx.msk [tilespmem:v57+s11+$0x0], $0xffff;
	v57 =	vadd.s32 v52, v5  }
0xec: {  	v1 =	vld.idx.msk [tilespmem:v12+s11+$0x0], $0xffff;
	[tilespmem:s23+$0xCAB0] =	vst v11  }
0xed: {  	v2 =	vld.idx.msk [tilespmem:v14+s11+$0x0], $0xffff;
	[tilespmem:s24+$0x66F0] =	vst v8  }
0xee: {  	[tilespmem:s24+$0x6680] =	vst v9;
	v5 =	vld.idx.msk [tilespmem:v21+s11+$0x0], $0xffff  }
0xef: {  	[tilespmem:s24+$0x6690] =	vst v18;
	v7 =	vld.idx.msk [tilespmem:v19+s11+$0x0], $0xffff  }
0xf0: {  	v4 =	vadd.s32 v52, v4;
	v8 =	vld.idx.msk [tilespmem:v10+s11+$0x0], $0xffff;
	[tilespmem:s24+$0x66A0] =	vst v22  }
0xf1: {  	v9 =	vld.idx.msk [tilespmem:v61+s11+$0x0], $0xffff;
	[tilespmem:s24+$0x66B0] =	vst v0  }
0xf2: {  	v10 =	vld.idx.msk [tilespmem:v62+s11+$0x0], $0xffff;
	[tilespmem:s24+$0x66C0] =	vst v1  }
0xf3: {  	v11 =	vld.idx.msk [tilespmem:v63+s11+$0x0], $0xffff;
	[tilespmem:s24+$0x66D0] =	vst v2  }
0xf4: {  	v61 =	vld.idx.msk [tilespmem:v13+s11+$0x0], $0xffff;
	[tilespmem:s24+$0x98F0] =	vst v5  }
.Ltmp0:
0xf5: {  	[tilespmem:s24+$0x66E0] =	vst v7;
	v62 =	vld.idx.msk [tilespmem:v4+s11+$0x0], $0xffff;
	(pc) =	sbr.rel @p0 .LBB2_2-.Ltmp0, $4  }
0xf6: {  	[tilespmem:s24+$0x9880] =	vst v8;
	v63 =	vld.idx.msk [tilespmem:v17+s11+$0x0], $0xffff  }
0xf7: {  	[tilespmem:s24+$0x9890] =	vst v9;
	v0 =	vld.idx.msk [tilespmem:v20+s11+$0x0], $0xffff  }
0xf8: {  	v1 =	vld.idx.msk [tilespmem:v3+s11+$0x0], $0xffff;
	[tilespmem:s24+$0x98A0] =	vst v10  }
0xf9: {  	s26 =	sadd.s32 $0x200, s26;
	v2 =	vld.idx.msk [tilespmem:v6+s11+$0x0], $0xffff;
	[tilespmem:s24+$0x98B0] =	vst v11  }
0xfa: {  	_ = 	snop  }
0xfb: {  	[tilespmem:s24+$0x98C0] =	vst v61  }
0xfc: {  	[tilespmem:s24+$0xCAF0] =	vst v62  }
0xfd: {  	[tilespmem:s23+$0xCAC0] =	vst v53  }
0xfe: {  	v3 =	vld.idx.msk [tilespmem:v60+s11+$0x0], $0xffff;
	[tilespmem:s23+$0xCAD0] =	vst v54  }
0xff: {  	[tilespmem:s24+$0x98D0] =	vst v63  }
0x100: {  	[tilespmem:s24+$0x98E0] =	vst v0;
	v0 =	vld.idx.msk [tilespmem:v59+s11+$0x0], $0xffff  }
0x101: {  	[tilespmem:s24+$0xCA80] =	vst v1;
	v1 =	vld.idx.msk [tilespmem:v58+s11+$0x0], $0xffff  }
0x102: {  	[tilespmem:s24+$0xCA90] =	vst v2;
	v2 =	vld.idx.msk [tilespmem:v57+s11+$0x0], $0xffff  }
0x103: {  	[tilespmem:s24+$0xCAA0] =	vst v3;
	v3 =	vld.idx.msk [tilespmem:v56+s11+$0x0], $0xffff  }
0x104: {  	[tilespmem:s23+$0xCAE0] =	vst v55  }
0x105: {  	[tilespmem:s24+$0xCAB0] =	vst v0  }
0x106: {  	[tilespmem:s24+$0xCAC0] =	vst v1  }
0x107: {  	[tilespmem:s24+$0xCAD0] =	vst v2  }
0x108: {  	s25 =	simm.s32 $0x0;
	[tilespmem:s24+$0xCAE0] =	vst v3  }
0x109: {  	[hbm4b:s6+s25] =	stream.linear.scatter [tilespmem:s13], [sflag:$0x3], $0x3200, $0x38;
	[tilespmem:$0x19280] =	vst v63  }
0x10a: {  	s24 =	rddreg [dreg:$0x7]  }
0x10b: {  	[hbm4b:s24+s25] =	stream.linear.scatter [tilespmem:s14], [sflag:$0x3], $0x3200, $0x38;
	[tilespmem:$0x19280] =	vst v63  }
0x10c: {  	s26 =	rddreg [dreg:$0x8]  }
0x10d: {  	[hbm4b:s26+s25] =	stream.linear.scatter [tilespmem:s15], [sflag:$0x3], $0x3200, $0x38;
	[tilespmem:$0x19280] =	vst v63  }
0x10e: {  	s28 =	rddreg [dreg:$0x9]  }
0x10f: {  	[tilespmem:s8], [sflag:$0x1] =	stream.linear.gather [hbm4b:s28+s25], $0x3200, $0x38;
	[tilespmem:$0x19280] =	vst v63  }
0x110: {  	_ =	swait.ge [sflag:s16], $0x3200  }
0x111: {  	[sflag:s16] =	ssyncset.done $0x0  }
0x112: {  	s23 =	simm.s32 $0x0;
	[sflag:s16] =	ssyncadd.s32 $0xFFFFCE00  }
0x113: {  	v0 =	vld [tilespmem:s23+$0x34F0]  }
0x114: {  	v1 =	vld [tilespmem:s23+$0x3480]  }
0x115: {  	v2 =	vld [tilespmem:s23+$0x3490]  }
0x116: {  	v6 =	vld [tilespmem:s23+$0x34D0]  }
0x117: {  	v3 =	vld [tilespmem:s23+$0x34A0]  }
0x118: {  	v4 =	vld [tilespmem:s23+$0x34B0];
	v0 =	vmul.u32 $0x30, v0  }
0x119: {  	v5 =	vld [tilespmem:s23+$0x34C0];
	v1 =	vmul.u32 $0x30, v1  }
0x11a: {  	v8 =	vld [tilespmem:s23+$0x34E0];
	v2 =	vmul.u32 $0x30, v2;
	v7 =	vor.u32 v15, v0  }
0x11b: {  	v6 =	vmul.u32 $0x30, v6;
	v9 =	vor.u32 v15, v1  }
0x11c: {  	s24 =	simm.s32 $0x80;
	v3 =	vmul.u32 $0x30, v3;
	v10 =	vor.u32 v15, v2  }
0x11d: {  	v61 =	vld [tilespmem:s24+$0x34F0];
	v4 =	vmul.u32 $0x30, v4;
	v14 =	vor.u32 v15, v6  }
0x11e: {  	v62 =	vld [tilespmem:s24+$0x34D0];
	v5 =	vmul.u32 $0x30, v5;
	v11 =	vor.u32 v15, v3  }
0x11f: {  	v8 =	vmul.u32 $0x30, v8;
	v12 =	vor.u32 v15, v4;
	v7 =	vld.idx.msk [tilespmem:v7+s11+$0x0], $0xffff  }
0x120: {  	v13 =	vor.u32 v15, v5;
	v9 =	vld.idx.msk [tilespmem:v9+s11+$0x0], $0xffff  }
0x121: {  	v18 =	vor.u32 v15, v8;
	v10 =	vld.idx.msk [tilespmem:v10+s11+$0x0], $0xffff  }
0x122: {  	v14 =	vld.idx.msk [tilespmem:v14+s11+$0x0], $0xffff  }
0x123: {  	v17 =	vadd.s32 v51, v0;
	v11 =	vld.idx.msk [tilespmem:v11+s11+$0x0], $0xffff  }
0x124: {  	v19 =	vadd.s32 v51, v1;
	v12 =	vld.idx.msk [tilespmem:v12+s11+$0x0], $0xffff  }
0x125: {  	v20 =	vadd.s32 v51, v2;
	v13 =	vld.idx.msk [tilespmem:v13+s11+$0x0], $0xffff  }
0x126: {  	v21 =	vadd.s32 v51, v3;
	v56 =	vld.idx.msk [tilespmem:v18+s11+$0x0], $0xffff;
	[tilespmem:s23+$0xFCF0] =	vst v7  }
0x127: {  	v55 =	vadd.s32 v51, v4;
	[tilespmem:s23+$0xFCD0] =	vst v14;
	v14 =	vld [tilespmem:s24+$0x3490]  }
0x128: {  	v22 =	vadd.s32 v51, v5;
	[tilespmem:s23+$0xFC80] =	vst v9;
	v17 =	vld.idx.msk [tilespmem:v17+s11+$0x0], $0xffff  }
0x129: {  	v18 =	vadd.s32 v51, v6;
	[tilespmem:s23+$0xFC90] =	vst v10;
	v57 =	vld.idx.msk [tilespmem:v19+s11+$0x0], $0xffff  }
0x12a: {  	[tilespmem:s23+$0xFCA0] =	vst v11;
	v58 =	vld.idx.msk [tilespmem:v20+s11+$0x0], $0xffff  }
0x12b: {  	[tilespmem:s23+$0xFCB0] =	vst v12;
	v19 =	vadd.s32 v51, v8;
	v12 =	vld.idx.msk [tilespmem:v21+s11+$0x0], $0xffff  }
0x12c: {  	[tilespmem:s23+$0xFCC0] =	vst v13;
	v7 =	vld.idx.msk [tilespmem:v55+s11+$0x0], $0xffff  }
0x12d: {  	v13 =	vld.idx.msk [tilespmem:v22+s11+$0x0], $0xffff  }
0x12e: {  	v59 =	vld.idx.msk [tilespmem:v18+s11+$0x0], $0xffff  }
0x12f: {  	[tilespmem:s23+$0xFCE0] =	vst v56;
	v18 =	vld [tilespmem:s24+$0x34B0]  }
0x130: {  	v0 =	vadd.s32 v52, v0;
	v60 =	vld.idx.msk [tilespmem:v19+s11+$0x0], $0xffff  }
0x131: {  	v1 =	vadd.s32 v52, v1;
	[tilespmem:s23+$0x12EA0] =	vst v12;
	v12 =	vld [tilespmem:s24+$0x3480]  }
0x132: {  	v2 =	vadd.s32 v52, v2;
	[tilespmem:s23+$0x12EF0] =	vst v17;
	v17 =	vld [tilespmem:s24+$0x34A0]  }
0x133: {  	v3 =	vadd.s32 v52, v3;
	v19 =	vld [tilespmem:s24+$0x34C0]  }
0x134: {  	v4 =	vadd.s32 v52, v4;
	[tilespmem:s23+$0x12EB0] =	vst v7;
	v7 =	vmul.u32 $0x30, v14;
	v14 =	vld [tilespmem:s24+$0x34E0]  }
0x135: {  	v5 =	vadd.s32 v52, v5;
	v11 =	vmul.u32 $0x30, v61;
	[tilespmem:s23+$0x12E80] =	vst v57;
	v0 =	vld.idx.msk [tilespmem:v0+s11+$0x0], $0xffff  }
0x136: {  	v6 =	vadd.s32 v52, v6;
	[tilespmem:s23+$0x12E90] =	vst v58;
	v1 =	vld.idx.msk [tilespmem:v1+s11+$0x0], $0xffff  }
0x137: {  	v63 =	vor.u32 v15, v11;
	v2 =	vld.idx.msk [tilespmem:v2+s11+$0x0], $0xffff  }
0x138: {  	v8 =	vadd.s32 v52, v8;
	v18 =	vmul.u32 $0x30, v18;
	v3 =	vld.idx.msk [tilespmem:v3+s11+$0x0], $0xffff  }
0x139: {  	[tilespmem:s23+$0x12EC0] =	vst v13;
	v4 =	vld.idx.msk [tilespmem:v4+s11+$0x0], $0xffff;
	v57 =	vor.u32 v15, v7;
	v12 =	vmul.u32 $0x30, v12  }
0x13a: {  	[tilespmem:s23+$0x12ED0] =	vst v59;
	v53 =	vld.idx.msk [tilespmem:v5+s11+$0x0], $0xffff;
	v59 =	vor.u32 v15, v18;
	v17 =	vmul.u32 $0x30, v17  }
0x13b: {  	v54 =	vld.idx.msk [tilespmem:v6+s11+$0x0], $0xffff;
	v10 =	vmul.u32 $0x30, v19;
	v13 =	vor.u32 v15, v12  }
0x13c: {  	v61 =	vld.idx.msk [tilespmem:v63+s11+$0x0], $0xffff;
	[tilespmem:s23+$0x12EE0] =	vst v60;
	v14 =	vmul.u32 $0x30, v14;
	v58 =	vor.u32 v15, v17  }
0x13d: {  	v55 =	vld.idx.msk [tilespmem:v8+s11+$0x0], $0xffff;
	[tilespmem:s23+$0x16080] =	vst v1;
	v60 =	vor.u32 v15, v10  }
0x13e: {  	v19 =	vmul.u32 $0x30, v62;
	[tilespmem:s23+$0x16090] =	vst v2;
	v1 =	vld.idx.msk [tilespmem:v57+s11+$0x0], $0xffff;
	v2 =	vor.u32 v15, v14  }
0x13f: {  	v63 =	vadd.s32 v51, v7;
	v6 =	vld.idx.msk [tilespmem:v59+s11+$0x0], $0xffff  }
0x140: {  	[tilespmem:s23+$0x160F0] =	vst v0;
	v0 =	vld.idx.msk [tilespmem:v13+s11+$0x0], $0xffff;
	v13 =	vor.u32 v15, v19  }
0x141: {  	v62 =	vadd.s32 v51, v11;
	[tilespmem:s23+$0x160A0] =	vst v3;
	v5 =	vld.idx.msk [tilespmem:v58+s11+$0x0], $0xffff  }
0x142: {  	[tilespmem:s23+$0x160B0] =	vst v4;
	v3 =	vadd.s32 v51, v12;
	v8 =	vld.idx.msk [tilespmem:v60+s11+$0x0], $0xffff  }
0x143: {  	v57 =	vadd.s32 v51, v18;
	[tilespmem:s24+$0xFC90] =	vst v1;
	v1 =	vld.idx.msk [tilespmem:v2+s11+$0x0], $0xffff  }
0x144: {  	[tilespmem:s24+$0xFCF0] =	vst v61;
	v56 =	vadd.s32 v51, v17;
	v21 =	vld.idx.msk [tilespmem:v63+s11+$0x0], $0xffff  }
0x145: {  	v58 =	vadd.s32 v51, v10;
	[tilespmem:s24+$0xFCB0] =	vst v6;
	v13 =	vld.idx.msk [tilespmem:v13+s11+$0x0], $0xffff  }
0x146: {  	v22 =	vadd.s32 v51, v14;
	[tilespmem:s24+$0xFC80] =	vst v0;
	v0 =	vld.idx.msk [tilespmem:v62+s11+$0x0], $0xffff  }
0x147: {  	[tilespmem:s24+$0xFCA0] =	vst v5;
	v2 =	vld.idx.msk [tilespmem:v3+s11+$0x0], $0xffff;
	v3 =	vadd.s32 v52, v11  }
0x148: {  	v59 =	vadd.s32 v51, v19;
	v23 =	vadd.s32 v52, v12;
	v12 =	vld.idx.msk [tilespmem:v57+s11+$0x0], $0xffff;
	[tilespmem:s24+$0xFCC0] =	vst v8  }
0x149: {  	v7 =	vadd.s32 v52, v7;
	[tilespmem:s24+$0xFCE0] =	vst v1;
	v4 =	vld.idx.msk [tilespmem:v56+s11+$0x0], $0xffff  }
0x14a: {  	v61 =	vld.idx.msk [tilespmem:v58+s11+$0x0], $0xffff;
	[tilespmem:s24+$0x12E90] =	vst v21  }
0x14b: {  	v60 =	vadd.s32 v52, v17;
	[tilespmem:s24+$0x12EF0] =	vst v0;
	v0 =	vld.idx.msk [tilespmem:v22+s11+$0x0], $0xffff  }
0x14c: {  	[tilespmem:s24+$0xFCD0] =	vst v13;
	v62 =	vld.idx.msk [tilespmem:v3+s11+$0x0], $0xffff  }
0x14d: {  	[tilespmem:s24+$0x12EB0] =	vst v12;
	v63 =	vld.idx.msk [tilespmem:v59+s11+$0x0], $0xffff  }
0x14e: {  	v57 =	vadd.s32 v52, v19;
	v58 =	vadd.s32 v52, v10;
	[tilespmem:s24+$0x12E80] =	vst v2;
	v2 =	vld.idx.msk [tilespmem:v7+s11+$0x0], $0xffff  }
0x14f: {  	s26 =	simm.s32 $0x400;
	s25 =	simm.s32 $0x8;
	v56 =	vadd.s32 v52, v14;
	v59 =	vadd.s32 v52, v18;
	[tilespmem:s24+$0x12EA0] =	vst v4;
	v1 =	vld.idx.msk [tilespmem:v23+s11+$0x0], $0xffff  }
.LBB2_4:
0x150: {  	s28 =	sshra.s32 s26, $0x2;
	s25 =	sadd.s32 $0x8, s25;
	v3 =	vld.idx.msk [tilespmem:v60+s11+$0x0], $0xffff;
	[tilespmem:s24+$0x12EC0] =	vst v61  }
0x151: {  	v4 =	vld [tilespmem:s28+$0x34F0];
	p0 =	slt.u32 s25, $0x318;
	[tilespmem:s24+$0x160F0] =	vst v62  }
0x152: {  	v5 =	vld [tilespmem:s28+$0x3480];
	[tilespmem:s24+$0x12ED0] =	vst v63  }
0x153: {  	v6 =	vld [tilespmem:s28+$0x3490];
	[tilespmem:s24+$0x12EE0] =	vst v0  }
0x154: {  	v0 =	vld [tilespmem:s28+$0x34A0];
	[tilespmem:s24+$0x16080] =	vst v1  }
0x155: {  	v1 =	vld [tilespmem:s28+$0x34B0];
	[tilespmem:s24+$0x16090] =	vst v2  }
0x156: {  	v2 =	vld [tilespmem:s28+$0x34C0];
	v4 =	vmul.u32 $0x30, v4;
	[tilespmem:s24+$0x160A0] =	vst v3  }
0x157: {  	v3 =	vmul.u32 $0x30, v5;
	v5 =	vld [tilespmem:s28+$0x34D0];
	[tilespmem:s23+$0x160C0] =	vst v53  }
0x158: {  	v6 =	vmul.u32 $0x30, v6;
	v7 =	vld [tilespmem:s28+$0x34E0];
	v8 =	vor.u32 v15, v4;
	[tilespmem:s23+$0x160D0] =	vst v54  }
0x159: {  	v9 =	vor.u32 v15, v3;
	v10 =	vadd.s32 v51, v3;
	v0 =	vmul.u32 $0x30, v0;
	v11 =	vld.idx.msk [tilespmem:v59+s11+$0x0], $0xffff;
	[tilespmem:s23+$0x160E0] =	vst v55;
	s23 =	smov.u32 s24;
	s24 =	smov.u32 s28  }
0x15a: {  	v12 =	vor.u32 v15, v6;
	v13 =	vadd.s32 v51, v6;
	v1 =	vmul.u32 $0x30, v1;
	v53 =	vld.idx.msk [tilespmem:v58+s11+$0x0], $0xffff  }
0x15b: {  	v14 =	vor.u32 v15, v0;
	v17 =	vadd.s32 v51, v0;
	v2 =	vmul.u32 $0x30, v2;
	v54 =	vld.idx.msk [tilespmem:v57+s11+$0x0], $0xffff  }
0x15c: {  	v18 =	vor.u32 v15, v1;
	v19 =	vadd.s32 v51, v1;
	v5 =	vmul.u32 $0x30, v5;
	v55 =	vld.idx.msk [tilespmem:v56+s11+$0x0], $0xffff  }
0x15d: {  	v20 =	vor.u32 v15, v2;
	v21 =	vadd.s32 v51, v2;
	v7 =	vmul.u32 $0x30, v7;
	v8 =	vld.idx.msk [tilespmem:v8+s11+$0x0], $0xffff  }
0x15e: {  	v3 =	vadd.s32 v52, v3;
	v9 =	vld.idx.msk [tilespmem:v9+s11+$0x0], $0xffff;
	v22 =	vor.u32 v15, v5;
	v63 =	vadd.s32 v51, v5  }
0x15f: {  	v62 =	vadd.s32 v51, v4;
	v12 =	vld.idx.msk [tilespmem:v12+s11+$0x0], $0xffff;
	v61 =	vor.u32 v15, v7;
	v23 =	vadd.s32 v51, v7  }
0x160: {  	v6 =	vadd.s32 v52, v6;
	v60 =	vadd.s32 v52, v0;
	v59 =	vadd.s32 v52, v1;
	v14 =	vld.idx.msk [tilespmem:v14+s11+$0x0], $0xffff  }
0x161: {  	v58 =	vadd.s32 v52, v2;
	v57 =	vadd.s32 v52, v5;
	v56 =	vadd.s32 v52, v7;
	v0 =	vld.idx.msk [tilespmem:v18+s11+$0x0], $0xffff  }
0x162: {  	v1 =	vld.idx.msk [tilespmem:v20+s11+$0x0], $0xffff;
	[tilespmem:s23+$0x160B0] =	vst v11  }
0x163: {  	v2 =	vld.idx.msk [tilespmem:v22+s11+$0x0], $0xffff;
	[tilespmem:s24+$0xFCF0] =	vst v8  }
0x164: {  	[tilespmem:s24+$0xFC80] =	vst v9;
	v5 =	vld.idx.msk [tilespmem:v62+s11+$0x0], $0xffff  }
0x165: {  	[tilespmem:s24+$0xFC90] =	vst v12;
	v7 =	vld.idx.msk [tilespmem:v61+s11+$0x0], $0xffff  }
0x166: {  	v4 =	vadd.s32 v52, v4;
	v8 =	vld.idx.msk [tilespmem:v10+s11+$0x0], $0xffff;
	[tilespmem:s24+$0xFCA0] =	vst v14  }
0x167: {  	v9 =	vld.idx.msk [tilespmem:v13+s11+$0x0], $0xffff;
	[tilespmem:s24+$0xFCB0] =	vst v0  }
0x168: {  	v10 =	vld.idx.msk [tilespmem:v17+s11+$0x0], $0xffff;
	[tilespmem:s24+$0xFCC0] =	vst v1  }
0x169: {  	v11 =	vld.idx.msk [tilespmem:v19+s11+$0x0], $0xffff;
	[tilespmem:s24+$0xFCD0] =	vst v2  }
0x16a: {  	v61 =	vld.idx.msk [tilespmem:v21+s11+$0x0], $0xffff;
	[tilespmem:s24+$0x12EF0] =	vst v5  }
.Ltmp1:
0x16b: {  	[tilespmem:s24+$0xFCE0] =	vst v7;
	v62 =	vld.idx.msk [tilespmem:v4+s11+$0x0], $0xffff;
	(pc) =	sbr.rel @p0 .LBB2_4-.Ltmp1, $4  }
0x16c: {  	[tilespmem:s24+$0x12E80] =	vst v8;
	v63 =	vld.idx.msk [tilespmem:v63+s11+$0x0], $0xffff  }
0x16d: {  	[tilespmem:s24+$0x12E90] =	vst v9;
	v0 =	vld.idx.msk [tilespmem:v23+s11+$0x0], $0xffff  }
0x16e: {  	v1 =	vld.idx.msk [tilespmem:v3+s11+$0x0], $0xffff;
	[tilespmem:s24+$0x12EA0] =	vst v10  }
0x16f: {  	s26 =	sadd.s32 $0x200, s26;
	v2 =	vld.idx.msk [tilespmem:v6+s11+$0x0], $0xffff;
	[tilespmem:s24+$0x12EB0] =	vst v11  }
0x170: {  	_ = 	snop  }
0x171: {  	[tilespmem:s24+$0x12EC0] =	vst v61  }
0x172: {  	[tilespmem:s24+$0x160F0] =	vst v62  }
0x173: {  	[tilespmem:s23+$0x160C0] =	vst v53  }
0x174: {  	v3 =	vld.idx.msk [tilespmem:v60+s11+$0x0], $0xffff;
	[tilespmem:s23+$0x160D0] =	vst v54  }
0x175: {  	[tilespmem:s24+$0x12ED0] =	vst v63  }
0x176: {  	[tilespmem:s24+$0x12EE0] =	vst v0;
	v0 =	vld.idx.msk [tilespmem:v59+s11+$0x0], $0xffff  }
0x177: {  	[tilespmem:s24+$0x16080] =	vst v1;
	v1 =	vld.idx.msk [tilespmem:v58+s11+$0x0], $0xffff  }
0x178: {  	[tilespmem:s24+$0x16090] =	vst v2;
	v2 =	vld.idx.msk [tilespmem:v57+s11+$0x0], $0xffff  }
0x179: {  	[tilespmem:s24+$0x160A0] =	vst v3;
	v3 =	vld.idx.msk [tilespmem:v56+s11+$0x0], $0xffff  }
0x17a: {  	[tilespmem:s23+$0x160E0] =	vst v55  }
0x17b: {  	[tilespmem:s24+$0x160B0] =	vst v0  }
0x17c: {  	[tilespmem:s24+$0x160C0] =	vst v1  }
0x17d: {  	[tilespmem:s24+$0x160D0] =	vst v2  }
0x17e: {  	[tilespmem:s24+$0x160E0] =	vst v3  }
0x17f: {  	s23 =	simm.s32 $0x0;
	s24 =	rddreg [dreg:$0xa]  }
0x180: {  	[hbm4b:s24+s23] =	stream.linear.scatter [tilespmem:s17], [sflag:$0x4], $0x3200, $0x38;
	[tilespmem:$0x19280] =	vst v63  }
0x181: {  	s25 =	rddreg [dreg:$0xb]  }
0x182: {  	[hbm4b:s25+s23] =	stream.linear.scatter [tilespmem:s18], [sflag:$0x4], $0x3200, $0x38;
	[tilespmem:$0x19280] =	vst v63  }
0x183: {  	s26 =	rddreg [dreg:$0xc]  }
0x184: {  	[hbm4b:s26+s23] =	stream.linear.scatter [tilespmem:s19], [sflag:$0x4], $0x3200, $0x38;
	[tilespmem:$0x19280] =	vst v63  }
0x185: {  	s28 =	rddreg [dreg:$0xd]  }
0x186: {  	[tilespmem:s9], [sflag:$0x2] =	stream.linear.gather [hbm4b:s28+s23], $0x3200, $0x38;
	[tilespmem:$0x19280] =	vst v63  }
0x187: {  	_ =	swait.ge [sflag:s12], $0x3200  }
0x188: {  	[sflag:s12] =	ssyncset.done $0x0  }
0x189: {  	[sflag:s12] =	ssyncadd.s32 $0xFFFFCE00  }
0x18a: {  	_ =	swait.ge [sflag:s20], $0x3200  }
0x18b: {  	[sflag:s20] =	ssyncset.done $0x0  }
0x18c: {  	[sflag:s20] =	ssyncadd.s32 $0xFFFFCE00  }
0x18d: {  	_ =	swait.ge [sflag:s20], $0x3200  }
0x18e: {  	[sflag:s20] =	ssyncset.done $0x0  }
0x18f: {  	[sflag:s20] =	ssyncadd.s32 $0xFFFFCE00  }
0x190: {  	_ =	swait.ge [sflag:s20], $0x3200  }
0x191: {  	[sflag:s20] =	ssyncset.done $0x0  }
0x192: {  	s23 =	simm.s32 $0x0;
	[sflag:s20] =	ssyncadd.s32 $0xFFFFCE00  }
0x193: {  	v0 =	vld [tilespmem:s23+$0x2F0]  }
0x194: {  	v1 =	vld [tilespmem:s23+$0x280]  }
0x195: {  	v2 =	vld [tilespmem:s23+$0x290]  }
0x196: {  	v6 =	vld [tilespmem:s23+$0x2D0]  }
0x197: {  	v3 =	vld [tilespmem:s23+$0x2A0]  }
0x198: {  	v4 =	vld [tilespmem:s23+$0x2B0];
	v0 =	vmul.u32 $0x30, v0  }
0x199: {  	v5 =	vld [tilespmem:s23+$0x2C0];
	v1 =	vmul.u32 $0x30, v1  }
0x19a: {  	v8 =	vld [tilespmem:s23+$0x2E0];
	v2 =	vmul.u32 $0x30, v2;
	v7 =	vor.u32 v15, v0  }
0x19b: {  	v6 =	vmul.u32 $0x30, v6;
	v9 =	vor.u32 v15, v1  }
0x19c: {  	s24 =	simm.s32 $0x80;
	v3 =	vmul.u32 $0x30, v3;
	v10 =	vor.u32 v15, v2  }
0x19d: {  	v61 =	vld [tilespmem:s24+$0x2F0];
	v4 =	vmul.u32 $0x30, v4;
	v14 =	vor.u32 v15, v6  }
0x19e: {  	v62 =	vld [tilespmem:s24+$0x2D0];
	v5 =	vmul.u32 $0x30, v5;
	v11 =	vor.u32 v15, v3  }
0x19f: {  	v8 =	vmul.u32 $0x30, v8;
	v12 =	vor.u32 v15, v4;
	v7 =	vld.idx.msk [tilespmem:v7+s11+$0x0], $0xffff  }
0x1a0: {  	v13 =	vor.u32 v15, v5;
	v9 =	vld.idx.msk [tilespmem:v9+s11+$0x0], $0xffff  }
0x1a1: {  	v18 =	vor.u32 v15, v8;
	v10 =	vld.idx.msk [tilespmem:v10+s11+$0x0], $0xffff  }
0x1a2: {  	v14 =	vld.idx.msk [tilespmem:v14+s11+$0x0], $0xffff  }
0x1a3: {  	v17 =	vadd.s32 v51, v0;
	v11 =	vld.idx.msk [tilespmem:v11+s11+$0x0], $0xffff  }
0x1a4: {  	v19 =	vadd.s32 v51, v1;
	v12 =	vld.idx.msk [tilespmem:v12+s11+$0x0], $0xffff  }
0x1a5: {  	v20 =	vadd.s32 v51, v2;
	v13 =	vld.idx.msk [tilespmem:v13+s11+$0x0], $0xffff  }
0x1a6: {  	v21 =	vadd.s32 v51, v3;
	v56 =	vld.idx.msk [tilespmem:v18+s11+$0x0], $0xffff;
	[tilespmem:s23+$0x66F0] =	vst v7  }
0x1a7: {  	v55 =	vadd.s32 v51, v4;
	[tilespmem:s23+$0x66D0] =	vst v14;
	v14 =	vld [tilespmem:s24+$0x290]  }
0x1a8: {  	v22 =	vadd.s32 v51, v5;
	[tilespmem:s23+$0x6680] =	vst v9;
	v17 =	vld.idx.msk [tilespmem:v17+s11+$0x0], $0xffff  }
0x1a9: {  	v18 =	vadd.s32 v51, v6;
	[tilespmem:s23+$0x6690] =	vst v10;
	v57 =	vld.idx.msk [tilespmem:v19+s11+$0x0], $0xffff  }
0x1aa: {  	[tilespmem:s23+$0x66A0] =	vst v11;
	v58 =	vld.idx.msk [tilespmem:v20+s11+$0x0], $0xffff  }
0x1ab: {  	[tilespmem:s23+$0x66B0] =	vst v12;
	v19 =	vadd.s32 v51, v8;
	v12 =	vld.idx.msk [tilespmem:v21+s11+$0x0], $0xffff  }
0x1ac: {  	[tilespmem:s23+$0x66C0] =	vst v13;
	v7 =	vld.idx.msk [tilespmem:v55+s11+$0x0], $0xffff  }
0x1ad: {  	v13 =	vld.idx.msk [tilespmem:v22+s11+$0x0], $0xffff  }
0x1ae: {  	v59 =	vld.idx.msk [tilespmem:v18+s11+$0x0], $0xffff  }
0x1af: {  	[tilespmem:s23+$0x66E0] =	vst v56;
	v18 =	vld [tilespmem:s24+$0x2B0]  }
0x1b0: {  	v0 =	vadd.s32 v52, v0;
	v60 =	vld.idx.msk [tilespmem:v19+s11+$0x0], $0xffff  }
0x1b1: {  	v1 =	vadd.s32 v52, v1;
	[tilespmem:s23+$0x98A0] =	vst v12;
	v12 =	vld [tilespmem:s24+$0x280]  }
0x1b2: {  	v2 =	vadd.s32 v52, v2;
	[tilespmem:s23+$0x98F0] =	vst v17;
	v17 =	vld [tilespmem:s24+$0x2A0]  }
0x1b3: {  	v3 =	vadd.s32 v52, v3;
	v19 =	vld [tilespmem:s24+$0x2C0]  }
0x1b4: {  	v4 =	vadd.s32 v52, v4;
	[tilespmem:s23+$0x98B0] =	vst v7;
	v7 =	vmul.u32 $0x30, v14;
	v14 =	vld [tilespmem:s24+$0x2E0]  }
0x1b5: {  	v5 =	vadd.s32 v52, v5;
	v11 =	vmul.u32 $0x30, v61;
	[tilespmem:s23+$0x9880] =	vst v57;
	v0 =	vld.idx.msk [tilespmem:v0+s11+$0x0], $0xffff  }
0x1b6: {  	v6 =	vadd.s32 v52, v6;
	[tilespmem:s23+$0x9890] =	vst v58;
	v1 =	vld.idx.msk [tilespmem:v1+s11+$0x0], $0xffff  }
0x1b7: {  	v63 =	vor.u32 v15, v11;
	v2 =	vld.idx.msk [tilespmem:v2+s11+$0x0], $0xffff  }
0x1b8: {  	v8 =	vadd.s32 v52, v8;
	v18 =	vmul.u32 $0x30, v18;
	v3 =	vld.idx.msk [tilespmem:v3+s11+$0x0], $0xffff  }
0x1b9: {  	[tilespmem:s23+$0x98C0] =	vst v13;
	v4 =	vld.idx.msk [tilespmem:v4+s11+$0x0], $0xffff;
	v57 =	vor.u32 v15, v7;
	v12 =	vmul.u32 $0x30, v12  }
0x1ba: {  	[tilespmem:s23+$0x98D0] =	vst v59;
	v53 =	vld.idx.msk [tilespmem:v5+s11+$0x0], $0xffff;
	v59 =	vor.u32 v15, v18;
	v17 =	vmul.u32 $0x30, v17  }
0x1bb: {  	v54 =	vld.idx.msk [tilespmem:v6+s11+$0x0], $0xffff;
	v10 =	vmul.u32 $0x30, v19;
	v13 =	vor.u32 v15, v12  }
0x1bc: {  	v61 =	vld.idx.msk [tilespmem:v63+s11+$0x0], $0xffff;
	[tilespmem:s23+$0x98E0] =	vst v60;
	v14 =	vmul.u32 $0x30, v14;
	v58 =	vor.u32 v15, v17  }
0x1bd: {  	v55 =	vld.idx.msk [tilespmem:v8+s11+$0x0], $0xffff;
	[tilespmem:s23+$0xCA80] =	vst v1;
	v60 =	vor.u32 v15, v10  }
0x1be: {  	v19 =	vmul.u32 $0x30, v62;
	[tilespmem:s23+$0xCA90] =	vst v2;
	v1 =	vld.idx.msk [tilespmem:v57+s11+$0x0], $0xffff;
	v2 =	vor.u32 v15, v14  }
0x1bf: {  	v63 =	vadd.s32 v51, v7;
	v6 =	vld.idx.msk [tilespmem:v59+s11+$0x0], $0xffff  }
0x1c0: {  	[tilespmem:s23+$0xCAF0] =	vst v0;
	v0 =	vld.idx.msk [tilespmem:v13+s11+$0x0], $0xffff;
	v13 =	vor.u32 v15, v19  }
0x1c1: {  	v62 =	vadd.s32 v51, v11;
	[tilespmem:s23+$0xCAA0] =	vst v3;
	v5 =	vld.idx.msk [tilespmem:v58+s11+$0x0], $0xffff  }
0x1c2: {  	[tilespmem:s23+$0xCAB0] =	vst v4;
	v3 =	vadd.s32 v51, v12;
	v8 =	vld.idx.msk [tilespmem:v60+s11+$0x0], $0xffff  }
0x1c3: {  	v57 =	vadd.s32 v51, v18;
	[tilespmem:s24+$0x6690] =	vst v1;
	v1 =	vld.idx.msk [tilespmem:v2+s11+$0x0], $0xffff  }
0x1c4: {  	[tilespmem:s24+$0x66F0] =	vst v61;
	v56 =	vadd.s32 v51, v17;
	v21 =	vld.idx.msk [tilespmem:v63+s11+$0x0], $0xffff  }
0x1c5: {  	v58 =	vadd.s32 v51, v10;
	[tilespmem:s24+$0x66B0] =	vst v6;
	v13 =	vld.idx.msk [tilespmem:v13+s11+$0x0], $0xffff  }
0x1c6: {  	v22 =	vadd.s32 v51, v14;
	[tilespmem:s24+$0x6680] =	vst v0;
	v0 =	vld.idx.msk [tilespmem:v62+s11+$0x0], $0xffff  }
0x1c7: {  	[tilespmem:s24+$0x66A0] =	vst v5;
	v2 =	vld.idx.msk [tilespmem:v3+s11+$0x0], $0xffff;
	v3 =	vadd.s32 v52, v11  }
0x1c8: {  	v59 =	vadd.s32 v51, v19;
	v23 =	vadd.s32 v52, v12;
	v12 =	vld.idx.msk [tilespmem:v57+s11+$0x0], $0xffff;
	[tilespmem:s24+$0x66C0] =	vst v8  }
0x1c9: {  	v7 =	vadd.s32 v52, v7;
	[tilespmem:s24+$0x66E0] =	vst v1;
	v4 =	vld.idx.msk [tilespmem:v56+s11+$0x0], $0xffff  }
0x1ca: {  	v61 =	vld.idx.msk [tilespmem:v58+s11+$0x0], $0xffff;
	[tilespmem:s24+$0x9890] =	vst v21  }
0x1cb: {  	v60 =	vadd.s32 v52, v17;
	[tilespmem:s24+$0x98F0] =	vst v0;
	v0 =	vld.idx.msk [tilespmem:v22+s11+$0x0], $0xffff  }
0x1cc: {  	[tilespmem:s24+$0x66D0] =	vst v13;
	v62 =	vld.idx.msk [tilespmem:v3+s11+$0x0], $0xffff  }
0x1cd: {  	[tilespmem:s24+$0x98B0] =	vst v12;
	v63 =	vld.idx.msk [tilespmem:v59+s11+$0x0], $0xffff  }
0x1ce: {  	v57 =	vadd.s32 v52, v19;
	v58 =	vadd.s32 v52, v10;
	[tilespmem:s24+$0x9880] =	vst v2;
	v2 =	vld.idx.msk [tilespmem:v7+s11+$0x0], $0xffff  }
0x1cf: {  	s25 =	simm.s32 $0x8;
	s26 =	simm.s32 $0x400;
	v56 =	vadd.s32 v52, v14;
	v59 =	vadd.s32 v52, v18;
	[tilespmem:s24+$0x98A0] =	vst v4;
	v1 =	vld.idx.msk [tilespmem:v23+s11+$0x0], $0xffff  }
.LBB2_6:
0x1d0: {  	s28 =	sshra.s32 s26, $0x2;
	s25 =	sadd.s32 $0x8, s25;
	v3 =	vld.idx.msk [tilespmem:v60+s11+$0x0], $0xffff;
	[tilespmem:s24+$0x98C0] =	vst v61  }
0x1d1: {  	v4 =	vld [tilespmem:s28+$0x2F0];
	p0 =	slt.u32 s25, $0x318;
	[tilespmem:s24+$0xCAF0] =	vst v62  }
0x1d2: {  	v5 =	vld [tilespmem:s28+$0x280];
	[tilespmem:s24+$0x98D0] =	vst v63  }
0x1d3: {  	v6 =	vld [tilespmem:s28+$0x290];
	[tilespmem:s24+$0x98E0] =	vst v0  }
0x1d4: {  	v0 =	vld [tilespmem:s28+$0x2A0];
	[tilespmem:s24+$0xCA80] =	vst v1  }
0x1d5: {  	v1 =	vld [tilespmem:s28+$0x2B0];
	[tilespmem:s24+$0xCA90] =	vst v2  }
0x1d6: {  	v2 =	vld [tilespmem:s28+$0x2C0];
	v4 =	vmul.u32 $0x30, v4;
	[tilespmem:s24+$0xCAA0] =	vst v3  }
0x1d7: {  	v3 =	vmul.u32 $0x30, v5;
	v5 =	vld [tilespmem:s28+$0x2D0];
	[tilespmem:s23+$0xCAC0] =	vst v53  }
0x1d8: {  	v6 =	vmul.u32 $0x30, v6;
	v7 =	vld [tilespmem:s28+$0x2E0];
	v8 =	vor.u32 v15, v4;
	[tilespmem:s23+$0xCAD0] =	vst v54  }
0x1d9: {  	v9 =	vor.u32 v15, v3;
	v10 =	vadd.s32 v51, v3;
	v0 =	vmul.u32 $0x30, v0;
	v11 =	vld.idx.msk [tilespmem:v59+s11+$0x0], $0xffff;
	[tilespmem:s23+$0xCAE0] =	vst v55;
	s23 =	smov.u32 s24;
	s24 =	smov.u32 s28  }
0x1da: {  	v12 =	vor.u32 v15, v6;
	v13 =	vadd.s32 v51, v6;
	v1 =	vmul.u32 $0x30, v1;
	v53 =	vld.idx.msk [tilespmem:v58+s11+$0x0], $0xffff  }
0x1db: {  	v14 =	vor.u32 v15, v0;
	v17 =	vadd.s32 v51, v0;
	v2 =	vmul.u32 $0x30, v2;
	v54 =	vld.idx.msk [tilespmem:v57+s11+$0x0], $0xffff  }
0x1dc: {  	v18 =	vor.u32 v15, v1;
	v19 =	vadd.s32 v51, v1;
	v5 =	vmul.u32 $0x30, v5;
	v55 =	vld.idx.msk [tilespmem:v56+s11+$0x0], $0xffff  }
0x1dd: {  	v20 =	vor.u32 v15, v2;
	v21 =	vadd.s32 v51, v2;
	v7 =	vmul.u32 $0x30, v7;
	v8 =	vld.idx.msk [tilespmem:v8+s11+$0x0], $0xffff  }
0x1de: {  	v3 =	vadd.s32 v52, v3;
	v9 =	vld.idx.msk [tilespmem:v9+s11+$0x0], $0xffff;
	v22 =	vor.u32 v15, v5;
	v23 =	vadd.s32 v51, v5  }
0x1df: {  	v62 =	vadd.s32 v51, v4;
	v12 =	vld.idx.msk [tilespmem:v12+s11+$0x0], $0xffff;
	v61 =	vor.u32 v15, v7;
	v24 =	vadd.s32 v51, v7  }
0x1e0: {  	v6 =	vadd.s32 v52, v6;
	v60 =	vadd.s32 v52, v0;
	v59 =	vadd.s32 v52, v1;
	v14 =	vld.idx.msk [tilespmem:v14+s11+$0x0], $0xffff  }
0x1e1: {  	v58 =	vadd.s32 v52, v2;
	v57 =	vadd.s32 v52, v5;
	v56 =	vadd.s32 v52, v7;
	v0 =	vld.idx.msk [tilespmem:v18+s11+$0x0], $0xffff  }
0x1e2: {  	v1 =	vld.idx.msk [tilespmem:v20+s11+$0x0], $0xffff;
	[tilespmem:s23+$0xCAB0] =	vst v11  }
0x1e3: {  	v2 =	vld.idx.msk [tilespmem:v22+s11+$0x0], $0xffff;
	[tilespmem:s24+$0x66F0] =	vst v8  }
0x1e4: {  	[tilespmem:s24+$0x6680] =	vst v9;
	v5 =	vld.idx.msk [tilespmem:v62+s11+$0x0], $0xffff  }
0x1e5: {  	[tilespmem:s24+$0x6690] =	vst v12;
	v7 =	vld.idx.msk [tilespmem:v61+s11+$0x0], $0xffff  }
0x1e6: {  	v4 =	vadd.s32 v52, v4;
	v8 =	vld.idx.msk [tilespmem:v10+s11+$0x0], $0xffff;
	[tilespmem:s24+$0x66A0] =	vst v14  }
0x1e7: {  	v9 =	vld.idx.msk [tilespmem:v13+s11+$0x0], $0xffff;
	[tilespmem:s24+$0x66B0] =	vst v0  }
0x1e8: {  	v10 =	vld.idx.msk [tilespmem:v17+s11+$0x0], $0xffff;
	[tilespmem:s24+$0x66C0] =	vst v1  }
0x1e9: {  	v11 =	vld.idx.msk [tilespmem:v19+s11+$0x0], $0xffff;
	[tilespmem:s24+$0x66D0] =	vst v2  }
0x1ea: {  	v61 =	vld.idx.msk [tilespmem:v21+s11+$0x0], $0xffff;
	[tilespmem:s24+$0x98F0] =	vst v5  }
.Ltmp2:
0x1eb: {  	[tilespmem:s24+$0x66E0] =	vst v7;
	v62 =	vld.idx.msk [tilespmem:v4+s11+$0x0], $0xffff;
	(pc) =	sbr.rel @p0 .LBB2_6-.Ltmp2, $4  }
0x1ec: {  	[tilespmem:s24+$0x9880] =	vst v8;
	v63 =	vld.idx.msk [tilespmem:v23+s11+$0x0], $0xffff  }
0x1ed: {  	[tilespmem:s24+$0x9890] =	vst v9;
	v0 =	vld.idx.msk [tilespmem:v24+s11+$0x0], $0xffff  }
0x1ee: {  	v1 =	vld.idx.msk [tilespmem:v3+s11+$0x0], $0xffff;
	[tilespmem:s24+$0x98A0] =	vst v10  }
0x1ef: {  	s26 =	sadd.s32 $0x200, s26;
	v2 =	vld.idx.msk [tilespmem:v6+s11+$0x0], $0xffff;
	[tilespmem:s24+$0x98B0] =	vst v11  }
0x1f0: {  	_ = 	snop  }
0x1f1: {  	[tilespmem:s24+$0x98C0] =	vst v61  }
0x1f2: {  	[tilespmem:s24+$0xCAF0] =	vst v62  }
0x1f3: {  	[tilespmem:s23+$0xCAC0] =	vst v53  }
0x1f4: {  	v3 =	vld.idx.msk [tilespmem:v60+s11+$0x0], $0xffff;
	[tilespmem:s23+$0xCAD0] =	vst v54  }
0x1f5: {  	[tilespmem:s24+$0x98D0] =	vst v63  }
0x1f6: {  	[tilespmem:s24+$0x98E0] =	vst v0;
	v0 =	vld.idx.msk [tilespmem:v59+s11+$0x0], $0xffff  }
0x1f7: {  	[tilespmem:s24+$0xCA80] =	vst v1;
	v1 =	vld.idx.msk [tilespmem:v58+s11+$0x0], $0xffff  }
0x1f8: {  	[tilespmem:s24+$0xCA90] =	vst v2;
	v2 =	vld.idx.msk [tilespmem:v57+s11+$0x0], $0xffff  }
0x1f9: {  	[tilespmem:s24+$0xCAA0] =	vst v3;
	v3 =	vld.idx.msk [tilespmem:v56+s11+$0x0], $0xffff  }
0x1fa: {  	[tilespmem:s23+$0xCAE0] =	vst v55  }
0x1fb: {  	[tilespmem:s24+$0xCAB0] =	vst v0  }
0x1fc: {  	[tilespmem:s24+$0xCAC0] =	vst v1  }
0x1fd: {  	[tilespmem:s24+$0xCAD0] =	vst v2  }
0x1fe: {  	[tilespmem:s24+$0xCAE0] =	vst v3  }
0x1ff: {  	s23 =	simm.s32 $0x0;
	s24 =	rddreg [dreg:$0xe]  }
0x200: {  	[hbm4b:s24+s23] =	stream.linear.scatter [tilespmem:s13], [sflag:$0x3], $0x3200, $0x38;
	[tilespmem:$0x19280] =	vst v63  }
0x201: {  	s25 =	rddreg [dreg:$0x18]  }
0x202: {  	[hbm4b:s25+s23] =	stream.linear.scatter [tilespmem:s14], [sflag:$0x3], $0x3200, $0x38;
	[tilespmem:$0x19280] =	vst v63  }
0x203: {  	s26 =	rddreg [dreg:$0x1a]  }
0x204: {  	[hbm4b:s26+s23] =	stream.linear.scatter [tilespmem:s15], [sflag:$0x3], $0x3200, $0x38;
	[tilespmem:$0x19280] =	vst v63  }
0x205: {  	s28 =	rddreg [dreg:$0xf]  }
0x206: {  	[tilespmem:s8], [sflag:$0x1] =	stream.linear.gather [hbm4b:s28+s23], $0x3200, $0x38;
	[tilespmem:$0x19280] =	vst v63  }
0x207: {  	_ =	swait.ge [sflag:s16], $0x3200  }
0x208: {  	[sflag:s16] =	ssyncset.done $0x0  }
0x209: {  	[sflag:s16] =	ssyncadd.s32 $0xFFFFCE00  }
0x20a: {  	_ =	swait.ge [sflag:s21], $0x3200  }
0x20b: {  	[sflag:s21] =	ssyncset.done $0x0  }
0x20c: {  	[sflag:s21] =	ssyncadd.s32 $0xFFFFCE00  }
0x20d: {  	_ =	swait.ge [sflag:s21], $0x3200  }
0x20e: {  	[sflag:s21] =	ssyncset.done $0x0  }
0x20f: {  	[sflag:s21] =	ssyncadd.s32 $0xFFFFCE00  }
0x210: {  	_ =	swait.ge [sflag:s21], $0x3200  }
0x211: {  	[sflag:s21] =	ssyncset.done $0x0  }
0x212: {  	s23 =	simm.s32 $0x0;
	[sflag:s21] =	ssyncadd.s32 $0xFFFFCE00  }
0x213: {  	v0 =	vld [tilespmem:s23+$0x34F0]  }
0x214: {  	v1 =	vld [tilespmem:s23+$0x3480]  }
0x215: {  	v2 =	vld [tilespmem:s23+$0x3490]  }
0x216: {  	v6 =	vld [tilespmem:s23+$0x34D0]  }
0x217: {  	v3 =	vld [tilespmem:s23+$0x34A0]  }
0x218: {  	v4 =	vld [tilespmem:s23+$0x34B0];
	v0 =	vmul.u32 $0x30, v0  }
0x219: {  	v5 =	vld [tilespmem:s23+$0x34C0];
	v1 =	vmul.u32 $0x30, v1  }
0x21a: {  	v8 =	vld [tilespmem:s23+$0x34E0];
	v2 =	vmul.u32 $0x30, v2;
	v7 =	vor.u32 v15, v0  }
0x21b: {  	v6 =	vmul.u32 $0x30, v6;
	v9 =	vor.u32 v15, v1  }
0x21c: {  	s24 =	simm.s32 $0x80;
	v3 =	vmul.u32 $0x30, v3;
	v10 =	vor.u32 v15, v2  }
0x21d: {  	v61 =	vld [tilespmem:s24+$0x34F0];
	v4 =	vmul.u32 $0x30, v4;
	v14 =	vor.u32 v15, v6  }
0x21e: {  	v62 =	vld [tilespmem:s24+$0x34D0];
	v5 =	vmul.u32 $0x30, v5;
	v11 =	vor.u32 v15, v3  }
0x21f: {  	v8 =	vmul.u32 $0x30, v8;
	v12 =	vor.u32 v15, v4;
	v7 =	vld.idx.msk [tilespmem:v7+s11+$0x0], $0xffff  }
0x220: {  	v13 =	vor.u32 v15, v5;
	v9 =	vld.idx.msk [tilespmem:v9+s11+$0x0], $0xffff  }
0x221: {  	v18 =	vor.u32 v15, v8;
	v10 =	vld.idx.msk [tilespmem:v10+s11+$0x0], $0xffff  }
0x222: {  	v14 =	vld.idx.msk [tilespmem:v14+s11+$0x0], $0xffff  }
0x223: {  	v17 =	vadd.s32 v51, v0;
	v11 =	vld.idx.msk [tilespmem:v11+s11+$0x0], $0xffff  }
0x224: {  	v19 =	vadd.s32 v51, v1;
	v12 =	vld.idx.msk [tilespmem:v12+s11+$0x0], $0xffff  }
0x225: {  	v20 =	vadd.s32 v51, v2;
	v13 =	vld.idx.msk [tilespmem:v13+s11+$0x0], $0xffff  }
0x226: {  	v21 =	vadd.s32 v51, v3;
	v56 =	vld.idx.msk [tilespmem:v18+s11+$0x0], $0xffff;
	[tilespmem:s23+$0xFCF0] =	vst v7  }
0x227: {  	v55 =	vadd.s32 v51, v4;
	[tilespmem:s23+$0xFCD0] =	vst v14;
	v14 =	vld [tilespmem:s24+$0x3490]  }
0x228: {  	v22 =	vadd.s32 v51, v5;
	[tilespmem:s23+$0xFC80] =	vst v9;
	v17 =	vld.idx.msk [tilespmem:v17+s11+$0x0], $0xffff  }
0x229: {  	v18 =	vadd.s32 v51, v6;
	[tilespmem:s23+$0xFC90] =	vst v10;
	v57 =	vld.idx.msk [tilespmem:v19+s11+$0x0], $0xffff  }
0x22a: {  	[tilespmem:s23+$0xFCA0] =	vst v11;
	v58 =	vld.idx.msk [tilespmem:v20+s11+$0x0], $0xffff  }
0x22b: {  	[tilespmem:s23+$0xFCB0] =	vst v12;
	v19 =	vadd.s32 v51, v8;
	v12 =	vld.idx.msk [tilespmem:v21+s11+$0x0], $0xffff  }
0x22c: {  	[tilespmem:s23+$0xFCC0] =	vst v13;
	v7 =	vld.idx.msk [tilespmem:v55+s11+$0x0], $0xffff  }
0x22d: {  	v13 =	vld.idx.msk [tilespmem:v22+s11+$0x0], $0xffff  }
0x22e: {  	v59 =	vld.idx.msk [tilespmem:v18+s11+$0x0], $0xffff  }
0x22f: {  	[tilespmem:s23+$0xFCE0] =	vst v56;
	v18 =	vld [tilespmem:s24+$0x34B0]  }
0x230: {  	v0 =	vadd.s32 v52, v0;
	v60 =	vld.idx.msk [tilespmem:v19+s11+$0x0], $0xffff  }
0x231: {  	v1 =	vadd.s32 v52, v1;
	[tilespmem:s23+$0x12EA0] =	vst v12;
	v12 =	vld [tilespmem:s24+$0x3480]  }
0x232: {  	v2 =	vadd.s32 v52, v2;
	[tilespmem:s23+$0x12EF0] =	vst v17;
	v17 =	vld [tilespmem:s24+$0x34A0]  }
0x233: {  	v3 =	vadd.s32 v52, v3;
	v19 =	vld [tilespmem:s24+$0x34C0]  }
0x234: {  	v4 =	vadd.s32 v52, v4;
	[tilespmem:s23+$0x12EB0] =	vst v7;
	v7 =	vmul.u32 $0x30, v14;
	v14 =	vld [tilespmem:s24+$0x34E0]  }
0x235: {  	v5 =	vadd.s32 v52, v5;
	v11 =	vmul.u32 $0x30, v61;
	[tilespmem:s23+$0x12E80] =	vst v57;
	v0 =	vld.idx.msk [tilespmem:v0+s11+$0x0], $0xffff  }
0x236: {  	v6 =	vadd.s32 v52, v6;
	[tilespmem:s23+$0x12E90] =	vst v58;
	v1 =	vld.idx.msk [tilespmem:v1+s11+$0x0], $0xffff  }
0x237: {  	v63 =	vor.u32 v15, v11;
	v2 =	vld.idx.msk [tilespmem:v2+s11+$0x0], $0xffff  }
0x238: {  	v8 =	vadd.s32 v52, v8;
	v18 =	vmul.u32 $0x30, v18;
	v3 =	vld.idx.msk [tilespmem:v3+s11+$0x0], $0xffff  }
0x239: {  	[tilespmem:s23+$0x12EC0] =	vst v13;
	v4 =	vld.idx.msk [tilespmem:v4+s11+$0x0], $0xffff;
	v57 =	vor.u32 v15, v7;
	v12 =	vmul.u32 $0x30, v12  }
0x23a: {  	[tilespmem:s23+$0x12ED0] =	vst v59;
	v53 =	vld.idx.msk [tilespmem:v5+s11+$0x0], $0xffff;
	v59 =	vor.u32 v15, v18;
	v17 =	vmul.u32 $0x30, v17  }
0x23b: {  	v54 =	vld.idx.msk [tilespmem:v6+s11+$0x0], $0xffff;
	v10 =	vmul.u32 $0x30, v19;
	v13 =	vor.u32 v15, v12  }
0x23c: {  	v61 =	vld.idx.msk [tilespmem:v63+s11+$0x0], $0xffff;
	[tilespmem:s23+$0x12EE0] =	vst v60;
	v14 =	vmul.u32 $0x30, v14;
	v58 =	vor.u32 v15, v17  }
0x23d: {  	v55 =	vld.idx.msk [tilespmem:v8+s11+$0x0], $0xffff;
	[tilespmem:s23+$0x16080] =	vst v1;
	v60 =	vor.u32 v15, v10  }
0x23e: {  	v19 =	vmul.u32 $0x30, v62;
	[tilespmem:s23+$0x16090] =	vst v2;
	v1 =	vld.idx.msk [tilespmem:v57+s11+$0x0], $0xffff;
	v2 =	vor.u32 v15, v14  }
0x23f: {  	v63 =	vadd.s32 v51, v7;
	v6 =	vld.idx.msk [tilespmem:v59+s11+$0x0], $0xffff  }
0x240: {  	[tilespmem:s23+$0x160F0] =	vst v0;
	v0 =	vld.idx.msk [tilespmem:v13+s11+$0x0], $0xffff;
	v13 =	vor.u32 v15, v19  }
0x241: {  	v62 =	vadd.s32 v51, v11;
	[tilespmem:s23+$0x160A0] =	vst v3;
	v5 =	vld.idx.msk [tilespmem:v58+s11+$0x0], $0xffff  }
0x242: {  	[tilespmem:s23+$0x160B0] =	vst v4;
	v3 =	vadd.s32 v51, v12;
	v8 =	vld.idx.msk [tilespmem:v60+s11+$0x0], $0xffff  }
0x243: {  	v57 =	vadd.s32 v51, v18;
	[tilespmem:s24+$0xFC90] =	vst v1;
	v1 =	vld.idx.msk [tilespmem:v2+s11+$0x0], $0xffff  }
0x244: {  	[tilespmem:s24+$0xFCF0] =	vst v61;
	v56 =	vadd.s32 v51, v17;
	v21 =	vld.idx.msk [tilespmem:v63+s11+$0x0], $0xffff  }
0x245: {  	v58 =	vadd.s32 v51, v10;
	[tilespmem:s24+$0xFCB0] =	vst v6;
	v13 =	vld.idx.msk [tilespmem:v13+s11+$0x0], $0xffff  }
0x246: {  	v22 =	vadd.s32 v51, v14;
	[tilespmem:s24+$0xFC80] =	vst v0;
	v0 =	vld.idx.msk [tilespmem:v62+s11+$0x0], $0xffff  }
0x247: {  	[tilespmem:s24+$0xFCA0] =	vst v5;
	v2 =	vld.idx.msk [tilespmem:v3+s11+$0x0], $0xffff;
	v3 =	vadd.s32 v52, v11  }
0x248: {  	v59 =	vadd.s32 v51, v19;
	v23 =	vadd.s32 v52, v12;
	v12 =	vld.idx.msk [tilespmem:v57+s11+$0x0], $0xffff;
	[tilespmem:s24+$0xFCC0] =	vst v8  }
0x249: {  	v7 =	vadd.s32 v52, v7;
	[tilespmem:s24+$0xFCE0] =	vst v1;
	v4 =	vld.idx.msk [tilespmem:v56+s11+$0x0], $0xffff  }
0x24a: {  	v61 =	vld.idx.msk [tilespmem:v58+s11+$0x0], $0xffff;
	[tilespmem:s24+$0x12E90] =	vst v21  }
0x24b: {  	v60 =	vadd.s32 v52, v17;
	[tilespmem:s24+$0x12EF0] =	vst v0;
	v0 =	vld.idx.msk [tilespmem:v22+s11+$0x0], $0xffff  }
0x24c: {  	[tilespmem:s24+$0xFCD0] =	vst v13;
	v62 =	vld.idx.msk [tilespmem:v3+s11+$0x0], $0xffff  }
0x24d: {  	[tilespmem:s24+$0x12EB0] =	vst v12;
	v63 =	vld.idx.msk [tilespmem:v59+s11+$0x0], $0xffff  }
0x24e: {  	v57 =	vadd.s32 v52, v19;
	v58 =	vadd.s32 v52, v10;
	[tilespmem:s24+$0x12E80] =	vst v2;
	v2 =	vld.idx.msk [tilespmem:v7+s11+$0x0], $0xffff  }
0x24f: {  	s25 =	simm.s32 $0x8;
	s26 =	simm.s32 $0x400;
	v56 =	vadd.s32 v52, v14;
	v59 =	vadd.s32 v52, v18;
	[tilespmem:s24+$0x12EA0] =	vst v4;
	v1 =	vld.idx.msk [tilespmem:v23+s11+$0x0], $0xffff  }
.LBB2_8:
0x250: {  	s28 =	sshra.s32 s26, $0x2;
	s25 =	sadd.s32 $0x8, s25;
	v3 =	vld.idx.msk [tilespmem:v60+s11+$0x0], $0xffff;
	[tilespmem:s24+$0x12EC0] =	vst v61  }
0x251: {  	v4 =	vld [tilespmem:s28+$0x34F0];
	p0 =	slt.u32 s25, $0x318;
	[tilespmem:s24+$0x160F0] =	vst v62  }
0x252: {  	v5 =	vld [tilespmem:s28+$0x3480];
	[tilespmem:s24+$0x12ED0] =	vst v63  }
0x253: {  	v6 =	vld [tilespmem:s28+$0x3490];
	[tilespmem:s24+$0x12EE0] =	vst v0  }
0x254: {  	v0 =	vld [tilespmem:s28+$0x34A0];
	[tilespmem:s24+$0x16080] =	vst v1  }
0x255: {  	v1 =	vld [tilespmem:s28+$0x34B0];
	[tilespmem:s24+$0x16090] =	vst v2  }
0x256: {  	v2 =	vld [tilespmem:s28+$0x34C0];
	v4 =	vmul.u32 $0x30, v4;
	[tilespmem:s24+$0x160A0] =	vst v3  }
0x257: {  	v3 =	vmul.u32 $0x30, v5;
	v5 =	vld [tilespmem:s28+$0x34D0];
	[tilespmem:s23+$0x160C0] =	vst v53  }
0x258: {  	v6 =	vmul.u32 $0x30, v6;
	v7 =	vld [tilespmem:s28+$0x34E0];
	v8 =	vor.u32 v15, v4;
	[tilespmem:s23+$0x160D0] =	vst v54  }
0x259: {  	v9 =	vor.u32 v15, v3;
	v10 =	vadd.s32 v51, v3;
	v0 =	vmul.u32 $0x30, v0;
	v11 =	vld.idx.msk [tilespmem:v59+s11+$0x0], $0xffff;
	[tilespmem:s23+$0x160E0] =	vst v55;
	s23 =	smov.u32 s24;
	s24 =	smov.u32 s28  }
0x25a: {  	v12 =	vor.u32 v15, v6;
	v13 =	vadd.s32 v51, v6;
	v1 =	vmul.u32 $0x30, v1;
	v53 =	vld.idx.msk [tilespmem:v58+s11+$0x0], $0xffff  }
0x25b: {  	v14 =	vor.u32 v15, v0;
	v17 =	vadd.s32 v51, v0;
	v2 =	vmul.u32 $0x30, v2;
	v54 =	vld.idx.msk [tilespmem:v57+s11+$0x0], $0xffff  }
0x25c: {  	v18 =	vor.u32 v15, v1;
	v19 =	vadd.s32 v51, v1;
	v5 =	vmul.u32 $0x30, v5;
	v55 =	vld.idx.msk [tilespmem:v56+s11+$0x0], $0xffff  }
0x25d: {  	v20 =	vor.u32 v15, v2;
	v21 =	vadd.s32 v51, v2;
	v7 =	vmul.u32 $0x30, v7;
	v8 =	vld.idx.msk [tilespmem:v8+s11+$0x0], $0xffff  }
0x25e: {  	v3 =	vadd.s32 v52, v3;
	v9 =	vld.idx.msk [tilespmem:v9+s11+$0x0], $0xffff;
	v22 =	vor.u32 v15, v5;
	v23 =	vadd.s32 v51, v5  }
0x25f: {  	v61 =	vadd.s32 v51, v4;
	v12 =	vld.idx.msk [tilespmem:v12+s11+$0x0], $0xffff;
	v24 =	vor.u32 v15, v7;
	v25 =	vadd.s32 v51, v7  }
0x260: {  	v6 =	vadd.s32 v52, v6;
	v60 =	vadd.s32 v52, v0;
	v59 =	vadd.s32 v52, v1;
	v14 =	vld.idx.msk [tilespmem:v14+s11+$0x0], $0xffff  }
0x261: {  	v58 =	vadd.s32 v52, v2;
	v57 =	vadd.s32 v52, v5;
	v56 =	vadd.s32 v52, v7;
	v0 =	vld.idx.msk [tilespmem:v18+s11+$0x0], $0xffff  }
0x262: {  	v1 =	vld.idx.msk [tilespmem:v20+s11+$0x0], $0xffff;
	[tilespmem:s23+$0x160B0] =	vst v11  }
0x263: {  	v2 =	vld.idx.msk [tilespmem:v22+s11+$0x0], $0xffff;
	[tilespmem:s24+$0xFCF0] =	vst v8  }
0x264: {  	[tilespmem:s24+$0xFC80] =	vst v9;
	v5 =	vld.idx.msk [tilespmem:v61+s11+$0x0], $0xffff  }
0x265: {  	[tilespmem:s24+$0xFC90] =	vst v12;
	v7 =	vld.idx.msk [tilespmem:v24+s11+$0x0], $0xffff  }
0x266: {  	v4 =	vadd.s32 v52, v4;
	v8 =	vld.idx.msk [tilespmem:v10+s11+$0x0], $0xffff;
	[tilespmem:s24+$0xFCA0] =	vst v14  }
0x267: {  	v9 =	vld.idx.msk [tilespmem:v13+s11+$0x0], $0xffff;
	[tilespmem:s24+$0xFCB0] =	vst v0  }
0x268: {  	v10 =	vld.idx.msk [tilespmem:v17+s11+$0x0], $0xffff;
	[tilespmem:s24+$0xFCC0] =	vst v1  }
0x269: {  	v11 =	vld.idx.msk [tilespmem:v19+s11+$0x0], $0xffff;
	[tilespmem:s24+$0xFCD0] =	vst v2  }
0x26a: {  	v61 =	vld.idx.msk [tilespmem:v21+s11+$0x0], $0xffff;
	[tilespmem:s24+$0x12EF0] =	vst v5  }
.Ltmp3:
0x26b: {  	[tilespmem:s24+$0xFCE0] =	vst v7;
	v62 =	vld.idx.msk [tilespmem:v4+s11+$0x0], $0xffff;
	(pc) =	sbr.rel @p0 .LBB2_8-.Ltmp3, $4  }
0x26c: {  	[tilespmem:s24+$0x12E80] =	vst v8;
	v63 =	vld.idx.msk [tilespmem:v23+s11+$0x0], $0xffff  }
0x26d: {  	[tilespmem:s24+$0x12E90] =	vst v9;
	v0 =	vld.idx.msk [tilespmem:v25+s11+$0x0], $0xffff  }
0x26e: {  	v1 =	vld.idx.msk [tilespmem:v3+s11+$0x0], $0xffff;
	[tilespmem:s24+$0x12EA0] =	vst v10  }
0x26f: {  	s26 =	sadd.s32 $0x200, s26;
	v2 =	vld.idx.msk [tilespmem:v6+s11+$0x0], $0xffff;
	[tilespmem:s24+$0x12EB0] =	vst v11  }
0x270: {  	_ = 	snop  }
0x271: {  	[tilespmem:s24+$0x12EC0] =	vst v61  }
0x272: {  	[tilespmem:s24+$0x160F0] =	vst v62  }
0x273: {  	[tilespmem:s23+$0x160C0] =	vst v53  }
0x274: {  	v3 =	vld.idx.msk [tilespmem:v60+s11+$0x0], $0xffff;
	[tilespmem:s23+$0x160D0] =	vst v54  }
0x275: {  	[tilespmem:s24+$0x12ED0] =	vst v63  }
0x276: {  	[tilespmem:s24+$0x12EE0] =	vst v0;
	v0 =	vld.idx.msk [tilespmem:v59+s11+$0x0], $0xffff  }
0x277: {  	[tilespmem:s24+$0x16080] =	vst v1;
	v1 =	vld.idx.msk [tilespmem:v58+s11+$0x0], $0xffff  }
0x278: {  	[tilespmem:s24+$0x16090] =	vst v2;
	v2 =	vld.idx.msk [tilespmem:v57+s11+$0x0], $0xffff  }
0x279: {  	[tilespmem:s24+$0x160A0] =	vst v3;
	v3 =	vld.idx.msk [tilespmem:v56+s11+$0x0], $0xffff  }
0x27a: {  	[tilespmem:s23+$0x160E0] =	vst v55  }
0x27b: {  	[tilespmem:s24+$0x160B0] =	vst v0  }
0x27c: {  	[tilespmem:s24+$0x160C0] =	vst v1  }
0x27d: {  	[tilespmem:s24+$0x160D0] =	vst v2  }
0x27e: {  	[tilespmem:s24+$0x160E0] =	vst v3  }
0x27f: {  	s25 =	simm.s32 $0x0;
	s24 =	rddreg [dreg:$0x10]  }
0x280: {  	[hbm4b:s24+s25] =	stream.linear.scatter [tilespmem:s17], [sflag:$0x4], $0x3200, $0x38;
	[tilespmem:$0x19280] =	vst v63  }
0x281: {  	s26 =	rddreg [dreg:$0x1b]  }
0x282: {  	[hbm4b:s26+s25] =	stream.linear.scatter [tilespmem:s18], [sflag:$0x4], $0x3200, $0x38;
	[tilespmem:$0x19280] =	vst v63  }
0x283: {  	_ = 	snop  }
0x284: {  	[hbm4b:s29+s25] =	stream.linear.scatter [tilespmem:s19], [sflag:$0x4], $0x3200, $0x38;
	[tilespmem:$0x19280] =	vst v63  }
0x285: {  	s28 =	rddreg [dreg:$0x11]  }
0x286: {  	[tilespmem:s9], [sflag:$0x2] =	stream.linear.gather [hbm4b:s28+s25], $0x3200, $0x38;
	[tilespmem:$0x19280] =	vst v63  }
0x287: {  	_ =	swait.ge [sflag:s12], $0x3200  }
0x288: {  	[sflag:s12] =	ssyncset.done $0x0  }
0x289: {  	[sflag:s12] =	ssyncadd.s32 $0xFFFFCE00  }
0x28a: {  	_ =	swait.ge [sflag:s20], $0x3200  }
0x28b: {  	[sflag:s20] =	ssyncset.done $0x0  }
0x28c: {  	[sflag:s20] =	ssyncadd.s32 $0xFFFFCE00  }
0x28d: {  	_ =	swait.ge [sflag:s20], $0x3200  }
0x28e: {  	[sflag:s20] =	ssyncset.done $0x0  }
0x28f: {  	[sflag:s20] =	ssyncadd.s32 $0xFFFFCE00  }
0x290: {  	_ =	swait.ge [sflag:s20], $0x3200  }
0x291: {  	[sflag:s20] =	ssyncset.done $0x0  }
0x292: {  	s23 =	simm.s32 $0x0;
	[sflag:s20] =	ssyncadd.s32 $0xFFFFCE00  }
0x293: {  	v0 =	vld [tilespmem:s23+$0x2F0]  }
0x294: {  	v1 =	vld [tilespmem:s23+$0x280]  }
0x295: {  	v2 =	vld [tilespmem:s23+$0x290]  }
0x296: {  	v6 =	vld [tilespmem:s23+$0x2D0]  }
0x297: {  	v3 =	vld [tilespmem:s23+$0x2A0]  }
0x298: {  	v4 =	vld [tilespmem:s23+$0x2B0];
	v0 =	vmul.u32 $0x30, v0  }
0x299: {  	v5 =	vld [tilespmem:s23+$0x2C0];
	v1 =	vmul.u32 $0x30, v1  }
0x29a: {  	v8 =	vld [tilespmem:s23+$0x2E0];
	v2 =	vmul.u32 $0x30, v2;
	v7 =	vor.u32 v15, v0  }
0x29b: {  	v6 =	vmul.u32 $0x30, v6;
	v9 =	vor.u32 v15, v1  }
0x29c: {  	s24 =	simm.s32 $0x80;
	v3 =	vmul.u32 $0x30, v3;
	v10 =	vor.u32 v15, v2  }
0x29d: {  	v61 =	vld [tilespmem:s24+$0x2F0];
	v4 =	vmul.u32 $0x30, v4;
	v14 =	vor.u32 v15, v6  }
0x29e: {  	v62 =	vld [tilespmem:s24+$0x2D0];
	v5 =	vmul.u32 $0x30, v5;
	v11 =	vor.u32 v15, v3  }
0x29f: {  	v8 =	vmul.u32 $0x30, v8;
	v12 =	vor.u32 v15, v4;
	v7 =	vld.idx.msk [tilespmem:v7+s11+$0x0], $0xffff  }
0x2a0: {  	v13 =	vor.u32 v15, v5;
	v9 =	vld.idx.msk [tilespmem:v9+s11+$0x0], $0xffff  }
0x2a1: {  	v18 =	vor.u32 v15, v8;
	v10 =	vld.idx.msk [tilespmem:v10+s11+$0x0], $0xffff  }
0x2a2: {  	v14 =	vld.idx.msk [tilespmem:v14+s11+$0x0], $0xffff  }
0x2a3: {  	v17 =	vadd.s32 v51, v0;
	v11 =	vld.idx.msk [tilespmem:v11+s11+$0x0], $0xffff  }
0x2a4: {  	v19 =	vadd.s32 v51, v1;
	v12 =	vld.idx.msk [tilespmem:v12+s11+$0x0], $0xffff  }
0x2a5: {  	v20 =	vadd.s32 v51, v2;
	v13 =	vld.idx.msk [tilespmem:v13+s11+$0x0], $0xffff  }
0x2a6: {  	v21 =	vadd.s32 v51, v3;
	v56 =	vld.idx.msk [tilespmem:v18+s11+$0x0], $0xffff;
	[tilespmem:s23+$0x66F0] =	vst v7  }
0x2a7: {  	v55 =	vadd.s32 v51, v4;
	[tilespmem:s23+$0x66D0] =	vst v14;
	v14 =	vld [tilespmem:s24+$0x290]  }
0x2a8: {  	v22 =	vadd.s32 v51, v5;
	[tilespmem:s23+$0x6680] =	vst v9;
	v17 =	vld.idx.msk [tilespmem:v17+s11+$0x0], $0xffff  }
0x2a9: {  	v18 =	vadd.s32 v51, v6;
	[tilespmem:s23+$0x6690] =	vst v10;
	v57 =	vld.idx.msk [tilespmem:v19+s11+$0x0], $0xffff  }
0x2aa: {  	[tilespmem:s23+$0x66A0] =	vst v11;
	v58 =	vld.idx.msk [tilespmem:v20+s11+$0x0], $0xffff  }
0x2ab: {  	[tilespmem:s23+$0x66B0] =	vst v12;
	v19 =	vadd.s32 v51, v8;
	v12 =	vld.idx.msk [tilespmem:v21+s11+$0x0], $0xffff  }
0x2ac: {  	[tilespmem:s23+$0x66C0] =	vst v13;
	v7 =	vld.idx.msk [tilespmem:v55+s11+$0x0], $0xffff  }
0x2ad: {  	v13 =	vld.idx.msk [tilespmem:v22+s11+$0x0], $0xffff  }
0x2ae: {  	v59 =	vld.idx.msk [tilespmem:v18+s11+$0x0], $0xffff  }
0x2af: {  	[tilespmem:s23+$0x66E0] =	vst v56;
	v18 =	vld [tilespmem:s24+$0x2B0]  }
0x2b0: {  	v0 =	vadd.s32 v52, v0;
	v60 =	vld.idx.msk [tilespmem:v19+s11+$0x0], $0xffff  }
0x2b1: {  	v1 =	vadd.s32 v52, v1;
	[tilespmem:s23+$0x98A0] =	vst v12;
	v12 =	vld [tilespmem:s24+$0x280]  }
0x2b2: {  	v2 =	vadd.s32 v52, v2;
	[tilespmem:s23+$0x98F0] =	vst v17;
	v17 =	vld [tilespmem:s24+$0x2A0]  }
0x2b3: {  	v3 =	vadd.s32 v52, v3;
	v19 =	vld [tilespmem:s24+$0x2C0]  }
0x2b4: {  	v4 =	vadd.s32 v52, v4;
	[tilespmem:s23+$0x98B0] =	vst v7;
	v7 =	vmul.u32 $0x30, v14;
	v14 =	vld [tilespmem:s24+$0x2E0]  }
0x2b5: {  	v5 =	vadd.s32 v52, v5;
	v11 =	vmul.u32 $0x30, v61;
	[tilespmem:s23+$0x9880] =	vst v57;
	v0 =	vld.idx.msk [tilespmem:v0+s11+$0x0], $0xffff  }
0x2b6: {  	v6 =	vadd.s32 v52, v6;
	[tilespmem:s23+$0x9890] =	vst v58;
	v1 =	vld.idx.msk [tilespmem:v1+s11+$0x0], $0xffff  }
0x2b7: {  	v63 =	vor.u32 v15, v11;
	v2 =	vld.idx.msk [tilespmem:v2+s11+$0x0], $0xffff  }
0x2b8: {  	v8 =	vadd.s32 v52, v8;
	v18 =	vmul.u32 $0x30, v18;
	v3 =	vld.idx.msk [tilespmem:v3+s11+$0x0], $0xffff  }
0x2b9: {  	[tilespmem:s23+$0x98C0] =	vst v13;
	v4 =	vld.idx.msk [tilespmem:v4+s11+$0x0], $0xffff;
	v57 =	vor.u32 v15, v7;
	v12 =	vmul.u32 $0x30, v12  }
0x2ba: {  	[tilespmem:s23+$0x98D0] =	vst v59;
	v53 =	vld.idx.msk [tilespmem:v5+s11+$0x0], $0xffff;
	v59 =	vor.u32 v15, v18;
	v17 =	vmul.u32 $0x30, v17  }
0x2bb: {  	v54 =	vld.idx.msk [tilespmem:v6+s11+$0x0], $0xffff;
	v10 =	vmul.u32 $0x30, v19;
	v13 =	vor.u32 v15, v12  }
0x2bc: {  	v61 =	vld.idx.msk [tilespmem:v63+s11+$0x0], $0xffff;
	[tilespmem:s23+$0x98E0] =	vst v60;
	v14 =	vmul.u32 $0x30, v14;
	v58 =	vor.u32 v15, v17  }
0x2bd: {  	v55 =	vld.idx.msk [tilespmem:v8+s11+$0x0], $0xffff;
	[tilespmem:s23+$0xCA80] =	vst v1;
	v60 =	vor.u32 v15, v10  }
0x2be: {  	v19 =	vmul.u32 $0x30, v62;
	[tilespmem:s23+$0xCA90] =	vst v2;
	v1 =	vld.idx.msk [tilespmem:v57+s11+$0x0], $0xffff;
	v2 =	vor.u32 v15, v14  }
0x2bf: {  	v63 =	vadd.s32 v51, v7;
	v6 =	vld.idx.msk [tilespmem:v59+s11+$0x0], $0xffff  }
0x2c0: {  	[tilespmem:s23+$0xCAF0] =	vst v0;
	v0 =	vld.idx.msk [tilespmem:v13+s11+$0x0], $0xffff;
	v13 =	vor.u32 v15, v19  }
0x2c1: {  	v62 =	vadd.s32 v51, v11;
	[tilespmem:s23+$0xCAA0] =	vst v3;
	v5 =	vld.idx.msk [tilespmem:v58+s11+$0x0], $0xffff  }
0x2c2: {  	[tilespmem:s23+$0xCAB0] =	vst v4;
	v3 =	vadd.s32 v51, v12;
	v8 =	vld.idx.msk [tilespmem:v60+s11+$0x0], $0xffff  }
0x2c3: {  	v57 =	vadd.s32 v51, v18;
	[tilespmem:s24+$0x6690] =	vst v1;
	v1 =	vld.idx.msk [tilespmem:v2+s11+$0x0], $0xffff  }
0x2c4: {  	[tilespmem:s24+$0x66F0] =	vst v61;
	v56 =	vadd.s32 v51, v17;
	v21 =	vld.idx.msk [tilespmem:v63+s11+$0x0], $0xffff  }
0x2c5: {  	v58 =	vadd.s32 v51, v10;
	[tilespmem:s24+$0x66B0] =	vst v6;
	v13 =	vld.idx.msk [tilespmem:v13+s11+$0x0], $0xffff  }
0x2c6: {  	v22 =	vadd.s32 v51, v14;
	[tilespmem:s24+$0x6680] =	vst v0;
	v0 =	vld.idx.msk [tilespmem:v62+s11+$0x0], $0xffff  }
0x2c7: {  	[tilespmem:s24+$0x66A0] =	vst v5;
	v2 =	vld.idx.msk [tilespmem:v3+s11+$0x0], $0xffff;
	v3 =	vadd.s32 v52, v11  }
0x2c8: {  	v59 =	vadd.s32 v51, v19;
	v23 =	vadd.s32 v52, v12;
	v12 =	vld.idx.msk [tilespmem:v57+s11+$0x0], $0xffff;
	[tilespmem:s24+$0x66C0] =	vst v8  }
0x2c9: {  	v7 =	vadd.s32 v52, v7;
	[tilespmem:s24+$0x66E0] =	vst v1;
	v4 =	vld.idx.msk [tilespmem:v56+s11+$0x0], $0xffff  }
0x2ca: {  	v61 =	vld.idx.msk [tilespmem:v58+s11+$0x0], $0xffff;
	[tilespmem:s24+$0x9890] =	vst v21  }
0x2cb: {  	v60 =	vadd.s32 v52, v17;
	[tilespmem:s24+$0x98F0] =	vst v0;
	v0 =	vld.idx.msk [tilespmem:v22+s11+$0x0], $0xffff  }
0x2cc: {  	[tilespmem:s24+$0x66D0] =	vst v13;
	v62 =	vld.idx.msk [tilespmem:v3+s11+$0x0], $0xffff  }
0x2cd: {  	[tilespmem:s24+$0x98B0] =	vst v12;
	v63 =	vld.idx.msk [tilespmem:v59+s11+$0x0], $0xffff  }
0x2ce: {  	v57 =	vadd.s32 v52, v19;
	v58 =	vadd.s32 v52, v10;
	[tilespmem:s24+$0x9880] =	vst v2;
	v2 =	vld.idx.msk [tilespmem:v7+s11+$0x0], $0xffff  }
0x2cf: {  	s26 =	simm.s32 $0x400;
	s25 =	simm.s32 $0x8;
	v56 =	vadd.s32 v52, v14;
	v59 =	vadd.s32 v52, v18;
	[tilespmem:s24+$0x98A0] =	vst v4;
	v1 =	vld.idx.msk [tilespmem:v23+s11+$0x0], $0xffff  }
.LBB2_10:
0x2d0: {  	s28 =	sshra.s32 s26, $0x2;
	s25 =	sadd.s32 $0x8, s25;
	v3 =	vld.idx.msk [tilespmem:v60+s11+$0x0], $0xffff;
	[tilespmem:s24+$0x98C0] =	vst v61  }
0x2d1: {  	v4 =	vld [tilespmem:s28+$0x2F0];
	p0 =	slt.u32 s25, $0x318;
	[tilespmem:s24+$0xCAF0] =	vst v62  }
0x2d2: {  	v5 =	vld [tilespmem:s28+$0x280];
	[tilespmem:s24+$0x98D0] =	vst v63  }
0x2d3: {  	v6 =	vld [tilespmem:s28+$0x290];
	[tilespmem:s24+$0x98E0] =	vst v0  }
0x2d4: {  	v0 =	vld [tilespmem:s28+$0x2A0];
	[tilespmem:s24+$0xCA80] =	vst v1  }
0x2d5: {  	v1 =	vld [tilespmem:s28+$0x2B0];
	[tilespmem:s24+$0xCA90] =	vst v2  }
0x2d6: {  	v2 =	vld [tilespmem:s28+$0x2C0];
	v4 =	vmul.u32 $0x30, v4;
	[tilespmem:s24+$0xCAA0] =	vst v3  }
0x2d7: {  	v3 =	vmul.u32 $0x30, v5;
	v5 =	vld [tilespmem:s28+$0x2D0];
	[tilespmem:s23+$0xCAC0] =	vst v53  }
0x2d8: {  	v6 =	vmul.u32 $0x30, v6;
	v7 =	vld [tilespmem:s28+$0x2E0];
	v8 =	vor.u32 v15, v4;
	[tilespmem:s23+$0xCAD0] =	vst v54  }
0x2d9: {  	v9 =	vor.u32 v15, v3;
	v10 =	vadd.s32 v51, v3;
	v0 =	vmul.u32 $0x30, v0;
	v11 =	vld.idx.msk [tilespmem:v59+s11+$0x0], $0xffff;
	[tilespmem:s23+$0xCAE0] =	vst v55;
	s23 =	smov.u32 s24;
	s24 =	smov.u32 s28  }
0x2da: {  	v12 =	vor.u32 v15, v6;
	v13 =	vadd.s32 v51, v6;
	v1 =	vmul.u32 $0x30, v1;
	v53 =	vld.idx.msk [tilespmem:v58+s11+$0x0], $0xffff  }
0x2db: {  	v14 =	vor.u32 v15, v0;
	v17 =	vadd.s32 v51, v0;
	v2 =	vmul.u32 $0x30, v2;
	v54 =	vld.idx.msk [tilespmem:v57+s11+$0x0], $0xffff  }
0x2dc: {  	v18 =	vor.u32 v15, v1;
	v19 =	vadd.s32 v51, v1;
	v5 =	vmul.u32 $0x30, v5;
	v55 =	vld.idx.msk [tilespmem:v56+s11+$0x0], $0xffff  }
0x2dd: {  	v20 =	vor.u32 v15, v2;
	v21 =	vadd.s32 v51, v2;
	v7 =	vmul.u32 $0x30, v7;
	v8 =	vld.idx.msk [tilespmem:v8+s11+$0x0], $0xffff  }
0x2de: {  	v3 =	vadd.s32 v52, v3;
	v9 =	vld.idx.msk [tilespmem:v9+s11+$0x0], $0xffff;
	v22 =	vor.u32 v15, v5;
	v23 =	vadd.s32 v51, v5  }
0x2df: {  	v61 =	vadd.s32 v51, v4;
	v12 =	vld.idx.msk [tilespmem:v12+s11+$0x0], $0xffff;
	v24 =	vor.u32 v15, v7;
	v25 =	vadd.s32 v51, v7  }
0x2e0: {  	v6 =	vadd.s32 v52, v6;
	v60 =	vadd.s32 v52, v0;
	v59 =	vadd.s32 v52, v1;
	v14 =	vld.idx.msk [tilespmem:v14+s11+$0x0], $0xffff  }
0x2e1: {  	v58 =	vadd.s32 v52, v2;
	v57 =	vadd.s32 v52, v5;
	v56 =	vadd.s32 v52, v7;
	v0 =	vld.idx.msk [tilespmem:v18+s11+$0x0], $0xffff  }
0x2e2: {  	v1 =	vld.idx.msk [tilespmem:v20+s11+$0x0], $0xffff;
	[tilespmem:s23+$0xCAB0] =	vst v11  }
0x2e3: {  	v2 =	vld.idx.msk [tilespmem:v22+s11+$0x0], $0xffff;
	[tilespmem:s24+$0x66F0] =	vst v8  }
0x2e4: {  	[tilespmem:s24+$0x6680] =	vst v9;
	v5 =	vld.idx.msk [tilespmem:v61+s11+$0x0], $0xffff  }
0x2e5: {  	[tilespmem:s24+$0x6690] =	vst v12;
	v7 =	vld.idx.msk [tilespmem:v24+s11+$0x0], $0xffff  }
0x2e6: {  	v4 =	vadd.s32 v52, v4;
	v8 =	vld.idx.msk [tilespmem:v10+s11+$0x0], $0xffff;
	[tilespmem:s24+$0x66A0] =	vst v14  }
0x2e7: {  	v9 =	vld.idx.msk [tilespmem:v13+s11+$0x0], $0xffff;
	[tilespmem:s24+$0x66B0] =	vst v0  }
0x2e8: {  	v10 =	vld.idx.msk [tilespmem:v17+s11+$0x0], $0xffff;
	[tilespmem:s24+$0x66C0] =	vst v1  }
0x2e9: {  	v11 =	vld.idx.msk [tilespmem:v19+s11+$0x0], $0xffff;
	[tilespmem:s24+$0x66D0] =	vst v2  }
0x2ea: {  	v61 =	vld.idx.msk [tilespmem:v21+s11+$0x0], $0xffff;
	[tilespmem:s24+$0x98F0] =	vst v5  }
.Ltmp4:
0x2eb: {  	[tilespmem:s24+$0x66E0] =	vst v7;
	v62 =	vld.idx.msk [tilespmem:v4+s11+$0x0], $0xffff;
	(pc) =	sbr.rel @p0 .LBB2_10-.Ltmp4, $4  }
0x2ec: {  	[tilespmem:s24+$0x9880] =	vst v8;
	v63 =	vld.idx.msk [tilespmem:v23+s11+$0x0], $0xffff  }
0x2ed: {  	[tilespmem:s24+$0x9890] =	vst v9;
	v0 =	vld.idx.msk [tilespmem:v25+s11+$0x0], $0xffff  }
0x2ee: {  	v1 =	vld.idx.msk [tilespmem:v3+s11+$0x0], $0xffff;
	[tilespmem:s24+$0x98A0] =	vst v10  }
0x2ef: {  	s26 =	sadd.s32 $0x200, s26;
	v2 =	vld.idx.msk [tilespmem:v6+s11+$0x0], $0xffff;
	[tilespmem:s24+$0x98B0] =	vst v11  }
0x2f0: {  	_ = 	snop  }
0x2f1: {  	[tilespmem:s24+$0x98C0] =	vst v61  }
0x2f2: {  	[tilespmem:s24+$0xCAF0] =	vst v62  }
0x2f3: {  	[tilespmem:s23+$0xCAC0] =	vst v53  }
0x2f4: {  	v3 =	vld.idx.msk [tilespmem:v60+s11+$0x0], $0xffff;
	[tilespmem:s23+$0xCAD0] =	vst v54  }
0x2f5: {  	[tilespmem:s24+$0x98D0] =	vst v63  }
0x2f6: {  	[tilespmem:s24+$0x98E0] =	vst v0;
	v0 =	vld.idx.msk [tilespmem:v59+s11+$0x0], $0xffff  }
0x2f7: {  	[tilespmem:s24+$0xCA80] =	vst v1;
	v1 =	vld.idx.msk [tilespmem:v58+s11+$0x0], $0xffff  }
0x2f8: {  	[tilespmem:s24+$0xCA90] =	vst v2;
	v2 =	vld.idx.msk [tilespmem:v57+s11+$0x0], $0xffff  }
0x2f9: {  	[tilespmem:s24+$0xCAA0] =	vst v3;
	v3 =	vld.idx.msk [tilespmem:v56+s11+$0x0], $0xffff  }
0x2fa: {  	[tilespmem:s23+$0xCAE0] =	vst v55  }
0x2fb: {  	[tilespmem:s24+$0xCAB0] =	vst v0  }
0x2fc: {  	[tilespmem:s24+$0xCAC0] =	vst v1  }
0x2fd: {  	[tilespmem:s24+$0xCAD0] =	vst v2  }
0x2fe: {  	[tilespmem:s24+$0xCAE0] =	vst v3  }
0x2ff: {  	s26 =	simm.s32 $0x0;
	s24 =	rddreg [dreg:$0x12]  }
0x300: {  	[hbm4b:s24+s26] =	stream.linear.scatter [tilespmem:s13], [sflag:$0x3], $0x3200, $0x38;
	[tilespmem:$0x19280] =	vst v63  }
0x301: {  	_ = 	snop  }
0x302: {  	[hbm4b:s30+s26] =	stream.linear.scatter [tilespmem:s14], [sflag:$0x3], $0x3200, $0x38;
	[tilespmem:$0x19280] =	vst v63  }
0x303: {  	_ = 	snop  }
0x304: {  	[hbm4b:s31+s26] =	stream.linear.scatter [tilespmem:s15], [sflag:$0x3], $0x3200, $0x38;
	[tilespmem:$0x19280] =	vst v63  }
0x305: {  	s28 =	rddreg [dreg:$0x13]  }
0x306: {  	[tilespmem:s8], [sflag:$0x1] =	stream.linear.gather [hbm4b:s28+s26], $0x3200, $0x38;
	[tilespmem:$0x19280] =	vst v63  }
0x307: {  	_ =	swait.ge [sflag:s16], $0x3200  }
0x308: {  	[sflag:s16] =	ssyncset.done $0x0  }
0x309: {  	[sflag:s16] =	ssyncadd.s32 $0xFFFFCE00  }
0x30a: {  	_ =	swait.ge [sflag:s21], $0x3200  }
0x30b: {  	[sflag:s21] =	ssyncset.done $0x0  }
0x30c: {  	[sflag:s21] =	ssyncadd.s32 $0xFFFFCE00  }
0x30d: {  	_ =	swait.ge [sflag:s21], $0x3200  }
0x30e: {  	[sflag:s21] =	ssyncset.done $0x0  }
0x30f: {  	[sflag:s21] =	ssyncadd.s32 $0xFFFFCE00  }
0x310: {  	_ =	swait.ge [sflag:s21], $0x3200  }
0x311: {  	[sflag:s21] =	ssyncset.done $0x0  }
0x312: {  	s23 =	simm.s32 $0x0;
	[sflag:s21] =	ssyncadd.s32 $0xFFFFCE00  }
0x313: {  	v0 =	vld [tilespmem:s23+$0x34F0]  }
0x314: {  	v1 =	vld [tilespmem:s23+$0x3480]  }
0x315: {  	v2 =	vld [tilespmem:s23+$0x3490]  }
0x316: {  	v6 =	vld [tilespmem:s23+$0x34D0]  }
0x317: {  	v3 =	vld [tilespmem:s23+$0x34A0]  }
0x318: {  	v4 =	vld [tilespmem:s23+$0x34B0];
	v0 =	vmul.u32 $0x30, v0  }
0x319: {  	v5 =	vld [tilespmem:s23+$0x34C0];
	v1 =	vmul.u32 $0x30, v1  }
0x31a: {  	v8 =	vld [tilespmem:s23+$0x34E0];
	v2 =	vmul.u32 $0x30, v2;
	v7 =	vor.u32 v15, v0  }
0x31b: {  	v6 =	vmul.u32 $0x30, v6;
	v9 =	vor.u32 v15, v1  }
0x31c: {  	s24 =	simm.s32 $0x80;
	v3 =	vmul.u32 $0x30, v3;
	v10 =	vor.u32 v15, v2  }
0x31d: {  	v61 =	vld [tilespmem:s24+$0x34F0];
	v4 =	vmul.u32 $0x30, v4;
	v14 =	vor.u32 v15, v6  }
0x31e: {  	v62 =	vld [tilespmem:s24+$0x34D0];
	v5 =	vmul.u32 $0x30, v5;
	v11 =	vor.u32 v15, v3  }
0x31f: {  	v8 =	vmul.u32 $0x30, v8;
	v12 =	vor.u32 v15, v4;
	v7 =	vld.idx.msk [tilespmem:v7+s11+$0x0], $0xffff  }
0x320: {  	v13 =	vor.u32 v15, v5;
	v9 =	vld.idx.msk [tilespmem:v9+s11+$0x0], $0xffff  }
0x321: {  	v18 =	vor.u32 v15, v8;
	v10 =	vld.idx.msk [tilespmem:v10+s11+$0x0], $0xffff  }
0x322: {  	v14 =	vld.idx.msk [tilespmem:v14+s11+$0x0], $0xffff  }
0x323: {  	v17 =	vadd.s32 v51, v0;
	v11 =	vld.idx.msk [tilespmem:v11+s11+$0x0], $0xffff  }
0x324: {  	v19 =	vadd.s32 v51, v1;
	v12 =	vld.idx.msk [tilespmem:v12+s11+$0x0], $0xffff  }
0x325: {  	v20 =	vadd.s32 v51, v2;
	v13 =	vld.idx.msk [tilespmem:v13+s11+$0x0], $0xffff  }
0x326: {  	v21 =	vadd.s32 v51, v3;
	v56 =	vld.idx.msk [tilespmem:v18+s11+$0x0], $0xffff;
	[tilespmem:s23+$0xFCF0] =	vst v7  }
0x327: {  	v55 =	vadd.s32 v51, v4;
	[tilespmem:s23+$0xFCD0] =	vst v14;
	v14 =	vld [tilespmem:s24+$0x3490]  }
0x328: {  	v22 =	vadd.s32 v51, v5;
	[tilespmem:s23+$0xFC80] =	vst v9;
	v17 =	vld.idx.msk [tilespmem:v17+s11+$0x0], $0xffff  }
0x329: {  	v18 =	vadd.s32 v51, v6;
	[tilespmem:s23+$0xFC90] =	vst v10;
	v57 =	vld.idx.msk [tilespmem:v19+s11+$0x0], $0xffff  }
0x32a: {  	[tilespmem:s23+$0xFCA0] =	vst v11;
	v58 =	vld.idx.msk [tilespmem:v20+s11+$0x0], $0xffff  }
0x32b: {  	[tilespmem:s23+$0xFCB0] =	vst v12;
	v19 =	vadd.s32 v51, v8;
	v12 =	vld.idx.msk [tilespmem:v21+s11+$0x0], $0xffff  }
0x32c: {  	[tilespmem:s23+$0xFCC0] =	vst v13;
	v7 =	vld.idx.msk [tilespmem:v55+s11+$0x0], $0xffff  }
0x32d: {  	v13 =	vld.idx.msk [tilespmem:v22+s11+$0x0], $0xffff  }
0x32e: {  	v59 =	vld.idx.msk [tilespmem:v18+s11+$0x0], $0xffff  }
0x32f: {  	[tilespmem:s23+$0xFCE0] =	vst v56;
	v18 =	vld [tilespmem:s24+$0x34B0]  }
0x330: {  	v0 =	vadd.s32 v52, v0;
	v60 =	vld.idx.msk [tilespmem:v19+s11+$0x0], $0xffff  }
0x331: {  	v1 =	vadd.s32 v52, v1;
	[tilespmem:s23+$0x12EA0] =	vst v12;
	v12 =	vld [tilespmem:s24+$0x3480]  }
0x332: {  	v2 =	vadd.s32 v52, v2;
	[tilespmem:s23+$0x12EF0] =	vst v17;
	v17 =	vld [tilespmem:s24+$0x34A0]  }
0x333: {  	v3 =	vadd.s32 v52, v3;
	v19 =	vld [tilespmem:s24+$0x34C0]  }
0x334: {  	v4 =	vadd.s32 v52, v4;
	[tilespmem:s23+$0x12EB0] =	vst v7;
	v7 =	vmul.u32 $0x30, v14;
	v14 =	vld [tilespmem:s24+$0x34E0]  }
0x335: {  	v5 =	vadd.s32 v52, v5;
	v11 =	vmul.u32 $0x30, v61;
	[tilespmem:s23+$0x12E80] =	vst v57;
	v0 =	vld.idx.msk [tilespmem:v0+s11+$0x0], $0xffff  }
0x336: {  	v6 =	vadd.s32 v52, v6;
	[tilespmem:s23+$0x12E90] =	vst v58;
	v1 =	vld.idx.msk [tilespmem:v1+s11+$0x0], $0xffff  }
0x337: {  	v63 =	vor.u32 v15, v11;
	v2 =	vld.idx.msk [tilespmem:v2+s11+$0x0], $0xffff  }
0x338: {  	v8 =	vadd.s32 v52, v8;
	v18 =	vmul.u32 $0x30, v18;
	v3 =	vld.idx.msk [tilespmem:v3+s11+$0x0], $0xffff  }
0x339: {  	[tilespmem:s23+$0x12EC0] =	vst v13;
	v4 =	vld.idx.msk [tilespmem:v4+s11+$0x0], $0xffff;
	v57 =	vor.u32 v15, v7;
	v12 =	vmul.u32 $0x30, v12  }
0x33a: {  	[tilespmem:s23+$0x12ED0] =	vst v59;
	v53 =	vld.idx.msk [tilespmem:v5+s11+$0x0], $0xffff;
	v59 =	vor.u32 v15, v18;
	v17 =	vmul.u32 $0x30, v17  }
0x33b: {  	v54 =	vld.idx.msk [tilespmem:v6+s11+$0x0], $0xffff;
	v10 =	vmul.u32 $0x30, v19;
	v13 =	vor.u32 v15, v12  }
0x33c: {  	v61 =	vld.idx.msk [tilespmem:v63+s11+$0x0], $0xffff;
	[tilespmem:s23+$0x12EE0] =	vst v60;
	v14 =	vmul.u32 $0x30, v14;
	v58 =	vor.u32 v15, v17  }
0x33d: {  	v55 =	vld.idx.msk [tilespmem:v8+s11+$0x0], $0xffff;
	[tilespmem:s23+$0x16080] =	vst v1;
	v60 =	vor.u32 v15, v10  }
0x33e: {  	v19 =	vmul.u32 $0x30, v62;
	[tilespmem:s23+$0x16090] =	vst v2;
	v1 =	vld.idx.msk [tilespmem:v57+s11+$0x0], $0xffff;
	v2 =	vor.u32 v15, v14  }
0x33f: {  	v63 =	vadd.s32 v51, v7;
	v6 =	vld.idx.msk [tilespmem:v59+s11+$0x0], $0xffff  }
0x340: {  	[tilespmem:s23+$0x160F0] =	vst v0;
	v0 =	vld.idx.msk [tilespmem:v13+s11+$0x0], $0xffff;
	v13 =	vor.u32 v15, v19  }
0x341: {  	v62 =	vadd.s32 v51, v11;
	[tilespmem:s23+$0x160A0] =	vst v3;
	v5 =	vld.idx.msk [tilespmem:v58+s11+$0x0], $0xffff  }
0x342: {  	[tilespmem:s23+$0x160B0] =	vst v4;
	v3 =	vadd.s32 v51, v12;
	v8 =	vld.idx.msk [tilespmem:v60+s11+$0x0], $0xffff  }
0x343: {  	v57 =	vadd.s32 v51, v18;
	[tilespmem:s24+$0xFC90] =	vst v1;
	v1 =	vld.idx.msk [tilespmem:v2+s11+$0x0], $0xffff  }
0x344: {  	[tilespmem:s24+$0xFCF0] =	vst v61;
	v56 =	vadd.s32 v51, v17;
	v21 =	vld.idx.msk [tilespmem:v63+s11+$0x0], $0xffff  }
0x345: {  	v58 =	vadd.s32 v51, v10;
	[tilespmem:s24+$0xFCB0] =	vst v6;
	v13 =	vld.idx.msk [tilespmem:v13+s11+$0x0], $0xffff  }
0x346: {  	v22 =	vadd.s32 v51, v14;
	[tilespmem:s24+$0xFC80] =	vst v0;
	v0 =	vld.idx.msk [tilespmem:v62+s11+$0x0], $0xffff  }
0x347: {  	[tilespmem:s24+$0xFCA0] =	vst v5;
	v2 =	vld.idx.msk [tilespmem:v3+s11+$0x0], $0xffff;
	v3 =	vadd.s32 v52, v11  }
0x348: {  	v59 =	vadd.s32 v51, v19;
	v23 =	vadd.s32 v52, v12;
	v12 =	vld.idx.msk [tilespmem:v57+s11+$0x0], $0xffff;
	[tilespmem:s24+$0xFCC0] =	vst v8  }
0x349: {  	v7 =	vadd.s32 v52, v7;
	[tilespmem:s24+$0xFCE0] =	vst v1;
	v4 =	vld.idx.msk [tilespmem:v56+s11+$0x0], $0xffff  }
0x34a: {  	v61 =	vld.idx.msk [tilespmem:v58+s11+$0x0], $0xffff;
	[tilespmem:s24+$0x12E90] =	vst v21  }
0x34b: {  	v60 =	vadd.s32 v52, v17;
	[tilespmem:s24+$0x12EF0] =	vst v0;
	v0 =	vld.idx.msk [tilespmem:v22+s11+$0x0], $0xffff  }
0x34c: {  	[tilespmem:s24+$0xFCD0] =	vst v13;
	v62 =	vld.idx.msk [tilespmem:v3+s11+$0x0], $0xffff  }
0x34d: {  	[tilespmem:s24+$0x12EB0] =	vst v12;
	v63 =	vld.idx.msk [tilespmem:v59+s11+$0x0], $0xffff  }
0x34e: {  	v57 =	vadd.s32 v52, v19;
	v58 =	vadd.s32 v52, v10;
	[tilespmem:s24+$0x12E80] =	vst v2;
	v2 =	vld.idx.msk [tilespmem:v7+s11+$0x0], $0xffff  }
0x34f: {  	s25 =	simm.s32 $0x8;
	s26 =	simm.s32 $0x400;
	v56 =	vadd.s32 v52, v14;
	v59 =	vadd.s32 v52, v18;
	[tilespmem:s24+$0x12EA0] =	vst v4;
	v1 =	vld.idx.msk [tilespmem:v23+s11+$0x0], $0xffff  }
.LBB2_12:
0x350: {  	s28 =	sshra.s32 s26, $0x2;
	s25 =	sadd.s32 $0x8, s25;
	v3 =	vld.idx.msk [tilespmem:v60+s11+$0x0], $0xffff;
	[tilespmem:s24+$0x12EC0] =	vst v61  }
0x351: {  	v4 =	vld [tilespmem:s28+$0x34F0];
	p0 =	slt.u32 s25, $0x318;
	[tilespmem:s24+$0x160F0] =	vst v62  }
0x352: {  	v5 =	vld [tilespmem:s28+$0x3480];
	[tilespmem:s24+$0x12ED0] =	vst v63  }
0x353: {  	v6 =	vld [tilespmem:s28+$0x3490];
	[tilespmem:s24+$0x12EE0] =	vst v0  }
0x354: {  	v0 =	vld [tilespmem:s28+$0x34A0];
	[tilespmem:s24+$0x16080] =	vst v1  }
0x355: {  	v1 =	vld [tilespmem:s28+$0x34B0];
	[tilespmem:s24+$0x16090] =	vst v2  }
0x356: {  	v2 =	vld [tilespmem:s28+$0x34C0];
	v4 =	vmul.u32 $0x30, v4;
	[tilespmem:s24+$0x160A0] =	vst v3  }
0x357: {  	v3 =	vmul.u32 $0x30, v5;
	v5 =	vld [tilespmem:s28+$0x34D0];
	[tilespmem:s23+$0x160C0] =	vst v53  }
0x358: {  	v6 =	vmul.u32 $0x30, v6;
	v7 =	vld [tilespmem:s28+$0x34E0];
	v8 =	vor.u32 v15, v4;
	[tilespmem:s23+$0x160D0] =	vst v54  }
0x359: {  	v9 =	vor.u32 v15, v3;
	v10 =	vadd.s32 v51, v3;
	v0 =	vmul.u32 $0x30, v0;
	v11 =	vld.idx.msk [tilespmem:v59+s11+$0x0], $0xffff;
	[tilespmem:s23+$0x160E0] =	vst v55;
	s23 =	smov.u32 s24;
	s24 =	smov.u32 s28  }
0x35a: {  	v12 =	vor.u32 v15, v6;
	v13 =	vadd.s32 v51, v6;
	v1 =	vmul.u32 $0x30, v1;
	v53 =	vld.idx.msk [tilespmem:v58+s11+$0x0], $0xffff  }
0x35b: {  	v14 =	vor.u32 v15, v0;
	v17 =	vadd.s32 v51, v0;
	v2 =	vmul.u32 $0x30, v2;
	v54 =	vld.idx.msk [tilespmem:v57+s11+$0x0], $0xffff  }
0x35c: {  	v18 =	vor.u32 v15, v1;
	v19 =	vadd.s32 v51, v1;
	v5 =	vmul.u32 $0x30, v5;
	v55 =	vld.idx.msk [tilespmem:v56+s11+$0x0], $0xffff  }
0x35d: {  	v20 =	vor.u32 v15, v2;
	v21 =	vadd.s32 v51, v2;
	v7 =	vmul.u32 $0x30, v7;
	v8 =	vld.idx.msk [tilespmem:v8+s11+$0x0], $0xffff  }
0x35e: {  	v3 =	vadd.s32 v52, v3;
	v9 =	vld.idx.msk [tilespmem:v9+s11+$0x0], $0xffff;
	v22 =	vor.u32 v15, v5;
	v23 =	vadd.s32 v51, v5  }
0x35f: {  	v61 =	vadd.s32 v51, v4;
	v12 =	vld.idx.msk [tilespmem:v12+s11+$0x0], $0xffff;
	v24 =	vor.u32 v15, v7;
	v25 =	vadd.s32 v51, v7  }
0x360: {  	v6 =	vadd.s32 v52, v6;
	v60 =	vadd.s32 v52, v0;
	v59 =	vadd.s32 v52, v1;
	v14 =	vld.idx.msk [tilespmem:v14+s11+$0x0], $0xffff  }
0x361: {  	v58 =	vadd.s32 v52, v2;
	v57 =	vadd.s32 v52, v5;
	v56 =	vadd.s32 v52, v7;
	v0 =	vld.idx.msk [tilespmem:v18+s11+$0x0], $0xffff  }
0x362: {  	v1 =	vld.idx.msk [tilespmem:v20+s11+$0x0], $0xffff;
	[tilespmem:s23+$0x160B0] =	vst v11  }
0x363: {  	v2 =	vld.idx.msk [tilespmem:v22+s11+$0x0], $0xffff;
	[tilespmem:s24+$0xFCF0] =	vst v8  }
0x364: {  	[tilespmem:s24+$0xFC80] =	vst v9;
	v5 =	vld.idx.msk [tilespmem:v61+s11+$0x0], $0xffff  }
0x365: {  	[tilespmem:s24+$0xFC90] =	vst v12;
	v7 =	vld.idx.msk [tilespmem:v24+s11+$0x0], $0xffff  }
0x366: {  	v4 =	vadd.s32 v52, v4;
	v8 =	vld.idx.msk [tilespmem:v10+s11+$0x0], $0xffff;
	[tilespmem:s24+$0xFCA0] =	vst v14  }
0x367: {  	v9 =	vld.idx.msk [tilespmem:v13+s11+$0x0], $0xffff;
	[tilespmem:s24+$0xFCB0] =	vst v0  }
0x368: {  	v10 =	vld.idx.msk [tilespmem:v17+s11+$0x0], $0xffff;
	[tilespmem:s24+$0xFCC0] =	vst v1  }
0x369: {  	v11 =	vld.idx.msk [tilespmem:v19+s11+$0x0], $0xffff;
	[tilespmem:s24+$0xFCD0] =	vst v2  }
0x36a: {  	v61 =	vld.idx.msk [tilespmem:v21+s11+$0x0], $0xffff;
	[tilespmem:s24+$0x12EF0] =	vst v5  }
.Ltmp5:
0x36b: {  	[tilespmem:s24+$0xFCE0] =	vst v7;
	v62 =	vld.idx.msk [tilespmem:v4+s11+$0x0], $0xffff;
	(pc) =	sbr.rel @p0 .LBB2_12-.Ltmp5, $4  }
0x36c: {  	[tilespmem:s24+$0x12E80] =	vst v8;
	v63 =	vld.idx.msk [tilespmem:v23+s11+$0x0], $0xffff  }
0x36d: {  	[tilespmem:s24+$0x12E90] =	vst v9;
	v0 =	vld.idx.msk [tilespmem:v25+s11+$0x0], $0xffff  }
0x36e: {  	v1 =	vld.idx.msk [tilespmem:v3+s11+$0x0], $0xffff;
	[tilespmem:s24+$0x12EA0] =	vst v10  }
0x36f: {  	s26 =	sadd.s32 $0x200, s26;
	v2 =	vld.idx.msk [tilespmem:v6+s11+$0x0], $0xffff;
	[tilespmem:s24+$0x12EB0] =	vst v11  }
0x370: {  	_ = 	snop  }
0x371: {  	[tilespmem:s24+$0x12EC0] =	vst v61  }
0x372: {  	[tilespmem:s24+$0x160F0] =	vst v62  }
0x373: {  	[tilespmem:s23+$0x160C0] =	vst v53  }
0x374: {  	v3 =	vld.idx.msk [tilespmem:v60+s11+$0x0], $0xffff;
	[tilespmem:s23+$0x160D0] =	vst v54  }
0x375: {  	[tilespmem:s24+$0x12ED0] =	vst v63  }
0x376: {  	[tilespmem:s24+$0x12EE0] =	vst v0;
	v0 =	vld.idx.msk [tilespmem:v59+s11+$0x0], $0xffff  }
0x377: {  	[tilespmem:s24+$0x16080] =	vst v1;
	v1 =	vld.idx.msk [tilespmem:v58+s11+$0x0], $0xffff  }
0x378: {  	[tilespmem:s24+$0x16090] =	vst v2;
	v2 =	vld.idx.msk [tilespmem:v57+s11+$0x0], $0xffff  }
0x379: {  	[tilespmem:s24+$0x160A0] =	vst v3;
	v3 =	vld.idx.msk [tilespmem:v56+s11+$0x0], $0xffff  }
0x37a: {  	[tilespmem:s23+$0x160E0] =	vst v55  }
0x37b: {  	[tilespmem:s24+$0x160B0] =	vst v0  }
0x37c: {  	[tilespmem:s24+$0x160C0] =	vst v1  }
0x37d: {  	[tilespmem:s24+$0x160D0] =	vst v2  }
0x37e: {  	[tilespmem:s24+$0x160E0] =	vst v3  }
0x37f: {  	s26 =	simm.s32 $0x0;
	s24 =	rddreg [dreg:$0x14]  }
0x380: {  	[hbm4b:s24+s26] =	stream.linear.scatter [tilespmem:s17], [sflag:$0x4], $0x3200, $0x38;
	[tilespmem:$0x19280] =	vst v63  }
0x381: {  	_ = 	snop  }
0x382: {  	[hbm4b:s1+s26] =	stream.linear.scatter [tilespmem:s18], [sflag:$0x4], $0x3200, $0x38;
	[tilespmem:$0x19280] =	vst v63  }
0x383: {  	_ = 	snop  }
0x384: {  	[hbm4b:s0+s26] =	stream.linear.scatter [tilespmem:s19], [sflag:$0x4], $0x3200, $0x38;
	[tilespmem:$0x19280] =	vst v63  }
0x385: {  	s28 =	rddreg [dreg:$0x15]  }
0x386: {  	[tilespmem:s9], [sflag:$0x2] =	stream.linear.gather [hbm4b:s28+s26], $0x3200, $0x38;
	[tilespmem:$0x19280] =	vst v63  }
0x387: {  	_ =	swait.ge [sflag:s12], $0x3200  }
0x388: {  	[sflag:s12] =	ssyncset.done $0x0  }
0x389: {  	[sflag:s12] =	ssyncadd.s32 $0xFFFFCE00  }
0x38a: {  	_ =	swait.ge [sflag:s20], $0x3200  }
0x38b: {  	[sflag:s20] =	ssyncset.done $0x0  }
0x38c: {  	[sflag:s20] =	ssyncadd.s32 $0xFFFFCE00  }
0x38d: {  	_ =	swait.ge [sflag:s20], $0x3200  }
0x38e: {  	[sflag:s20] =	ssyncset.done $0x0  }
0x38f: {  	[sflag:s20] =	ssyncadd.s32 $0xFFFFCE00  }
0x390: {  	_ =	swait.ge [sflag:s20], $0x3200  }
0x391: {  	[sflag:s20] =	ssyncset.done $0x0  }
0x392: {  	s23 =	simm.s32 $0x0;
	[sflag:s20] =	ssyncadd.s32 $0xFFFFCE00  }
0x393: {  	v0 =	vld [tilespmem:s23+$0x2F0]  }
0x394: {  	v1 =	vld [tilespmem:s23+$0x280]  }
0x395: {  	v2 =	vld [tilespmem:s23+$0x290]  }
0x396: {  	v6 =	vld [tilespmem:s23+$0x2D0]  }
0x397: {  	v3 =	vld [tilespmem:s23+$0x2A0]  }
0x398: {  	v4 =	vld [tilespmem:s23+$0x2B0];
	v0 =	vmul.u32 $0x30, v0  }
0x399: {  	v5 =	vld [tilespmem:s23+$0x2C0];
	v1 =	vmul.u32 $0x30, v1  }
0x39a: {  	v8 =	vld [tilespmem:s23+$0x2E0];
	v2 =	vmul.u32 $0x30, v2;
	v7 =	vor.u32 v15, v0  }
0x39b: {  	v6 =	vmul.u32 $0x30, v6;
	v9 =	vor.u32 v15, v1  }
0x39c: {  	s24 =	simm.s32 $0x80;
	v3 =	vmul.u32 $0x30, v3;
	v10 =	vor.u32 v15, v2  }
0x39d: {  	v61 =	vld [tilespmem:s24+$0x2F0];
	v4 =	vmul.u32 $0x30, v4;
	v14 =	vor.u32 v15, v6  }
0x39e: {  	v62 =	vld [tilespmem:s24+$0x2D0];
	v5 =	vmul.u32 $0x30, v5;
	v11 =	vor.u32 v15, v3  }
0x39f: {  	v8 =	vmul.u32 $0x30, v8;
	v12 =	vor.u32 v15, v4;
	v7 =	vld.idx.msk [tilespmem:v7+s11+$0x0], $0xffff  }
0x3a0: {  	v13 =	vor.u32 v15, v5;
	v9 =	vld.idx.msk [tilespmem:v9+s11+$0x0], $0xffff  }
0x3a1: {  	v18 =	vor.u32 v15, v8;
	v10 =	vld.idx.msk [tilespmem:v10+s11+$0x0], $0xffff  }
0x3a2: {  	v14 =	vld.idx.msk [tilespmem:v14+s11+$0x0], $0xffff  }
0x3a3: {  	v17 =	vadd.s32 v51, v0;
	v11 =	vld.idx.msk [tilespmem:v11+s11+$0x0], $0xffff  }
0x3a4: {  	v19 =	vadd.s32 v51, v1;
	v12 =	vld.idx.msk [tilespmem:v12+s11+$0x0], $0xffff  }
0x3a5: {  	v20 =	vadd.s32 v51, v2;
	v13 =	vld.idx.msk [tilespmem:v13+s11+$0x0], $0xffff  }
0x3a6: {  	v21 =	vadd.s32 v51, v3;
	v56 =	vld.idx.msk [tilespmem:v18+s11+$0x0], $0xffff;
	[tilespmem:s23+$0x66F0] =	vst v7  }
0x3a7: {  	v55 =	vadd.s32 v51, v4;
	[tilespmem:s23+$0x66D0] =	vst v14;
	v14 =	vld [tilespmem:s24+$0x290]  }
0x3a8: {  	v22 =	vadd.s32 v51, v5;
	[tilespmem:s23+$0x6680] =	vst v9;
	v17 =	vld.idx.msk [tilespmem:v17+s11+$0x0], $0xffff  }
0x3a9: {  	v18 =	vadd.s32 v51, v6;
	[tilespmem:s23+$0x6690] =	vst v10;
	v57 =	vld.idx.msk [tilespmem:v19+s11+$0x0], $0xffff  }
0x3aa: {  	[tilespmem:s23+$0x66A0] =	vst v11;
	v58 =	vld.idx.msk [tilespmem:v20+s11+$0x0], $0xffff  }
0x3ab: {  	[tilespmem:s23+$0x66B0] =	vst v12;
	v19 =	vadd.s32 v51, v8;
	v12 =	vld.idx.msk [tilespmem:v21+s11+$0x0], $0xffff  }
0x3ac: {  	[tilespmem:s23+$0x66C0] =	vst v13;
	v7 =	vld.idx.msk [tilespmem:v55+s11+$0x0], $0xffff  }
0x3ad: {  	v13 =	vld.idx.msk [tilespmem:v22+s11+$0x0], $0xffff  }
0x3ae: {  	v59 =	vld.idx.msk [tilespmem:v18+s11+$0x0], $0xffff  }
0x3af: {  	[tilespmem:s23+$0x66E0] =	vst v56;
	v18 =	vld [tilespmem:s24+$0x2B0]  }
0x3b0: {  	v0 =	vadd.s32 v52, v0;
	v60 =	vld.idx.msk [tilespmem:v19+s11+$0x0], $0xffff  }
0x3b1: {  	v1 =	vadd.s32 v52, v1;
	[tilespmem:s23+$0x98A0] =	vst v12;
	v12 =	vld [tilespmem:s24+$0x280]  }
0x3b2: {  	v2 =	vadd.s32 v52, v2;
	[tilespmem:s23+$0x98F0] =	vst v17;
	v17 =	vld [tilespmem:s24+$0x2A0]  }
0x3b3: {  	v3 =	vadd.s32 v52, v3;
	v19 =	vld [tilespmem:s24+$0x2C0]  }
0x3b4: {  	v4 =	vadd.s32 v52, v4;
	[tilespmem:s23+$0x98B0] =	vst v7;
	v7 =	vmul.u32 $0x30, v14;
	v14 =	vld [tilespmem:s24+$0x2E0]  }
0x3b5: {  	v5 =	vadd.s32 v52, v5;
	v11 =	vmul.u32 $0x30, v61;
	[tilespmem:s23+$0x9880] =	vst v57;
	v0 =	vld.idx.msk [tilespmem:v0+s11+$0x0], $0xffff  }
0x3b6: {  	v6 =	vadd.s32 v52, v6;
	[tilespmem:s23+$0x9890] =	vst v58;
	v1 =	vld.idx.msk [tilespmem:v1+s11+$0x0], $0xffff  }
0x3b7: {  	v63 =	vor.u32 v15, v11;
	v2 =	vld.idx.msk [tilespmem:v2+s11+$0x0], $0xffff  }
0x3b8: {  	v8 =	vadd.s32 v52, v8;
	v18 =	vmul.u32 $0x30, v18;
	v3 =	vld.idx.msk [tilespmem:v3+s11+$0x0], $0xffff  }
0x3b9: {  	[tilespmem:s23+$0x98C0] =	vst v13;
	v4 =	vld.idx.msk [tilespmem:v4+s11+$0x0], $0xffff;
	v57 =	vor.u32 v15, v7;
	v12 =	vmul.u32 $0x30, v12  }
0x3ba: {  	[tilespmem:s23+$0x98D0] =	vst v59;
	v53 =	vld.idx.msk [tilespmem:v5+s11+$0x0], $0xffff;
	v59 =	vor.u32 v15, v18;
	v17 =	vmul.u32 $0x30, v17  }
0x3bb: {  	v54 =	vld.idx.msk [tilespmem:v6+s11+$0x0], $0xffff;
	v10 =	vmul.u32 $0x30, v19;
	v13 =	vor.u32 v15, v12  }
0x3bc: {  	v61 =	vld.idx.msk [tilespmem:v63+s11+$0x0], $0xffff;
	[tilespmem:s23+$0x98E0] =	vst v60;
	v14 =	vmul.u32 $0x30, v14;
	v58 =	vor.u32 v15, v17  }
0x3bd: {  	v55 =	vld.idx.msk [tilespmem:v8+s11+$0x0], $0xffff;
	[tilespmem:s23+$0xCA80] =	vst v1;
	v60 =	vor.u32 v15, v10  }
0x3be: {  	v19 =	vmul.u32 $0x30, v62;
	[tilespmem:s23+$0xCA90] =	vst v2;
	v1 =	vld.idx.msk [tilespmem:v57+s11+$0x0], $0xffff;
	v2 =	vor.u32 v15, v14  }
0x3bf: {  	v63 =	vadd.s32 v51, v7;
	v6 =	vld.idx.msk [tilespmem:v59+s11+$0x0], $0xffff  }
0x3c0: {  	[tilespmem:s23+$0xCAF0] =	vst v0;
	v0 =	vld.idx.msk [tilespmem:v13+s11+$0x0], $0xffff;
	v13 =	vor.u32 v15, v19  }
0x3c1: {  	v62 =	vadd.s32 v51, v11;
	[tilespmem:s23+$0xCAA0] =	vst v3;
	v5 =	vld.idx.msk [tilespmem:v58+s11+$0x0], $0xffff  }
0x3c2: {  	[tilespmem:s23+$0xCAB0] =	vst v4;
	v3 =	vadd.s32 v51, v12;
	v8 =	vld.idx.msk [tilespmem:v60+s11+$0x0], $0xffff  }
0x3c3: {  	v57 =	vadd.s32 v51, v18;
	[tilespmem:s24+$0x6690] =	vst v1;
	v1 =	vld.idx.msk [tilespmem:v2+s11+$0x0], $0xffff  }
0x3c4: {  	[tilespmem:s24+$0x66F0] =	vst v61;
	v56 =	vadd.s32 v51, v17;
	v21 =	vld.idx.msk [tilespmem:v63+s11+$0x0], $0xffff  }
0x3c5: {  	v58 =	vadd.s32 v51, v10;
	[tilespmem:s24+$0x66B0] =	vst v6;
	v13 =	vld.idx.msk [tilespmem:v13+s11+$0x0], $0xffff  }
0x3c6: {  	v22 =	vadd.s32 v51, v14;
	[tilespmem:s24+$0x6680] =	vst v0;
	v0 =	vld.idx.msk [tilespmem:v62+s11+$0x0], $0xffff  }
0x3c7: {  	[tilespmem:s24+$0x66A0] =	vst v5;
	v2 =	vld.idx.msk [tilespmem:v3+s11+$0x0], $0xffff;
	v3 =	vadd.s32 v52, v11  }
0x3c8: {  	v59 =	vadd.s32 v51, v19;
	v23 =	vadd.s32 v52, v12;
	v12 =	vld.idx.msk [tilespmem:v57+s11+$0x0], $0xffff;
	[tilespmem:s24+$0x66C0] =	vst v8  }
0x3c9: {  	v7 =	vadd.s32 v52, v7;
	[tilespmem:s24+$0x66E0] =	vst v1;
	v4 =	vld.idx.msk [tilespmem:v56+s11+$0x0], $0xffff  }
0x3ca: {  	v61 =	vld.idx.msk [tilespmem:v58+s11+$0x0], $0xffff;
	[tilespmem:s24+$0x9890] =	vst v21  }
0x3cb: {  	v60 =	vadd.s32 v52, v17;
	[tilespmem:s24+$0x98F0] =	vst v0;
	v0 =	vld.idx.msk [tilespmem:v22+s11+$0x0], $0xffff  }
0x3cc: {  	[tilespmem:s24+$0x66D0] =	vst v13;
	v62 =	vld.idx.msk [tilespmem:v3+s11+$0x0], $0xffff  }
0x3cd: {  	[tilespmem:s24+$0x98B0] =	vst v12;
	v63 =	vld.idx.msk [tilespmem:v59+s11+$0x0], $0xffff  }
0x3ce: {  	v57 =	vadd.s32 v52, v19;
	v58 =	vadd.s32 v52, v10;
	[tilespmem:s24+$0x9880] =	vst v2;
	v2 =	vld.idx.msk [tilespmem:v7+s11+$0x0], $0xffff  }
0x3cf: {  	s25 =	simm.s32 $0x8;
	s26 =	simm.s32 $0x400;
	v56 =	vadd.s32 v52, v14;
	v59 =	vadd.s32 v52, v18;
	[tilespmem:s24+$0x98A0] =	vst v4;
	v1 =	vld.idx.msk [tilespmem:v23+s11+$0x0], $0xffff  }
.LBB2_14:
0x3d0: {  	s28 =	sshra.s32 s26, $0x2;
	s25 =	sadd.s32 $0x8, s25;
	v3 =	vld.idx.msk [tilespmem:v60+s11+$0x0], $0xffff;
	[tilespmem:s24+$0x98C0] =	vst v61  }
0x3d1: {  	v4 =	vld [tilespmem:s28+$0x2F0];
	p0 =	slt.u32 s25, $0x318;
	[tilespmem:s24+$0xCAF0] =	vst v62  }
0x3d2: {  	v5 =	vld [tilespmem:s28+$0x280];
	[tilespmem:s24+$0x98D0] =	vst v63  }
0x3d3: {  	v6 =	vld [tilespmem:s28+$0x290];
	[tilespmem:s24+$0x98E0] =	vst v0  }
0x3d4: {  	v0 =	vld [tilespmem:s28+$0x2A0];
	[tilespmem:s24+$0xCA80] =	vst v1  }
0x3d5: {  	v1 =	vld [tilespmem:s28+$0x2B0];
	[tilespmem:s24+$0xCA90] =	vst v2  }
0x3d6: {  	v2 =	vld [tilespmem:s28+$0x2C0];
	v4 =	vmul.u32 $0x30, v4;
	[tilespmem:s24+$0xCAA0] =	vst v3  }
0x3d7: {  	v3 =	vmul.u32 $0x30, v5;
	v5 =	vld [tilespmem:s28+$0x2D0];
	[tilespmem:s23+$0xCAC0] =	vst v53  }
0x3d8: {  	v6 =	vmul.u32 $0x30, v6;
	v7 =	vld [tilespmem:s28+$0x2E0];
	v8 =	vor.u32 v15, v4;
	[tilespmem:s23+$0xCAD0] =	vst v54  }
0x3d9: {  	v9 =	vor.u32 v15, v3;
	v10 =	vadd.s32 v51, v3;
	v0 =	vmul.u32 $0x30, v0;
	v11 =	vld.idx.msk [tilespmem:v59+s11+$0x0], $0xffff;
	[tilespmem:s23+$0xCAE0] =	vst v55;
	s23 =	smov.u32 s24;
	s24 =	smov.u32 s28  }
0x3da: {  	v12 =	vor.u32 v15, v6;
	v13 =	vadd.s32 v51, v6;
	v1 =	vmul.u32 $0x30, v1;
	v53 =	vld.idx.msk [tilespmem:v58+s11+$0x0], $0xffff  }
0x3db: {  	v14 =	vor.u32 v15, v0;
	v17 =	vadd.s32 v51, v0;
	v2 =	vmul.u32 $0x30, v2;
	v54 =	vld.idx.msk [tilespmem:v57+s11+$0x0], $0xffff  }
0x3dc: {  	v18 =	vor.u32 v15, v1;
	v19 =	vadd.s32 v51, v1;
	v5 =	vmul.u32 $0x30, v5;
	v55 =	vld.idx.msk [tilespmem:v56+s11+$0x0], $0xffff  }
0x3dd: {  	v20 =	vor.u32 v15, v2;
	v21 =	vadd.s32 v51, v2;
	v7 =	vmul.u32 $0x30, v7;
	v8 =	vld.idx.msk [tilespmem:v8+s11+$0x0], $0xffff  }
0x3de: {  	v3 =	vadd.s32 v52, v3;
	v9 =	vld.idx.msk [tilespmem:v9+s11+$0x0], $0xffff;
	v22 =	vor.u32 v15, v5;
	v23 =	vadd.s32 v51, v5  }
0x3df: {  	v61 =	vadd.s32 v51, v4;
	v12 =	vld.idx.msk [tilespmem:v12+s11+$0x0], $0xffff;
	v24 =	vor.u32 v15, v7;
	v25 =	vadd.s32 v51, v7  }
0x3e0: {  	v6 =	vadd.s32 v52, v6;
	v60 =	vadd.s32 v52, v0;
	v59 =	vadd.s32 v52, v1;
	v14 =	vld.idx.msk [tilespmem:v14+s11+$0x0], $0xffff  }
0x3e1: {  	v58 =	vadd.s32 v52, v2;
	v57 =	vadd.s32 v52, v5;
	v56 =	vadd.s32 v52, v7;
	v0 =	vld.idx.msk [tilespmem:v18+s11+$0x0], $0xffff  }
0x3e2: {  	v1 =	vld.idx.msk [tilespmem:v20+s11+$0x0], $0xffff;
	[tilespmem:s23+$0xCAB0] =	vst v11  }
0x3e3: {  	v2 =	vld.idx.msk [tilespmem:v22+s11+$0x0], $0xffff;
	[tilespmem:s24+$0x66F0] =	vst v8  }
0x3e4: {  	[tilespmem:s24+$0x6680] =	vst v9;
	v5 =	vld.idx.msk [tilespmem:v61+s11+$0x0], $0xffff  }
0x3e5: {  	[tilespmem:s24+$0x6690] =	vst v12;
	v7 =	vld.idx.msk [tilespmem:v24+s11+$0x0], $0xffff  }
0x3e6: {  	v4 =	vadd.s32 v52, v4;
	v8 =	vld.idx.msk [tilespmem:v10+s11+$0x0], $0xffff;
	[tilespmem:s24+$0x66A0] =	vst v14  }
0x3e7: {  	v9 =	vld.idx.msk [tilespmem:v13+s11+$0x0], $0xffff;
	[tilespmem:s24+$0x66B0] =	vst v0  }
0x3e8: {  	v10 =	vld.idx.msk [tilespmem:v17+s11+$0x0], $0xffff;
	[tilespmem:s24+$0x66C0] =	vst v1  }
0x3e9: {  	v11 =	vld.idx.msk [tilespmem:v19+s11+$0x0], $0xffff;
	[tilespmem:s24+$0x66D0] =	vst v2  }
0x3ea: {  	v61 =	vld.idx.msk [tilespmem:v21+s11+$0x0], $0xffff;
	[tilespmem:s24+$0x98F0] =	vst v5  }
.Ltmp6:
0x3eb: {  	[tilespmem:s24+$0x66E0] =	vst v7;
	v62 =	vld.idx.msk [tilespmem:v4+s11+$0x0], $0xffff;
	(pc) =	sbr.rel @p0 .LBB2_14-.Ltmp6, $4  }
0x3ec: {  	[tilespmem:s24+$0x9880] =	vst v8;
	v63 =	vld.idx.msk [tilespmem:v23+s11+$0x0], $0xffff  }
0x3ed: {  	[tilespmem:s24+$0x9890] =	vst v9;
	v0 =	vld.idx.msk [tilespmem:v25+s11+$0x0], $0xffff  }
0x3ee: {  	v1 =	vld.idx.msk [tilespmem:v3+s11+$0x0], $0xffff;
	[tilespmem:s24+$0x98A0] =	vst v10  }
0x3ef: {  	s26 =	sadd.s32 $0x200, s26;
	v2 =	vld.idx.msk [tilespmem:v6+s11+$0x0], $0xffff;
	[tilespmem:s24+$0x98B0] =	vst v11  }
0x3f0: {  	_ = 	snop  }
0x3f1: {  	[tilespmem:s24+$0x98C0] =	vst v61  }
0x3f2: {  	[tilespmem:s24+$0xCAF0] =	vst v62  }
0x3f3: {  	[tilespmem:s23+$0xCAC0] =	vst v53  }
0x3f4: {  	v3 =	vld.idx.msk [tilespmem:v60+s11+$0x0], $0xffff;
	[tilespmem:s23+$0xCAD0] =	vst v54  }
0x3f5: {  	[tilespmem:s24+$0x98D0] =	vst v63  }
0x3f6: {  	[tilespmem:s24+$0x98E0] =	vst v0;
	v0 =	vld.idx.msk [tilespmem:v59+s11+$0x0], $0xffff  }
0x3f7: {  	[tilespmem:s24+$0xCA80] =	vst v1;
	v1 =	vld.idx.msk [tilespmem:v58+s11+$0x0], $0xffff  }
0x3f8: {  	[tilespmem:s24+$0xCA90] =	vst v2;
	v2 =	vld.idx.msk [tilespmem:v57+s11+$0x0], $0xffff  }
0x3f9: {  	[tilespmem:s24+$0xCAA0] =	vst v3;
	v3 =	vld.idx.msk [tilespmem:v56+s11+$0x0], $0xffff  }
0x3fa: {  	[tilespmem:s23+$0xCAE0] =	vst v55  }
0x3fb: {  	[tilespmem:s24+$0xCAB0] =	vst v0  }
0x3fc: {  	[tilespmem:s24+$0xCAC0] =	vst v1  }
0x3fd: {  	[tilespmem:s24+$0xCAD0] =	vst v2  }
0x3fe: {  	[tilespmem:s24+$0xCAE0] =	vst v3  }
0x3ff: {  	s28 =	simm.s32 $0x0;
	s24 =	rddreg [dreg:$0x16]  }
0x400: {  	[hbm4b:s24+s28] =	stream.linear.scatter [tilespmem:s13], [sflag:$0x3], $0x3200, $0x38;
	[tilespmem:$0x19280] =	vst v63  }
0x401: {  	_ = 	snop  }
0x402: {  	[hbm4b:s3+s28] =	stream.linear.scatter [tilespmem:s14], [sflag:$0x3], $0x3200, $0x38;
	[tilespmem:$0x19280] =	vst v63  }
0x403: {  	_ = 	snop  }
0x404: {  	[hbm4b:s4+s28] =	stream.linear.scatter [tilespmem:s15], [sflag:$0x3], $0x3200, $0x38;
	[tilespmem:$0x19280] =	vst v63  }
0x405: {  	_ =	swait.ge [sflag:s16], $0x3200  }
0x406: {  	[sflag:s16] =	ssyncset.done $0x0  }
0x407: {  	[sflag:s16] =	ssyncadd.s32 $0xFFFFCE00  }
0x408: {  	_ =	swait.ge [sflag:s21], $0x3200  }
0x409: {  	[sflag:s21] =	ssyncset.done $0x0  }
0x40a: {  	[sflag:s21] =	ssyncadd.s32 $0xFFFFCE00  }
0x40b: {  	_ =	swait.ge [sflag:s21], $0x3200  }
0x40c: {  	[sflag:s21] =	ssyncset.done $0x0  }
0x40d: {  	[sflag:s21] =	ssyncadd.s32 $0xFFFFCE00  }
0x40e: {  	_ =	swait.ge [sflag:s21], $0x3200  }
0x40f: {  	[sflag:s21] =	ssyncset.done $0x0  }
0x410: {  	s23 =	simm.s32 $0x0;
	[sflag:s21] =	ssyncadd.s32 $0xFFFFCE00  }
0x411: {  	v0 =	vld [tilespmem:s23+$0x34F0]  }
0x412: {  	v1 =	vld [tilespmem:s23+$0x3480]  }
0x413: {  	v2 =	vld [tilespmem:s23+$0x3490]  }
0x414: {  	v6 =	vld [tilespmem:s23+$0x34D0]  }
0x415: {  	v3 =	vld [tilespmem:s23+$0x34A0]  }
0x416: {  	v4 =	vld [tilespmem:s23+$0x34B0];
	v0 =	vmul.u32 $0x30, v0  }
0x417: {  	v5 =	vld [tilespmem:s23+$0x34C0];
	v1 =	vmul.u32 $0x30, v1  }
0x418: {  	v8 =	vld [tilespmem:s23+$0x34E0];
	v2 =	vmul.u32 $0x30, v2;
	v7 =	vor.u32 v15, v0  }
0x419: {  	v6 =	vmul.u32 $0x30, v6;
	v9 =	vor.u32 v15, v1  }
0x41a: {  	s24 =	simm.s32 $0x80;
	v3 =	vmul.u32 $0x30, v3;
	v10 =	vor.u32 v15, v2  }
0x41b: {  	v61 =	vld [tilespmem:s24+$0x34F0];
	v4 =	vmul.u32 $0x30, v4;
	v14 =	vor.u32 v15, v6  }
0x41c: {  	v62 =	vld [tilespmem:s24+$0x34D0];
	v5 =	vmul.u32 $0x30, v5;
	v11 =	vor.u32 v15, v3  }
0x41d: {  	v8 =	vmul.u32 $0x30, v8;
	v12 =	vor.u32 v15, v4;
	v7 =	vld.idx.msk [tilespmem:v7+s11+$0x0], $0xffff  }
0x41e: {  	v13 =	vor.u32 v15, v5;
	v9 =	vld.idx.msk [tilespmem:v9+s11+$0x0], $0xffff  }
0x41f: {  	v18 =	vor.u32 v15, v8;
	v10 =	vld.idx.msk [tilespmem:v10+s11+$0x0], $0xffff  }
0x420: {  	v14 =	vld.idx.msk [tilespmem:v14+s11+$0x0], $0xffff  }
0x421: {  	v17 =	vadd.s32 v51, v0;
	v11 =	vld.idx.msk [tilespmem:v11+s11+$0x0], $0xffff  }
0x422: {  	v19 =	vadd.s32 v51, v1;
	v12 =	vld.idx.msk [tilespmem:v12+s11+$0x0], $0xffff  }
0x423: {  	v20 =	vadd.s32 v51, v2;
	v13 =	vld.idx.msk [tilespmem:v13+s11+$0x0], $0xffff  }
0x424: {  	v21 =	vadd.s32 v51, v3;
	v56 =	vld.idx.msk [tilespmem:v18+s11+$0x0], $0xffff;
	[tilespmem:s23+$0xFCF0] =	vst v7  }
0x425: {  	v55 =	vadd.s32 v51, v4;
	[tilespmem:s23+$0xFCD0] =	vst v14;
	v14 =	vld [tilespmem:s24+$0x3490]  }
0x426: {  	v22 =	vadd.s32 v51, v5;
	[tilespmem:s23+$0xFC80] =	vst v9;
	v17 =	vld.idx.msk [tilespmem:v17+s11+$0x0], $0xffff  }
0x427: {  	v18 =	vadd.s32 v51, v6;
	[tilespmem:s23+$0xFC90] =	vst v10;
	v57 =	vld.idx.msk [tilespmem:v19+s11+$0x0], $0xffff  }
0x428: {  	[tilespmem:s23+$0xFCA0] =	vst v11;
	v58 =	vld.idx.msk [tilespmem:v20+s11+$0x0], $0xffff  }
0x429: {  	[tilespmem:s23+$0xFCB0] =	vst v12;
	v19 =	vadd.s32 v51, v8;
	v12 =	vld.idx.msk [tilespmem:v21+s11+$0x0], $0xffff  }
0x42a: {  	[tilespmem:s23+$0xFCC0] =	vst v13;
	v7 =	vld.idx.msk [tilespmem:v55+s11+$0x0], $0xffff  }
0x42b: {  	v13 =	vld.idx.msk [tilespmem:v22+s11+$0x0], $0xffff  }
0x42c: {  	v59 =	vld.idx.msk [tilespmem:v18+s11+$0x0], $0xffff  }
0x42d: {  	[tilespmem:s23+$0xFCE0] =	vst v56;
	v18 =	vld [tilespmem:s24+$0x34B0]  }
0x42e: {  	v0 =	vadd.s32 v52, v0;
	v60 =	vld.idx.msk [tilespmem:v19+s11+$0x0], $0xffff  }
0x42f: {  	v1 =	vadd.s32 v52, v1;
	[tilespmem:s23+$0x12EA0] =	vst v12;
	v12 =	vld [tilespmem:s24+$0x3480]  }
0x430: {  	v2 =	vadd.s32 v52, v2;
	[tilespmem:s23+$0x12EF0] =	vst v17;
	v17 =	vld [tilespmem:s24+$0x34A0]  }
0x431: {  	v3 =	vadd.s32 v52, v3;
	v19 =	vld [tilespmem:s24+$0x34C0]  }
0x432: {  	v4 =	vadd.s32 v52, v4;
	[tilespmem:s23+$0x12EB0] =	vst v7;
	v7 =	vmul.u32 $0x30, v14;
	v14 =	vld [tilespmem:s24+$0x34E0]  }
0x433: {  	v5 =	vadd.s32 v52, v5;
	v11 =	vmul.u32 $0x30, v61;
	[tilespmem:s23+$0x12E80] =	vst v57;
	v0 =	vld.idx.msk [tilespmem:v0+s11+$0x0], $0xffff  }
0x434: {  	v6 =	vadd.s32 v52, v6;
	[tilespmem:s23+$0x12E90] =	vst v58;
	v1 =	vld.idx.msk [tilespmem:v1+s11+$0x0], $0xffff  }
0x435: {  	v63 =	vor.u32 v15, v11;
	v2 =	vld.idx.msk [tilespmem:v2+s11+$0x0], $0xffff  }
0x436: {  	v8 =	vadd.s32 v52, v8;
	v18 =	vmul.u32 $0x30, v18;
	v3 =	vld.idx.msk [tilespmem:v3+s11+$0x0], $0xffff  }
0x437: {  	[tilespmem:s23+$0x12EC0] =	vst v13;
	v4 =	vld.idx.msk [tilespmem:v4+s11+$0x0], $0xffff;
	v57 =	vor.u32 v15, v7;
	v12 =	vmul.u32 $0x30, v12  }
0x438: {  	[tilespmem:s23+$0x12ED0] =	vst v59;
	v53 =	vld.idx.msk [tilespmem:v5+s11+$0x0], $0xffff;
	v59 =	vor.u32 v15, v18;
	v17 =	vmul.u32 $0x30, v17  }
0x439: {  	v54 =	vld.idx.msk [tilespmem:v6+s11+$0x0], $0xffff;
	v10 =	vmul.u32 $0x30, v19;
	v13 =	vor.u32 v15, v12  }
0x43a: {  	v61 =	vld.idx.msk [tilespmem:v63+s11+$0x0], $0xffff;
	[tilespmem:s23+$0x12EE0] =	vst v60;
	v14 =	vmul.u32 $0x30, v14;
	v58 =	vor.u32 v15, v17  }
0x43b: {  	v55 =	vld.idx.msk [tilespmem:v8+s11+$0x0], $0xffff;
	[tilespmem:s23+$0x16080] =	vst v1;
	v60 =	vor.u32 v15, v10  }
0x43c: {  	v19 =	vmul.u32 $0x30, v62;
	[tilespmem:s23+$0x16090] =	vst v2;
	v1 =	vld.idx.msk [tilespmem:v57+s11+$0x0], $0xffff;
	v2 =	vor.u32 v15, v14  }
0x43d: {  	v63 =	vadd.s32 v51, v7;
	v6 =	vld.idx.msk [tilespmem:v59+s11+$0x0], $0xffff  }
0x43e: {  	[tilespmem:s23+$0x160F0] =	vst v0;
	v0 =	vld.idx.msk [tilespmem:v13+s11+$0x0], $0xffff;
	v13 =	vor.u32 v15, v19  }
0x43f: {  	v62 =	vadd.s32 v51, v11;
	[tilespmem:s23+$0x160A0] =	vst v3;
	v5 =	vld.idx.msk [tilespmem:v58+s11+$0x0], $0xffff  }
0x440: {  	[tilespmem:s23+$0x160B0] =	vst v4;
	v3 =	vadd.s32 v51, v12;
	v8 =	vld.idx.msk [tilespmem:v60+s11+$0x0], $0xffff  }
0x441: {  	v57 =	vadd.s32 v51, v18;
	[tilespmem:s24+$0xFC90] =	vst v1;
	v1 =	vld.idx.msk [tilespmem:v2+s11+$0x0], $0xffff  }
0x442: {  	[tilespmem:s24+$0xFCF0] =	vst v61;
	v56 =	vadd.s32 v51, v17;
	v21 =	vld.idx.msk [tilespmem:v63+s11+$0x0], $0xffff  }
0x443: {  	v58 =	vadd.s32 v51, v10;
	[tilespmem:s24+$0xFCB0] =	vst v6;
	v13 =	vld.idx.msk [tilespmem:v13+s11+$0x0], $0xffff  }
0x444: {  	v22 =	vadd.s32 v51, v14;
	[tilespmem:s24+$0xFC80] =	vst v0;
	v0 =	vld.idx.msk [tilespmem:v62+s11+$0x0], $0xffff  }
0x445: {  	[tilespmem:s24+$0xFCA0] =	vst v5;
	v2 =	vld.idx.msk [tilespmem:v3+s11+$0x0], $0xffff;
	v3 =	vadd.s32 v52, v11  }
0x446: {  	v59 =	vadd.s32 v51, v19;
	v23 =	vadd.s32 v52, v12;
	v12 =	vld.idx.msk [tilespmem:v57+s11+$0x0], $0xffff;
	[tilespmem:s24+$0xFCC0] =	vst v8  }
0x447: {  	v7 =	vadd.s32 v52, v7;
	[tilespmem:s24+$0xFCE0] =	vst v1;
	v4 =	vld.idx.msk [tilespmem:v56+s11+$0x0], $0xffff  }
0x448: {  	v61 =	vld.idx.msk [tilespmem:v58+s11+$0x0], $0xffff;
	[tilespmem:s24+$0x12E90] =	vst v21  }
0x449: {  	v60 =	vadd.s32 v52, v17;
	[tilespmem:s24+$0x12EF0] =	vst v0;
	v0 =	vld.idx.msk [tilespmem:v22+s11+$0x0], $0xffff  }
0x44a: {  	[tilespmem:s24+$0xFCD0] =	vst v13;
	v62 =	vld.idx.msk [tilespmem:v3+s11+$0x0], $0xffff  }
0x44b: {  	[tilespmem:s24+$0x12EB0] =	vst v12;
	v63 =	vld.idx.msk [tilespmem:v59+s11+$0x0], $0xffff  }
0x44c: {  	v57 =	vadd.s32 v52, v19;
	v58 =	vadd.s32 v52, v10;
	[tilespmem:s24+$0x12E80] =	vst v2;
	v2 =	vld.idx.msk [tilespmem:v7+s11+$0x0], $0xffff  }
0x44d: {  	s25 =	simm.s32 $0x8;
	s26 =	simm.s32 $0x400;
	v56 =	vadd.s32 v52, v14;
	v59 =	vadd.s32 v52, v18;
	[tilespmem:s24+$0x12EA0] =	vst v4;
	v1 =	vld.idx.msk [tilespmem:v23+s11+$0x0], $0xffff  }
.LBB2_16:
0x44e: {  	s28 =	sshra.s32 s26, $0x2;
	s25 =	sadd.s32 $0x8, s25;
	v3 =	vld.idx.msk [tilespmem:v60+s11+$0x0], $0xffff;
	[tilespmem:s24+$0x12EC0] =	vst v61  }
0x44f: {  	v4 =	vld [tilespmem:s28+$0x34F0];
	p0 =	slt.u32 s25, $0x318;
	[tilespmem:s24+$0x160F0] =	vst v62  }
0x450: {  	v5 =	vld [tilespmem:s28+$0x3480];
	[tilespmem:s24+$0x12ED0] =	vst v63  }
0x451: {  	v6 =	vld [tilespmem:s28+$0x3490];
	[tilespmem:s24+$0x12EE0] =	vst v0  }
0x452: {  	v0 =	vld [tilespmem:s28+$0x34A0];
	[tilespmem:s24+$0x16080] =	vst v1  }
0x453: {  	v1 =	vld [tilespmem:s28+$0x34B0];
	[tilespmem:s24+$0x16090] =	vst v2  }
0x454: {  	v2 =	vld [tilespmem:s28+$0x34C0];
	v4 =	vmul.u32 $0x30, v4;
	[tilespmem:s24+$0x160A0] =	vst v3  }
0x455: {  	v3 =	vmul.u32 $0x30, v5;
	v5 =	vld [tilespmem:s28+$0x34D0];
	[tilespmem:s23+$0x160C0] =	vst v53  }
0x456: {  	v6 =	vmul.u32 $0x30, v6;
	v7 =	vld [tilespmem:s28+$0x34E0];
	v8 =	vor.u32 v15, v4;
	[tilespmem:s23+$0x160D0] =	vst v54  }
0x457: {  	v9 =	vor.u32 v15, v3;
	v10 =	vadd.s32 v51, v3;
	v0 =	vmul.u32 $0x30, v0;
	v11 =	vld.idx.msk [tilespmem:v59+s11+$0x0], $0xffff;
	[tilespmem:s23+$0x160E0] =	vst v55;
	s23 =	smov.u32 s24;
	s24 =	smov.u32 s28  }
0x458: {  	v12 =	vor.u32 v15, v6;
	v13 =	vadd.s32 v51, v6;
	v1 =	vmul.u32 $0x30, v1;
	v53 =	vld.idx.msk [tilespmem:v58+s11+$0x0], $0xffff  }
0x459: {  	v14 =	vor.u32 v15, v0;
	v17 =	vadd.s32 v51, v0;
	v2 =	vmul.u32 $0x30, v2;
	v54 =	vld.idx.msk [tilespmem:v57+s11+$0x0], $0xffff  }
0x45a: {  	v18 =	vor.u32 v15, v1;
	v19 =	vadd.s32 v51, v1;
	v5 =	vmul.u32 $0x30, v5;
	v55 =	vld.idx.msk [tilespmem:v56+s11+$0x0], $0xffff  }
0x45b: {  	v20 =	vor.u32 v15, v2;
	v21 =	vadd.s32 v51, v2;
	v7 =	vmul.u32 $0x30, v7;
	v8 =	vld.idx.msk [tilespmem:v8+s11+$0x0], $0xffff  }
0x45c: {  	v3 =	vadd.s32 v52, v3;
	v9 =	vld.idx.msk [tilespmem:v9+s11+$0x0], $0xffff;
	v22 =	vor.u32 v15, v5;
	v23 =	vadd.s32 v51, v5  }
0x45d: {  	v61 =	vadd.s32 v51, v4;
	v12 =	vld.idx.msk [tilespmem:v12+s11+$0x0], $0xffff;
	v24 =	vor.u32 v15, v7;
	v25 =	vadd.s32 v51, v7  }
0x45e: {  	v6 =	vadd.s32 v52, v6;
	v60 =	vadd.s32 v52, v0;
	v59 =	vadd.s32 v52, v1;
	v14 =	vld.idx.msk [tilespmem:v14+s11+$0x0], $0xffff  }
0x45f: {  	v58 =	vadd.s32 v52, v2;
	v57 =	vadd.s32 v52, v5;
	v56 =	vadd.s32 v52, v7;
	v0 =	vld.idx.msk [tilespmem:v18+s11+$0x0], $0xffff  }
0x460: {  	v1 =	vld.idx.msk [tilespmem:v20+s11+$0x0], $0xffff;
	[tilespmem:s23+$0x160B0] =	vst v11  }
0x461: {  	v2 =	vld.idx.msk [tilespmem:v22+s11+$0x0], $0xffff;
	[tilespmem:s24+$0xFCF0] =	vst v8  }
0x462: {  	[tilespmem:s24+$0xFC80] =	vst v9;
	v5 =	vld.idx.msk [tilespmem:v61+s11+$0x0], $0xffff  }
0x463: {  	[tilespmem:s24+$0xFC90] =	vst v12;
	v7 =	vld.idx.msk [tilespmem:v24+s11+$0x0], $0xffff  }
0x464: {  	v4 =	vadd.s32 v52, v4;
	v8 =	vld.idx.msk [tilespmem:v10+s11+$0x0], $0xffff;
	[tilespmem:s24+$0xFCA0] =	vst v14  }
0x465: {  	v9 =	vld.idx.msk [tilespmem:v13+s11+$0x0], $0xffff;
	[tilespmem:s24+$0xFCB0] =	vst v0  }
0x466: {  	v10 =	vld.idx.msk [tilespmem:v17+s11+$0x0], $0xffff;
	[tilespmem:s24+$0xFCC0] =	vst v1  }
0x467: {  	v11 =	vld.idx.msk [tilespmem:v19+s11+$0x0], $0xffff;
	[tilespmem:s24+$0xFCD0] =	vst v2  }
0x468: {  	v61 =	vld.idx.msk [tilespmem:v21+s11+$0x0], $0xffff;
	[tilespmem:s24+$0x12EF0] =	vst v5  }
.Ltmp7:
0x469: {  	[tilespmem:s24+$0xFCE0] =	vst v7;
	v62 =	vld.idx.msk [tilespmem:v4+s11+$0x0], $0xffff;
	(pc) =	sbr.rel @p0 .LBB2_16-.Ltmp7, $4  }
0x46a: {  	[tilespmem:s24+$0x12E80] =	vst v8;
	v63 =	vld.idx.msk [tilespmem:v23+s11+$0x0], $0xffff  }
0x46b: {  	[tilespmem:s24+$0x12E90] =	vst v9;
	v0 =	vld.idx.msk [tilespmem:v25+s11+$0x0], $0xffff  }
0x46c: {  	v1 =	vld.idx.msk [tilespmem:v3+s11+$0x0], $0xffff;
	[tilespmem:s24+$0x12EA0] =	vst v10  }
0x46d: {  	s26 =	sadd.s32 $0x200, s26;
	v2 =	vld.idx.msk [tilespmem:v6+s11+$0x0], $0xffff;
	[tilespmem:s24+$0x12EB0] =	vst v11  }
0x46e: {  	[tilespmem:s24+$0x12EC0] =	vst v61  }
0x46f: {  	[tilespmem:s24+$0x160F0] =	vst v62  }
0x470: {  	[tilespmem:s23+$0x160C0] =	vst v53  }
0x471: {  	[tilespmem:s23+$0x160D0] =	vst v54  }
0x472: {  	v3 =	vld.idx.msk [tilespmem:v60+s11+$0x0], $0xffff;
	[tilespmem:s23+$0x160E0] =	vst v55  }
0x473: {  	v60 =	vld.idx.msk [tilespmem:v59+s11+$0x0], $0xffff;
	[tilespmem:s24+$0x12ED0] =	vst v63  }
0x474: {  	v61 =	vld.idx.msk [tilespmem:v58+s11+$0x0], $0xffff;
	[tilespmem:s24+$0x12EE0] =	vst v0  }
0x475: {  	v62 =	vld.idx.msk [tilespmem:v57+s11+$0x0], $0xffff;
	[tilespmem:s24+$0x16080] =	vst v1  }
0x476: {  	v63 =	vld.idx.msk [tilespmem:v56+s11+$0x0], $0xffff;
	[tilespmem:s24+$0x16090] =	vst v2  }
0x477: {  	[tilespmem:s24+$0x160A0] =	vst v3  }
0x478: {  	[tilespmem:s24+$0x160B0] =	vst v60  }
0x479: {  	[tilespmem:s24+$0x160C0] =	vst v61  }
0x47a: {  	[tilespmem:s24+$0x160D0] =	vst v62  }
0x47b: {  	[tilespmem:s24+$0x160E0] =	vst v63  }
0x47c: {  	s23 =	rddreg [dreg:$0x17]  }
0x47d: {  	[hbm4b:s23+s2] =	stream.linear.scatter [tilespmem:s17], [sflag:$0x4], $0x3200, $0x38;
	[tilespmem:$0x19280] =	vst v63  }
0x47e: {  	_ = 	snop  }
0x47f: {  	[hbm4b:s5+s2] =	stream.linear.scatter [tilespmem:s18], [sflag:$0x4], $0x3200, $0x38;
	[tilespmem:$0x19280] =	vst v63  }
0x480: {  	_ = 	snop  }
0x481: {  	[hbm4b:s7+s2] =	stream.linear.scatter [tilespmem:s19], [sflag:$0x4], $0x3200, $0x38;
	[tilespmem:$0x19280] =	vst v63  }
0x482: {  	_ =	swait.ge [sflag:s20], $0x3200  }
0x483: {  	[sflag:s20] =	ssyncset.done $0x0  }
0x484: {  	[sflag:s20] =	ssyncadd.s32 $0xFFFFCE00  }
0x485: {  	_ =	swait.ge [sflag:s20], $0x3200  }
0x486: {  	[sflag:s20] =	ssyncset.done $0x0  }
0x487: {  	[sflag:s20] =	ssyncadd.s32 $0xFFFFCE00  }
0x488: {  	_ =	swait.ge [sflag:s20], $0x3200  }
0x489: {  	[sflag:s20] =	ssyncset.done $0x0  }
0x48a: {  	[sflag:s20] =	ssyncadd.s32 $0xFFFFCE00  }
0x48b: {  	_ =	swait.ge [sflag:s21], $0x3200  }
0x48c: {  	[sflag:s21] =	ssyncset.done $0x0  }
0x48d: {  	[sflag:s21] =	ssyncadd.s32 $0xFFFFCE00  }
0x48e: {  	_ =	swait.ge [sflag:s21], $0x3200  }
0x48f: {  	[sflag:s21] =	ssyncset.done $0x0  }
0x490: {  	[sflag:s21] =	ssyncadd.s32 $0xFFFFCE00  }
0x491: {  	_ =	swait.ge [sflag:s21], $0x3200  }
0x492: {  	s22 =	sadd.s32 $0x1, s22;
	s28 =	rddreg [dreg:$0x19]  }
0x493: {  	p0 =	sne.s32 s22, s28  }
.Ltmp8:
0x494: {  	_ = 	snop;
	(pc) =	sbr.rel @p0 .LBB2_1-.Ltmp8, $3  }
0x495: {  	_ =	sdelay $0x1  }
0x496: {  	[sflag:s21] =	ssyncset.done $0x0  }
0x497: {  	[sflag:s21] =	ssyncadd.s32 $0xFFFFCE00  }
0x498: {  	_ =	sfence.sel $0x180000  }
0x499: {  	[bflag:$0x0] =	sbarrier.arrive $0xFFFF  }
0x49a: {  	_ =	strace $0x90000047  }
0x49b: {  	s0 =	stileid.u32;
	[bflag:$0x2] =	sbarrier.arrive $0xFFFF  }
0x49c: {  	p0 =	sne.s32 s0, $0x0;
	s0 =	rddreg [dreg:$0x3]  }
0x49d: {  	s0 =	sadd.s32 @!p0 $0x100000, s0  }
0x49e: {  	[sflag:s0] =	ssyncadd.tile.s32 @!p0 $0x1;
	_ =	shalt  }
.Lfunc_end2:
_tile_overlayer_lowered:
.L_overlay_start_2:
0x49f: {  	(tag) =	ssettag $0x2  }
0x4a0: {  	s0 =	rddreg [dreg:$0x0];
	s2 =	stileid.u32  }
0x4a1: {  	s1 =	rddreg [dreg:$0x1];
	p0 =	sne.s32 s2, $0x0  }
0x4a2: {  	s3 =	rddreg [dreg:$0x2];
	[bflag:$0x3] =	sbarrier.arrive $0xFFFF;
	s2 =	simm.s32 @!p0 $0x1C05  }
0x4a3: {  	[timem:s3], [sflag:s2] =	dma.local @!p0 [hbm:s0], s1  }
0x4a4: {  	s0 =	simm.s32 @!p0 $0x5  }
0x4a5: {  	_ =	swait.ge @!p0 [sflag:s0], s1  }
0x4a6: {  	s1 =	ssub.s32 @!p0 $0x0, s1;
	[sflag:s0] =	ssyncset.done @!p0 $0x0  }
0x4a7: {  	[sflag:s0] =	ssyncadd.s32 @!p0 s1  }
0x4a8: {  	[bflag:$0x3] =	sbarrier.arrive $0xFFFF  }
0x4a9: {  	_ =	shalt  }

</sc_bundles>
